<compile_context>
chip_gen: v7x
topology: tpu7x:2x2x1
jax: 0.10.2.dev20260603
libtpu: 0.0.44.dev20260713+nightly
codegen_flags: <defaults>
</compile_context>

<pallas_src>
import functools

import jax
import jax.numpy as jnp
from jax import lax
from jax.experimental import pallas as pl
from jax.experimental.pallas import tpu as pltpu
from jax.experimental.pallas import tpu_sc as plsc

R, C, D, B = 1000, 8, 128, 16384
GW = 2 * C * D + 16
LOG_OFF = 2 * C * D
RP = 1024

NC, NS, L = 2, 16, 16
NW = NC * NS
RPW = RP // NW
BPW = B // NW
NE = 16

_LN2 = 0.6931471805599453


def _vlog(x):
  bits = plsc.bitcast(x, jnp.int32)
  e = jnp.right_shift(bits, 23) - 127
  m = plsc.bitcast(
      jnp.bitwise_or(jnp.bitwise_and(bits, 0x007FFFFF), 0x3F800000),
      jnp.float32)
  big = m > 1.4142135623730951
  m = jnp.where(big, m * 0.5, m)
  e = jnp.where(big, e + 1, e)
  s = (m - 1.0) / (m + 1.0)
  s2 = s * s
  p = 2.0 * s * (1.0 + s2 * (1.0 / 3.0 + s2 * (0.2 + s2 * (1.0 / 7.0))))
  return e.astype(jnp.float32) * _LN2 + p


def _sc_fused(idx, tab):
  mesh = plsc.VectorSubcoreMesh(core_axis_name="c", subcore_axis_name="s")

  @functools.partial(
      pl.kernel,
      out_type=[
          jax.ShapeDtypeStruct((B, D), jnp.float32),
          jax.ShapeDtypeStruct((B, D), jnp.float32),
      ],
      mesh=mesh,
      compiler_params=pltpu.CompilerParams(use_tc_tiling_on_sc=False,
                                           needs_layout_passes=False),
      scratch_types=[
          pltpu.VMEM((B,), jnp.int32),
          pltpu.VMEM((RPW, GW), jnp.float32),
          pltpu.VMEM((1, GW), jnp.float32),
          pltpu.VMEM((B + L,), jnp.int32),
          pltpu.VMEM((B + L,), jnp.int32),
          pltpu.VMEM((BPW + L,), jnp.int32),
          pltpu.VMEM((NE, D), jnp.float32),
          pltpu.VMEM((NE, D), jnp.float32),
          pltpu.VMEM((NE, D), jnp.float32),
          pltpu.VMEM((NE, D), jnp.float32),
          pltpu.VMEM((NE, D), jnp.float32),
          pltpu.VMEM((NE, D), jnp.float32),
          pltpu.VMEM((1, L), jnp.int32),
          pltpu.VMEM((1, L), jnp.int32),
          pltpu.SemaphoreType.DMA,
          pltpu.SemaphoreType.DMA,
      ],
  )
  def k(idx_hbm, tab_hbm, mu_hbm, lv_hbm,
        idx_v, ltab, ubuf, blist, rlist, ulist,
        omu0, olv0, omu1, olv1, umu, ulv, bidx0, bidx1, sem0, sem1):
    wid = lax.axis_index("s") * NC + lax.axis_index("c")
    lo = wid * RPW
    hi = jnp.minimum(lo + RPW, R)
    rows = lax.iota(jnp.int32, L)

    pltpu.sync_copy(idx_hbm, idx_v)
    pltpu.sync_copy(tab_hbm.at[pl.ds(lo, RPW)], ltab)
    pltpu.sync_copy(tab_hbm.at[pl.ds(R, 1)], ubuf)

    def scan_seen(i, off):
      v = idx_v[pl.ds(i * L, L)]
      m = jnp.logical_and(v >= lo, v < hi)
      plsc.store_compressed(blist.at[pl.ds(off, L)], rows + i * L, mask=m)
      plsc.store_compressed(rlist.at[pl.ds(off, L)], v - lo, mask=m)
      return off + plsc.all_reduce_population_count(m)[0]

    cnt = lax.fori_loop(0, B // L, scan_seen, 0)
    blist[pl.ds(cnt, L)] = plsc.load_gather(
        blist, [jnp.zeros((L,), jnp.int32)])
    rlist[pl.ds(cnt, L)] = plsc.load_gather(
        rlist, [jnp.zeros((L,), jnp.int32)])

    ubase = wid * BPW
    def scan_unseen(i, off):
      v = idx_v[pl.ds(ubase + i * L, L)]
      m = v == R
      plsc.store_compressed(ulist.at[pl.ds(off, L)], rows + ubase + i * L,
                             mask=m)
      return off + plsc.all_reduce_population_count(m)[0]

    ucnt = lax.fori_loop(0, BPW // L, scan_unseen, 0)
    ulist[pl.ds(ucnt, L)] = plsc.load_gather(
        ulist, [jnp.zeros((L,), jnp.int32)])

    def moments(src, rl, dst_mu, dst_lv):
      ls = [plsc.load_gather(src, [rl, jnp.full((L,), LOG_OFF + c,
                                                jnp.int32)])
            for c in range(C)]
      mx = ls[0]
      for c in range(1, C):
        mx = jnp.maximum(mx, ls[c])
      es = [jnp.exp(l - mx) for l in ls]
      tot = es[0]
      for c in range(1, C):
        tot = tot + es[c]
      inv = 1.0 / tot
      ws = [e * inv for e in es]

      def dstep(dd, carry):
        dvec = jnp.bitwise_and(rows + dd, D - 1)
        mu_acc = jnp.zeros((L,), jnp.float32)
        sm_acc = jnp.zeros((L,), jnp.float32)
        for c in range(C):
          mu_cd = plsc.load_gather(
              src, [rl, jnp.full((L,), c * D, jnp.int32) + dvec])
          lv_cd = plsc.load_gather(
              src, [rl, jnp.full((L,), C * D + c * D, jnp.int32) + dvec])
          mu_acc = mu_acc + ws[c] * mu_cd
          sm_acc = sm_acc + ws[c] * (jnp.exp(lv_cd) + mu_cd * mu_cd)
        var = jnp.maximum(sm_acc - mu_acc * mu_acc, 1e-6)
        plsc.store_scatter(dst_mu, [rows, dvec], mu_acc)
        plsc.store_scatter(dst_lv, [rows, dvec], _vlog(var))
        return carry

      lax.fori_loop(0, D, dstep, 0)

    moments(ubuf, jnp.zeros((L,), jnp.int32), umu, ulv)

    slots = ((omu0, olv0, bidx0, sem0), (omu1, olv1, bidx1, sem1))

    def fire(dst_mu, dst_lv, bidx, sem, pos_list, j):
      bidx[0] = pos_list[pl.ds(j * L, L)]
      pltpu.async_copy(dst_mu, mu_hbm.at[bidx.at[0]], sem)
      pltpu.async_copy(dst_lv, lv_hbm.at[bidx.at[0]], sem)

    def drain(dst_mu, dst_lv, bidx, sem):
      pltpu.make_async_copy(dst_mu, mu_hbm.at[bidx.at[0]], sem).wait()
      pltpu.make_async_copy(dst_lv, lv_hbm.at[bidx.at[0]], sem).wait()

    nch = (cnt + L - 1) // L

    def seen_pair(o, carry):
      for s in range(2):
        j = o * 2 + s
        dst_mu, dst_lv, bidx, sem = slots[s]

        @pl.when(j < nch)
        def _():
          @pl.when(j >= 2)
          def _():
            drain(dst_mu, dst_lv, bidx, sem)
          rl = rlist[pl.ds(j * L, L)]
          moments(ltab, rl, dst_mu, dst_lv)
          fire(dst_mu, dst_lv, bidx, sem, blist, j)
      return carry

    lax.fori_loop(0, (nch + 1) // 2, seen_pair, 0)
    for s in range(2):
      dst_mu, dst_lv, bidx, sem = slots[s]

      @pl.when(nch > s)
      def _():
        drain(dst_mu, dst_lv, bidx, sem)

    nuch = (ucnt + L - 1) // L

    def unseen_pair(o, carry):
      for s in range(2):
        j = o * 2 + s
        _, _, bidx, sem = slots[s]

        @pl.when(j < nuch)
        def _():
          @pl.when(j >= 2)
          def _():
            drain(umu, ulv, bidx, sem)
          fire(umu, ulv, bidx, sem, ulist, j)
      return carry

    lax.fori_loop(0, (nuch + 1) // 2, unseen_pair, 0)
    for s in range(2):
      _, _, bidx, sem = slots[s]

      @pl.when(nuch > s)
      def _():
        drain(umu, ulv, bidx, sem)

  return k(idx, tab)


def kernel(regime_id, regime_seen_mask, logits_emb, mu_emb, logvar_emb,
           logits_unknown, mu_unknown, logvar_unknown):
  rid = jnp.clip(regime_id, 0, R - 1).astype(jnp.int32)
  idx = jnp.where(regime_seen_mask, rid, R).astype(jnp.int32)
  pad = jnp.full((R + 1, GW - LOG_OFF - C), -1e30, jnp.float32)
  tab = jnp.concatenate([
      jnp.concatenate([mu_emb, mu_unknown.reshape(1, C * D)], 0),
      jnp.concatenate([logvar_emb, logvar_unknown.reshape(1, C * D)], 0),
      jnp.concatenate([logits_emb, logits_unknown.reshape(1, C)], 0),
      pad,
  ], axis=1)
  tab = jnp.concatenate(
      [tab, jnp.zeros((RP - (R + 1), GW), jnp.float32)], axis=0)
  mu, logvar = _sc_fused(idx, tab)
  return (mu, logvar)

# --- scband reference (transcript-rebuilt; emitter-appended) ---
"""Pipeline reference for scband-gmmsexogenous-prior-39530878992918 (READ-ONLY COPY).

The authoritative reference and input builder live on the scoring server;
editing this copy changes nothing except your own understanding.
"""

import jax, jax.numpy as jnp
import numpy as np

R, C, D, B = 1000, 8, 128, 16384

def setup_inputs(seed: int = 0) -> dict:
    key = jax.random.key(seed)
    ks = jax.random.split(key, 8)
    regime_id = jax.random.randint(ks[0], (B,), 0, R, dtype=jnp.int32)
    regime_seen_mask = jax.random.randint(ks[1], (B,), 0, 2, dtype=jnp.int32).astype(jnp.bool_)
    logits_emb = jax.random.normal(ks[2], (R, C), dtype=jnp.float32) * 0.02
    mu_emb = jax.random.normal(ks[3], (R, C * D), dtype=jnp.float32) * 0.02
    logvar_emb = jax.random.normal(ks[4], (R, C * D), dtype=jnp.float32) * 0.02
    logits_unknown = jnp.zeros((C,), dtype=jnp.float32)
    mu_unknown = jnp.zeros((C, D), dtype=jnp.float32)
    logvar_unknown = jnp.zeros((C, D), dtype=jnp.float32)
    return {
        'regime_id': regime_id,
        'regime_seen_mask': regime_seen_mask,
        'logits_emb': logits_emb,
        'mu_emb': mu_emb,
        'logvar_emb': logvar_emb,
        'logits_unknown': logits_unknown,
        'mu_unknown': mu_unknown,
        'logvar_unknown': logvar_unknown,
    }

def reference(regime_id, regime_seen_mask, logits_emb, mu_emb, logvar_emb, logits_unknown, mu_unknown, logvar_unknown):
    rid = jnp.clip(regime_id, 0, R - 1)
    logits_seen = jnp.take(logits_emb, rid, axis=0)
    mu_seen = jnp.take(mu_emb, rid, axis=0).reshape(-1, C, D)
    logvar_seen = jnp.take(logvar_emb, rid, axis=0).reshape(-1, C, D)
    mask = regime_seen_mask.astype(jnp.bool_)
    logits = jnp.where(mask[:, None], logits_seen, logits_unknown[None, :])
    mu_components = jnp.where(mask[:, None, None], mu_seen, mu_unknown[None, :, :])
    logvar_components = jnp.where(mask[:, None, None], logvar_seen, logvar_unknown[None, :, :])
    weights = jax.nn.softmax(logits, axis=-1)[..., None]
    mu = jnp.sum(weights * mu_components, axis=1)
    second_moment = jnp.sum(weights * (jnp.exp(logvar_components) + mu_components ** 2), axis=1)
    var = jnp.clip(second_moment - mu ** 2, 1e-06, None)
    logvar = jnp.log(var)
    return (mu, logvar)

if __name__ == "__main__":
    import jax
    _d = setup_inputs()
    print(jax.jit(kernel)(*tuple(_d.values())))

</pallas_src>

<mosaic_0001>
#map = affine_map<(d0, d1) -> (0)>
#map1 = affine_map<(d0, d1) -> (0, 0)>
module attributes {stable_mosaic.version = 14 : i64} {
  func.func @k(%arg0: i32, %arg1: i32, %arg2: memref<16384xi32, #tpu.memory_space<hbm>>, %arg3: memref<1024x2064xf32, #tpu.memory_space<hbm>>, %arg4: memref<16384x128xf32, #tpu.memory_space<hbm>>, %arg5: memref<16384x128xf32, #tpu.memory_space<hbm>>, %arg6: memref<16384xi32, #tpu.memory_space<vmem>>, %arg7: memref<32x2064xf32, #tpu.memory_space<vmem>>, %arg8: memref<1x2064xf32, #tpu.memory_space<vmem>>, %arg9: memref<16400xi32, #tpu.memory_space<vmem>>, %arg10: memref<16400xi32, #tpu.memory_space<vmem>>, %arg11: memref<528xi32, #tpu.memory_space<vmem>>, %arg12: memref<16x128xf32, #tpu.memory_space<vmem>>, %arg13: memref<16x128xf32, #tpu.memory_space<vmem>>, %arg14: memref<16x128xf32, #tpu.memory_space<vmem>>, %arg15: memref<16x128xf32, #tpu.memory_space<vmem>>, %arg16: memref<16x128xf32, #tpu.memory_space<vmem>>, %arg17: memref<16x128xf32, #tpu.memory_space<vmem>>, %arg18: memref<1x16xi32, #tpu.memory_space<vmem>>, %arg19: memref<1x16xi32, #tpu.memory_space<vmem>>, %arg20: memref<!tpu.dma_semaphore, #tpu.memory_space<semaphore_mem>>, %arg21: memref<!tpu.dma_semaphore, #tpu.memory_space<semaphore_mem>>) attributes {dimension_semantics = [#tpu.dimension_semantics<core_parallel>, #tpu.dimension_semantics<subcore_parallel>], iteration_bounds = array<i64: 2, 16>, scalar_prefetch = 0 : i64, scratch_operands = 16 : i64, tpu.core_type = #tpu.core_type<sc_vector_subcore>, window_params = [{transform_indices = #map}, {transform_indices = #map1}, {transform_indices = #map1}, {transform_indices = #map1}]} {
    %mul3A = arith.constant 2 : i32
    %mul3A_0 = arith.muli %arg1, %mul3A : i32
    %add3A = arith.addi %mul3A_0, %arg0 : i32
    %mul3A_1 = arith.constant 32 : i32
    %mul3A_2 = arith.muli %add3A, %mul3A_1 : i32
    %add3A_3 = arith.constant 32 : i32
    %add3A_4 = arith.addi %mul3A_2, %add3A_3 : i32
    %min3A = arith.constant 1000 : i32
    %min3A_5 = arith.minsi %add3A_4, %min3A : i32
    %iota3A = tpu.iota {dimensions = array<i32: 0>} : vector<16xi32>
    "tpu.region"() ({
      %run_scoped3A = tpu.sem_alloc : memref<!tpu.dma_semaphore, #tpu.memory_space<semaphore_mem>>
      tpu.enqueue_dma source(%arg2 : memref<16384xi32, #tpu.memory_space<hbm>>) target(%arg6 : memref<16384xi32, #tpu.memory_space<vmem>>) target_semaphore(%run_scoped3A : memref<!tpu.dma_semaphore, #tpu.memory_space<semaphore_mem>>)
      tpu.wait_dma2 semaphore(%run_scoped3A : memref<!tpu.dma_semaphore, #tpu.memory_space<semaphore_mem>>) src(%arg2 : memref<16384xi32, #tpu.memory_space<hbm>>) dst(%arg6 : memref<16384xi32, #tpu.memory_space<vmem>>)
      tpu.yield
    }) : () -> ()
    "tpu.region"() ({
      %run_scoped3A = tpu.sem_alloc : memref<!tpu.dma_semaphore, #tpu.memory_space<semaphore_mem>>
      %dma_start3A = arith.constant 0 : i32
      %dma_start3A_240 = tpu.memref_slice %arg3[%mul3A_2, %dma_start3A] : memref<1024x2064xf32, #tpu.memory_space<hbm>> -> memref<32x2064xf32, #tpu.memory_space<hbm>>
      %dma_start3A_241 = arith.constant 0 : i32
      %dma_start3A_242 = tpu.memref_slice %arg3[%mul3A_2, %dma_start3A_241] : memref<1024x2064xf32, #tpu.memory_space<hbm>> -> memref<32x2064xf32, #tpu.memory_space<hbm>>
      tpu.enqueue_dma source(%dma_start3A_242 : memref<32x2064xf32, #tpu.memory_space<hbm>>) target(%arg7 : memref<32x2064xf32, #tpu.memory_space<vmem>>) target_semaphore(%run_scoped3A : memref<!tpu.dma_semaphore, #tpu.memory_space<semaphore_mem>>)
      %dma_wait3A = arith.constant 0 : i32
      %dma_wait3A_243 = tpu.memref_slice %arg3[%mul3A_2, %dma_wait3A] : memref<1024x2064xf32, #tpu.memory_space<hbm>> -> memref<32x2064xf32, #tpu.memory_space<hbm>>
      %dma_wait3A_244 = arith.constant 0 : i32
      %dma_wait3A_245 = tpu.memref_slice %arg3[%mul3A_2, %dma_wait3A_244] : memref<1024x2064xf32, #tpu.memory_space<hbm>> -> memref<32x2064xf32, #tpu.memory_space<hbm>>
      tpu.wait_dma2 semaphore(%run_scoped3A : memref<!tpu.dma_semaphore, #tpu.memory_space<semaphore_mem>>) src(%dma_wait3A_245 : memref<32x2064xf32, #tpu.memory_space<hbm>>) dst(%arg7 : memref<32x2064xf32, #tpu.memory_space<vmem>>)
      tpu.yield
    }) : () -> ()
    "tpu.region"() ({
      %run_scoped3A = tpu.sem_alloc : memref<!tpu.dma_semaphore, #tpu.memory_space<semaphore_mem>>
      %dma_start3A = arith.constant 1000 : i32
      %dma_start3A_240 = arith.constant 0 : i32
      %dma_start3A_241 = tpu.memref_slice %arg3[%dma_start3A, %dma_start3A_240] : memref<1024x2064xf32, #tpu.memory_space<hbm>> -> memref<1x2064xf32, #tpu.memory_space<hbm>>
      %dma_start3A_242 = arith.constant 1000 : i32
      %dma_start3A_243 = arith.constant 0 : i32
      %dma_start3A_244 = tpu.memref_slice %arg3[%dma_start3A_242, %dma_start3A_243] : memref<1024x2064xf32, #tpu.memory_space<hbm>> -> memref<1x2064xf32, #tpu.memory_space<hbm>>
      tpu.enqueue_dma source(%dma_start3A_244 : memref<1x2064xf32, #tpu.memory_space<hbm>>) target(%arg8 : memref<1x2064xf32, #tpu.memory_space<vmem>>) target_semaphore(%run_scoped3A : memref<!tpu.dma_semaphore, #tpu.memory_space<semaphore_mem>>)
      %dma_wait3A = arith.constant 1000 : i32
      %dma_wait3A_245 = arith.constant 0 : i32
      %dma_wait3A_246 = tpu.memref_slice %arg3[%dma_wait3A, %dma_wait3A_245] : memref<1024x2064xf32, #tpu.memory_space<hbm>> -> memref<1x2064xf32, #tpu.memory_space<hbm>>
      %dma_wait3A_247 = arith.constant 1000 : i32
      %dma_wait3A_248 = arith.constant 0 : i32
      %dma_wait3A_249 = tpu.memref_slice %arg3[%dma_wait3A_247, %dma_wait3A_248] : memref<1024x2064xf32, #tpu.memory_space<hbm>> -> memref<1x2064xf32, #tpu.memory_space<hbm>>
      tpu.wait_dma2 semaphore(%run_scoped3A : memref<!tpu.dma_semaphore, #tpu.memory_space<semaphore_mem>>) src(%dma_wait3A_249 : memref<1x2064xf32, #tpu.memory_space<hbm>>) dst(%arg8 : memref<1x2064xf32, #tpu.memory_space<vmem>>)
      tpu.yield
    }) : () -> ()
    %scan3A = arith.constant 0 : i32
    %scan3A_6 = arith.constant 0 : i32
    %scan3A_7 = arith.constant 1024 : i32
    %scan3A_8 = arith.addi %scan3A_6, %scan3A_7 : i32
    %scan3A_9 = arith.constant 1 : i32
    %scan3A_10 = scf.for %scan3A_240 = %scan3A_6 to %scan3A_8 step %scan3A_9 iter_args(%scan3A_241 = %scan3A) -> (i32)  : i32 {
      %mul3A_242 = arith.constant 16 : i32
      %mul3A_243 = arith.muli %scan3A_240, %mul3A_242 : i32
      %get3A = arith.index_cast %mul3A_243 : i32 to index
      %get3A_244 = tpu.vector_load %arg6[%get3A] {strides = array<i32>} : memref<16384xi32, #tpu.memory_space<vmem>>, vector<16xi32>,
      %ge3A = vector.broadcast %mul3A_2 : i32 to vector<16xi32>
      %ge3A_245 = arith.cmpi sge, %get3A_244, %ge3A : vector<16xi32>
      %lt3A = vector.broadcast %min3A_5 : i32 to vector<16xi32>
      %lt3A_246 = arith.cmpi slt, %get3A_244, %lt3A : vector<16xi32>
      %and3A_247 = arith.andi %ge3A_245, %lt3A_246 : vector<16xi1>
      %mul3A_248 = arith.constant 16 : i32
      %mul3A_249 = arith.muli %scan3A_240, %mul3A_248 : i32
      %add3A_250 = vector.broadcast %mul3A_249 : i32 to vector<16xi32>
      %add3A_251 = arith.addi %iota3A, %add3A_250 : vector<16xi32>
      %swap3A_252 = arith.index_cast %scan3A_241 : i32 to index
      %swap3A_253 = tpu.vector_load %arg9[%swap3A_252] masked %and3A_247 {strides = array<i32>} : memref<16400xi32, #tpu.memory_space<vmem>>, vector<16xi32>, vector<16xi1>
      tpu.vector_store %arg9[%swap3A_252], %add3A_251 masked %and3A_247 {strides = array<i32>} : memref<16400xi32, #tpu.memory_space<vmem>>, vector<16xi32>, vector<16xi1>
      %sub3A_254 = vector.broadcast %mul3A_2 : i32 to vector<16xi32>
      %sub3A_255 = arith.subi %get3A_244, %sub3A_254 : vector<16xi32>
      %swap3A_256 = arith.index_cast %scan3A_241 : i32 to index
      %swap3A_257 = tpu.vector_load %arg10[%swap3A_256] masked %and3A_247 {strides = array<i32>} : memref<16400xi32, #tpu.memory_space<vmem>>, vector<16xi32>, vector<16xi1>
      tpu.vector_store %arg10[%swap3A_256], %sub3A_255 masked %and3A_247 {strides = array<i32>} : memref<16400xi32, #tpu.memory_space<vmem>>, vector<16xi32>, vector<16xi1>
      %all_reduce_population_count3A = tpu.all_reduce %and3A_247 {dim = 0 : i64, kind = #tpu.reduction_kind<sum>} : vector<16xi1> -> vector<16xi32>
      %slice3A = vector.extract_strided_slice %all_reduce_population_count3A {offsets = [0], sizes = [1], strides = [1]} : vector<16xi32> to vector<1xi32>
      %squeeze3A = vector.extract %slice3A[0] : i32 from vector<1xi32>
      %add3A_258 = arith.addi %scan3A_241, %squeeze3A : i32
      scf.yield %add3A_258 : i32
    }
    %scan3A_11 = arith.constant 1024 : i32
    %broadcast_in_dim3A = arith.constant 0 : i32
    %broadcast_in_dim3A_12 = vector.broadcast %broadcast_in_dim3A : i32 to vector<16xi32>
    %gather3A = tpu.vector_load_idx %arg9[%broadcast_in_dim3A_12] : memref<16400xi32, #tpu.memory_space<vmem>>[vector<16xi32>], vector<16xi32>,
    %swap3A = arith.index_cast %scan3A_10 : i32 to index
    %swap3A_13 = tpu.vector_load %arg9[%swap3A] {strides = array<i32>} : memref<16400xi32, #tpu.memory_space<vmem>>, vector<16xi32>,
    tpu.vector_store %arg9[%swap3A], %gather3A {strides = array<i32>} : memref<16400xi32, #tpu.memory_space<vmem>>, vector<16xi32>,
    %broadcast_in_dim3A_14 = arith.constant 0 : i32
    %broadcast_in_dim3A_15 = vector.broadcast %broadcast_in_dim3A_14 : i32 to vector<16xi32>
    %gather3A_16 = tpu.vector_load_idx %arg10[%broadcast_in_dim3A_15] : memref<16400xi32, #tpu.memory_space<vmem>>[vector<16xi32>], vector<16xi32>,
    %swap3A_17 = arith.index_cast %scan3A_10 : i32 to index
    %swap3A_18 = tpu.vector_load %arg10[%swap3A_17] {strides = array<i32>} : memref<16400xi32, #tpu.memory_space<vmem>>, vector<16xi32>,
    tpu.vector_store %arg10[%swap3A_17], %gather3A_16 {strides = array<i32>} : memref<16400xi32, #tpu.memory_space<vmem>>, vector<16xi32>,
    %mul3A_19 = arith.constant 512 : i32
    %mul3A_20 = arith.muli %add3A, %mul3A_19 : i32
    %scan3A_21 = arith.constant 0 : i32
    %scan3A_22 = arith.constant 0 : i32
    %scan3A_23 = arith.constant 32 : i32
    %scan3A_24 = arith.addi %scan3A_22, %scan3A_23 : i32
    %scan3A_25 = arith.constant 1 : i32
    %scan3A_26 = scf.for %scan3A_240 = %scan3A_22 to %scan3A_24 step %scan3A_25 iter_args(%scan3A_241 = %scan3A_21) -> (i32)  : i32 {
      %mul3A_242 = arith.constant 16 : i32
      %mul3A_243 = arith.muli %scan3A_240, %mul3A_242 : i32
      %add3A_244 = arith.addi %mul3A_20, %mul3A_243 : i32
      %get3A = arith.index_cast %add3A_244 : i32 to index
      %get3A_245 = tpu.vector_load %arg6[%get3A] {strides = array<i32>} : memref<16384xi32, #tpu.memory_space<vmem>>, vector<16xi32>,
      %eq3A = arith.constant 1000 : i32
      %eq3A_246 = vector.broadcast %eq3A : i32 to vector<16xi32>
      %eq3A_247 = arith.cmpi eq, %get3A_245, %eq3A_246 : vector<16xi32>
      %add3A_248 = vector.broadcast %mul3A_20 : i32 to vector<16xi32>
      %add3A_249 = arith.addi %iota3A, %add3A_248 : vector<16xi32>
      %mul3A_250 = arith.constant 16 : i32
      %mul3A_251 = arith.muli %scan3A_240, %mul3A_250 : i32
      %add3A_252 = vector.broadcast %mul3A_251 : i32 to vector<16xi32>
      %add3A_253 = arith.addi %add3A_249, %add3A_252 : vector<16xi32>
      %swap3A_254 = arith.index_cast %scan3A_241 : i32 to index
      %swap3A_255 = tpu.vector_load %arg11[%swap3A_254] masked %eq3A_247 {strides = array<i32>} : memref<528xi32, #tpu.memory_space<vmem>>, vector<16xi32>, vector<16xi1>
      tpu.vector_store %arg11[%swap3A_254], %add3A_253 masked %eq3A_247 {strides = array<i32>} : memref<528xi32, #tpu.memory_space<vmem>>, vector<16xi32>, vector<16xi1>
      %all_reduce_population_count3A = tpu.all_reduce %eq3A_247 {dim = 0 : i64, kind = #tpu.reduction_kind<sum>} : vector<16xi1> -> vector<16xi32>
      %slice3A = vector.extract_strided_slice %all_reduce_population_count3A {offsets = [0], sizes = [1], strides = [1]} : vector<16xi32> to vector<1xi32>
      %squeeze3A = vector.extract %slice3A[0] : i32 from vector<1xi32>
      %add3A_256 = arith.addi %scan3A_241, %squeeze3A : i32
      scf.yield %add3A_256 : i32
    }
    %scan3A_27 = arith.constant 32 : i32
    %broadcast_in_dim3A_28 = arith.constant 0 : i32
    %broadcast_in_dim3A_29 = vector.broadcast %broadcast_in_dim3A_28 : i32 to vector<16xi32>
    %gather3A_30 = tpu.vector_load_idx %arg11[%broadcast_in_dim3A_29] : memref<528xi32, #tpu.memory_space<vmem>>[vector<16xi32>], vector<16xi32>,
    %swap3A_31 = arith.index_cast %scan3A_26 : i32 to index
    %swap3A_32 = tpu.vector_load %arg11[%swap3A_31] {strides = array<i32>} : memref<528xi32, #tpu.memory_space<vmem>>, vector<16xi32>,
    tpu.vector_store %arg11[%swap3A_31], %gather3A_30 {strides = array<i32>} : memref<528xi32, #tpu.memory_space<vmem>>, vector<16xi32>,
    %broadcast_in_dim3A_33 = arith.constant 0 : i32
    %broadcast_in_dim3A_34 = vector.broadcast %broadcast_in_dim3A_33 : i32 to vector<16xi32>
    %broadcast_in_dim3A_35 = arith.constant 2048 : i32
    %broadcast_in_dim3A_36 = vector.broadcast %broadcast_in_dim3A_35 : i32 to vector<16xi32>
    %gather3A_37 = tpu.vector_load_idx %arg8[%broadcast_in_dim3A_34, %broadcast_in_dim3A_36] : memref<1x2064xf32, #tpu.memory_space<vmem>>[vector<16xi32>, vector<16xi32>], vector<16xf32>,
    %broadcast_in_dim3A_38 = arith.constant 2049 : i32
    %broadcast_in_dim3A_39 = vector.broadcast %broadcast_in_dim3A_38 : i32 to vector<16xi32>
    %gather3A_40 = tpu.vector_load_idx %arg8[%broadcast_in_dim3A_34, %broadcast_in_dim3A_39] : memref<1x2064xf32, #tpu.memory_space<vmem>>[vector<16xi32>, vector<16xi32>], vector<16xf32>,
    %broadcast_in_dim3A_41 = arith.constant 2050 : i32
    %broadcast_in_dim3A_42 = vector.broadcast %broadcast_in_dim3A_41 : i32 to vector<16xi32>
    %gather3A_43 = tpu.vector_load_idx %arg8[%broadcast_in_dim3A_34, %broadcast_in_dim3A_42] : memref<1x2064xf32, #tpu.memory_space<vmem>>[vector<16xi32>, vector<16xi32>], vector<16xf32>,
    %broadcast_in_dim3A_44 = arith.constant 2051 : i32
    %broadcast_in_dim3A_45 = vector.broadcast %broadcast_in_dim3A_44 : i32 to vector<16xi32>
    %gather3A_46 = tpu.vector_load_idx %arg8[%broadcast_in_dim3A_34, %broadcast_in_dim3A_45] : memref<1x2064xf32, #tpu.memory_space<vmem>>[vector<16xi32>, vector<16xi32>], vector<16xf32>,
    %broadcast_in_dim3A_47 = arith.constant 2052 : i32
    %broadcast_in_dim3A_48 = vector.broadcast %broadcast_in_dim3A_47 : i32 to vector<16xi32>
    %gather3A_49 = tpu.vector_load_idx %arg8[%broadcast_in_dim3A_34, %broadcast_in_dim3A_48] : memref<1x2064xf32, #tpu.memory_space<vmem>>[vector<16xi32>, vector<16xi32>], vector<16xf32>,
    %broadcast_in_dim3A_50 = arith.constant 2053 : i32
    %broadcast_in_dim3A_51 = vector.broadcast %broadcast_in_dim3A_50 : i32 to vector<16xi32>
    %gather3A_52 = tpu.vector_load_idx %arg8[%broadcast_in_dim3A_34, %broadcast_in_dim3A_51] : memref<1x2064xf32, #tpu.memory_space<vmem>>[vector<16xi32>, vector<16xi32>], vector<16xf32>,
    %broadcast_in_dim3A_53 = arith.constant 2054 : i32
    %broadcast_in_dim3A_54 = vector.broadcast %broadcast_in_dim3A_53 : i32 to vector<16xi32>
    %gather3A_55 = tpu.vector_load_idx %arg8[%broadcast_in_dim3A_34, %broadcast_in_dim3A_54] : memref<1x2064xf32, #tpu.memory_space<vmem>>[vector<16xi32>, vector<16xi32>], vector<16xf32>,
    %broadcast_in_dim3A_56 = arith.constant 2055 : i32
    %broadcast_in_dim3A_57 = vector.broadcast %broadcast_in_dim3A_56 : i32 to vector<16xi32>
    %gather3A_58 = tpu.vector_load_idx %arg8[%broadcast_in_dim3A_34, %broadcast_in_dim3A_57] : memref<1x2064xf32, #tpu.memory_space<vmem>>[vector<16xi32>, vector<16xi32>], vector<16xf32>,
    %max3A = arith.maximumf %gather3A_37, %gather3A_40 : vector<16xf32>
    %max3A_59 = arith.maximumf %max3A, %gather3A_43 : vector<16xf32>
    %max3A_60 = arith.maximumf %max3A_59, %gather3A_46 : vector<16xf32>
    %max3A_61 = arith.maximumf %max3A_60, %gather3A_49 : vector<16xf32>
    %max3A_62 = arith.maximumf %max3A_61, %gather3A_52 : vector<16xf32>
    %max3A_63 = arith.maximumf %max3A_62, %gather3A_55 : vector<16xf32>
    %max3A_64 = arith.maximumf %max3A_63, %gather3A_58 : vector<16xf32>
    %sub3A = arith.subf %gather3A_37, %max3A_64 : vector<16xf32>
    %exp3A = math.exp %sub3A : vector<16xf32>
    %sub3A_65 = arith.subf %gather3A_40, %max3A_64 : vector<16xf32>
    %exp3A_66 = math.exp %sub3A_65 : vector<16xf32>
    %sub3A_67 = arith.subf %gather3A_43, %max3A_64 : vector<16xf32>
    %exp3A_68 = math.exp %sub3A_67 : vector<16xf32>
    %sub3A_69 = arith.subf %gather3A_46, %max3A_64 : vector<16xf32>
    %exp3A_70 = math.exp %sub3A_69 : vector<16xf32>
    %sub3A_71 = arith.subf %gather3A_49, %max3A_64 : vector<16xf32>
    %exp3A_72 = math.exp %sub3A_71 : vector<16xf32>
    %sub3A_73 = arith.subf %gather3A_52, %max3A_64 : vector<16xf32>
    %exp3A_74 = math.exp %sub3A_73 : vector<16xf32>
    %sub3A_75 = arith.subf %gather3A_55, %max3A_64 : vector<16xf32>
    %exp3A_76 = math.exp %sub3A_75 : vector<16xf32>
    %sub3A_77 = arith.subf %gather3A_58, %max3A_64 : vector<16xf32>
    %exp3A_78 = math.exp %sub3A_77 : vector<16xf32>
    %add3A_79 = arith.addf %exp3A, %exp3A_66 : vector<16xf32>
    %add3A_80 = arith.addf %add3A_79, %exp3A_68 : vector<16xf32>
    %add3A_81 = arith.addf %add3A_80, %exp3A_70 : vector<16xf32>
    %add3A_82 = arith.addf %add3A_81, %exp3A_72 : vector<16xf32>
    %add3A_83 = arith.addf %add3A_82, %exp3A_74 : vector<16xf32>
    %add3A_84 = arith.addf %add3A_83, %exp3A_76 : vector<16xf32>
    %add3A_85 = arith.addf %add3A_84, %exp3A_78 : vector<16xf32>
    %div3A = arith.constant 1.000000e+00 : f32
    %div3A_86 = vector.broadcast %div3A : f32 to vector<16xf32>
    %div3A_87 = arith.divf %div3A_86, %add3A_85 : vector<16xf32>
    %mul3A_88 = arith.mulf %exp3A, %div3A_87 : vector<16xf32>
    %mul3A_89 = arith.mulf %exp3A_66, %div3A_87 : vector<16xf32>
    %mul3A_90 = arith.mulf %exp3A_68, %div3A_87 : vector<16xf32>
    %mul3A_91 = arith.mulf %exp3A_70, %div3A_87 : vector<16xf32>
    %mul3A_92 = arith.mulf %exp3A_72, %div3A_87 : vector<16xf32>
    %mul3A_93 = arith.mulf %exp3A_74, %div3A_87 : vector<16xf32>
    %mul3A_94 = arith.mulf %exp3A_76, %div3A_87 : vector<16xf32>
    %mul3A_95 = arith.mulf %exp3A_78, %div3A_87 : vector<16xf32>
    %scan3A_96 = arith.constant 0 : i32
    %scan3A_97 = arith.constant 0 : i32
    %scan3A_98 = arith.constant 128 : i32
    %scan3A_99 = arith.addi %scan3A_97, %scan3A_98 : i32
    %scan3A_100 = arith.constant 1 : i32
    scf.for %scan3A_240 = %scan3A_97 to %scan3A_99 step %scan3A_100  : i32 {
      %add3A_241 = vector.broadcast %scan3A_240 : i32 to vector<16xi32>
      %add3A_242 = arith.addi %iota3A, %add3A_241 : vector<16xi32>
      %and3A_243 = arith.constant 127 : i32
      %and3A_244 = vector.broadcast %and3A_243 : i32 to vector<16xi32>
      %and3A_245 = arith.andi %add3A_242, %and3A_244 : vector<16xi32>
      %broadcast_in_dim3A_246 = arith.constant 0.000000e+00 : f32
      %broadcast_in_dim3A_247 = vector.broadcast %broadcast_in_dim3A_246 : f32 to vector<16xf32>
      %broadcast_in_dim3A_248 = arith.constant 0.000000e+00 : f32
      %broadcast_in_dim3A_249 = vector.broadcast %broadcast_in_dim3A_248 : f32 to vector<16xf32>
      %broadcast_in_dim3A_250 = arith.constant 0 : i32
      %broadcast_in_dim3A_251 = vector.broadcast %broadcast_in_dim3A_250 : i32 to vector<16xi32>
      %add3A_252 = arith.addi %broadcast_in_dim3A_251, %and3A_245 : vector<16xi32>
      %gather3A_253 = tpu.vector_load_idx %arg8[%broadcast_in_dim3A_34, %add3A_252] : memref<1x2064xf32, #tpu.memory_space<vmem>>[vector<16xi32>, vector<16xi32>], vector<16xf32>,
      %broadcast_in_dim3A_254 = arith.constant 1024 : i32
      %broadcast_in_dim3A_255 = vector.broadcast %broadcast_in_dim3A_254 : i32 to vector<16xi32>
      %add3A_256 = arith.addi %broadcast_in_dim3A_255, %and3A_245 : vector<16xi32>
      %gather3A_257 = tpu.vector_load_idx %arg8[%broadcast_in_dim3A_34, %add3A_256] : memref<1x2064xf32, #tpu.memory_space<vmem>>[vector<16xi32>, vector<16xi32>], vector<16xf32>,
      %mul3A_258 = arith.mulf %mul3A_88, %gather3A_253 : vector<16xf32>
      %add3A_259 = arith.addf %broadcast_in_dim3A_247, %mul3A_258 : vector<16xf32>
      %exp3A_260 = math.exp %gather3A_257 : vector<16xf32>
      %mul3A_261 = arith.mulf %gather3A_253, %gather3A_253 : vector<16xf32>
      %add3A_262 = arith.addf %exp3A_260, %mul3A_261 : vector<16xf32>
      %mul3A_263 = arith.mulf %mul3A_88, %add3A_262 : vector<16xf32>
      %add3A_264 = arith.addf %broadcast_in_dim3A_249, %mul3A_263 : vector<16xf32>
      %broadcast_in_dim3A_265 = arith.constant 128 : i32
      %broadcast_in_dim3A_266 = vector.broadcast %broadcast_in_dim3A_265 : i32 to vector<16xi32>
      %add3A_267 = arith.addi %broadcast_in_dim3A_266, %and3A_245 : vector<16xi32>
      %gather3A_268 = tpu.vector_load_idx %arg8[%broadcast_in_dim3A_34, %add3A_267] : memref<1x2064xf32, #tpu.memory_space<vmem>>[vector<16xi32>, vector<16xi32>], vector<16xf32>,
      %broadcast_in_dim3A_269 = arith.constant 1152 : i32
      %broadcast_in_dim3A_270 = vector.broadcast %broadcast_in_dim3A_269 : i32 to vector<16xi32>
      %add3A_271 = arith.addi %broadcast_in_dim3A_270, %and3A_245 : vector<16xi32>
      %gather3A_272 = tpu.vector_load_idx %arg8[%broadcast_in_dim3A_34, %add3A_271] : memref<1x2064xf32, #tpu.memory_space<vmem>>[vector<16xi32>, vector<16xi32>], vector<16xf32>,
      %mul3A_273 = arith.mulf %mul3A_89, %gather3A_268 : vector<16xf32>
      %add3A_274 = arith.addf %add3A_259, %mul3A_273 : vector<16xf32>
      %exp3A_275 = math.exp %gather3A_272 : vector<16xf32>
      %mul3A_276 = arith.mulf %gather3A_268, %gather3A_268 : vector<16xf32>
      %add3A_277 = arith.addf %exp3A_275, %mul3A_276 : vector<16xf32>
      %mul3A_278 = arith.mulf %mul3A_89, %add3A_277 : vector<16xf32>
      %add3A_279 = arith.addf %add3A_264, %mul3A_278 : vector<16xf32>
      %broadcast_in_dim3A_280 = arith.constant 256 : i32
      %broadcast_in_dim3A_281 = vector.broadcast %broadcast_in_dim3A_280 : i32 to vector<16xi32>
      %add3A_282 = arith.addi %broadcast_in_dim3A_281, %and3A_245 : vector<16xi32>
      %gather3A_283 = tpu.vector_load_idx %arg8[%broadcast_in_dim3A_34, %add3A_282] : memref<1x2064xf32, #tpu.memory_space<vmem>>[vector<16xi32>, vector<16xi32>], vector<16xf32>,
      %broadcast_in_dim3A_284 = arith.constant 1280 : i32
      %broadcast_in_dim3A_285 = vector.broadcast %broadcast_in_dim3A_284 : i32 to vector<16xi32>
      %add3A_286 = arith.addi %broadcast_in_dim3A_285, %and3A_245 : vector<16xi32>
      %gather3A_287 = tpu.vector_load_idx %arg8[%broadcast_in_dim3A_34, %add3A_286] : memref<1x2064xf32, #tpu.memory_space<vmem>>[vector<16xi32>, vector<16xi32>], vector<16xf32>,
      %mul3A_288 = arith.mulf %mul3A_90, %gather3A_283 : vector<16xf32>
      %add3A_289 = arith.addf %add3A_274, %mul3A_288 : vector<16xf32>
      %exp3A_290 = math.exp %gather3A_287 : vector<16xf32>
      %mul3A_291 = arith.mulf %gather3A_283, %gather3A_283 : vector<16xf32>
      %add3A_292 = arith.addf %exp3A_290, %mul3A_291 : vector<16xf32>
      %mul3A_293 = arith.mulf %mul3A_90, %add3A_292 : vector<16xf32>
      %add3A_294 = arith.addf %add3A_279, %mul3A_293 : vector<16xf32>
      %broadcast_in_dim3A_295 = arith.constant 384 : i32
      %broadcast_in_dim3A_296 = vector.broadcast %broadcast_in_dim3A_295 : i32 to vector<16xi32>
      %add3A_297 = arith.addi %broadcast_in_dim3A_296, %and3A_245 : vector<16xi32>
      %gather3A_298 = tpu.vector_load_idx %arg8[%broadcast_in_dim3A_34, %add3A_297] : memref<1x2064xf32, #tpu.memory_space<vmem>>[vector<16xi32>, vector<16xi32>], vector<16xf32>,
      %broadcast_in_dim3A_299 = arith.constant 1408 : i32
      %broadcast_in_dim3A_300 = vector.broadcast %broadcast_in_dim3A_299 : i32 to vector<16xi32>
      %add3A_301 = arith.addi %broadcast_in_dim3A_300, %and3A_245 : vector<16xi32>
      %gather3A_302 = tpu.vector_load_idx %arg8[%broadcast_in_dim3A_34, %add3A_301] : memref<1x2064xf32, #tpu.memory_space<vmem>>[vector<16xi32>, vector<16xi32>], vector<16xf32>,
      %mul3A_303 = arith.mulf %mul3A_91, %gather3A_298 : vector<16xf32>
      %add3A_304 = arith.addf %add3A_289, %mul3A_303 : vector<16xf32>
      %exp3A_305 = math.exp %gather3A_302 : vector<16xf32>
      %mul3A_306 = arith.mulf %gather3A_298, %gather3A_298 : vector<16xf32>
      %add3A_307 = arith.addf %exp3A_305, %mul3A_306 : vector<16xf32>
      %mul3A_308 = arith.mulf %mul3A_91, %add3A_307 : vector<16xf32>
      %add3A_309 = arith.addf %add3A_294, %mul3A_308 : vector<16xf32>
      %broadcast_in_dim3A_310 = arith.constant 512 : i32
      %broadcast_in_dim3A_311 = vector.broadcast %broadcast_in_dim3A_310 : i32 to vector<16xi32>
      %add3A_312 = arith.addi %broadcast_in_dim3A_311, %and3A_245 : vector<16xi32>
      %gather3A_313 = tpu.vector_load_idx %arg8[%broadcast_in_dim3A_34, %add3A_312] : memref<1x2064xf32, #tpu.memory_space<vmem>>[vector<16xi32>, vector<16xi32>], vector<16xf32>,
      %broadcast_in_dim3A_314 = arith.constant 1536 : i32
      %broadcast_in_dim3A_315 = vector.broadcast %broadcast_in_dim3A_314 : i32 to vector<16xi32>
      %add3A_316 = arith.addi %broadcast_in_dim3A_315, %and3A_245 : vector<16xi32>
      %gather3A_317 = tpu.vector_load_idx %arg8[%broadcast_in_dim3A_34, %add3A_316] : memref<1x2064xf32, #tpu.memory_space<vmem>>[vector<16xi32>, vector<16xi32>], vector<16xf32>,
      %mul3A_318 = arith.mulf %mul3A_92, %gather3A_313 : vector<16xf32>
      %add3A_319 = arith.addf %add3A_304, %mul3A_318 : vector<16xf32>
      %exp3A_320 = math.exp %gather3A_317 : vector<16xf32>
      %mul3A_321 = arith.mulf %gather3A_313, %gather3A_313 : vector<16xf32>
      %add3A_322 = arith.addf %exp3A_320, %mul3A_321 : vector<16xf32>
      %mul3A_323 = arith.mulf %mul3A_92, %add3A_322 : vector<16xf32>
      %add3A_324 = arith.addf %add3A_309, %mul3A_323 : vector<16xf32>
      %broadcast_in_dim3A_325 = arith.constant 640 : i32
      %broadcast_in_dim3A_326 = vector.broadcast %broadcast_in_dim3A_325 : i32 to vector<16xi32>
      %add3A_327 = arith.addi %broadcast_in_dim3A_326, %and3A_245 : vector<16xi32>
      %gather3A_328 = tpu.vector_load_idx %arg8[%broadcast_in_dim3A_34, %add3A_327] : memref<1x2064xf32, #tpu.memory_space<vmem>>[vector<16xi32>, vector<16xi32>], vector<16xf32>,
      %broadcast_in_dim3A_329 = arith.constant 1664 : i32
      %broadcast_in_dim3A_330 = vector.broadcast %broadcast_in_dim3A_329 : i32 to vector<16xi32>
      %add3A_331 = arith.addi %broadcast_in_dim3A_330, %and3A_245 : vector<16xi32>
      %gather3A_332 = tpu.vector_load_idx %arg8[%broadcast_in_dim3A_34, %add3A_331] : memref<1x2064xf32, #tpu.memory_space<vmem>>[vector<16xi32>, vector<16xi32>], vector<16xf32>,
      %mul3A_333 = arith.mulf %mul3A_93, %gather3A_328 : vector<16xf32>
      %add3A_334 = arith.addf %add3A_319, %mul3A_333 : vector<16xf32>
      %exp3A_335 = math.exp %gather3A_332 : vector<16xf32>
      %mul3A_336 = arith.mulf %gather3A_328, %gather3A_328 : vector<16xf32>
      %add3A_337 = arith.addf %exp3A_335, %mul3A_336 : vector<16xf32>
      %mul3A_338 = arith.mulf %mul3A_93, %add3A_337 : vector<16xf32>
      %add3A_339 = arith.addf %add3A_324, %mul3A_338 : vector<16xf32>
      %broadcast_in_dim3A_340 = arith.constant 768 : i32
      %broadcast_in_dim3A_341 = vector.broadcast %broadcast_in_dim3A_340 : i32 to vector<16xi32>
      %add3A_342 = arith.addi %broadcast_in_dim3A_341, %and3A_245 : vector<16xi32>
      %gather3A_343 = tpu.vector_load_idx %arg8[%broadcast_in_dim3A_34, %add3A_342] : memref<1x2064xf32, #tpu.memory_space<vmem>>[vector<16xi32>, vector<16xi32>], vector<16xf32>,
      %broadcast_in_dim3A_344 = arith.constant 1792 : i32
      %broadcast_in_dim3A_345 = vector.broadcast %broadcast_in_dim3A_344 : i32 to vector<16xi32>
      %add3A_346 = arith.addi %broadcast_in_dim3A_345, %and3A_245 : vector<16xi32>
      %gather3A_347 = tpu.vector_load_idx %arg8[%broadcast_in_dim3A_34, %add3A_346] : memref<1x2064xf32, #tpu.memory_space<vmem>>[vector<16xi32>, vector<16xi32>], vector<16xf32>,
      %mul3A_348 = arith.mulf %mul3A_94, %gather3A_343 : vector<16xf32>
      %add3A_349 = arith.addf %add3A_334, %mul3A_348 : vector<16xf32>
      %exp3A_350 = math.exp %gather3A_347 : vector<16xf32>
      %mul3A_351 = arith.mulf %gather3A_343, %gather3A_343 : vector<16xf32>
      %add3A_352 = arith.addf %exp3A_350, %mul3A_351 : vector<16xf32>
      %mul3A_353 = arith.mulf %mul3A_94, %add3A_352 : vector<16xf32>
      %add3A_354 = arith.addf %add3A_339, %mul3A_353 : vector<16xf32>
      %broadcast_in_dim3A_355 = arith.constant 896 : i32
      %broadcast_in_dim3A_356 = vector.broadcast %broadcast_in_dim3A_355 : i32 to vector<16xi32>
      %add3A_357 = arith.addi %broadcast_in_dim3A_356, %and3A_245 : vector<16xi32>
      %gather3A_358 = tpu.vector_load_idx %arg8[%broadcast_in_dim3A_34, %add3A_357] : memref<1x2064xf32, #tpu.memory_space<vmem>>[vector<16xi32>, vector<16xi32>], vector<16xf32>,
      %broadcast_in_dim3A_359 = arith.constant 1920 : i32
      %broadcast_in_dim3A_360 = vector.broadcast %broadcast_in_dim3A_359 : i32 to vector<16xi32>
      %add3A_361 = arith.addi %broadcast_in_dim3A_360, %and3A_245 : vector<16xi32>
      %gather3A_362 = tpu.vector_load_idx %arg8[%broadcast_in_dim3A_34, %add3A_361] : memref<1x2064xf32, #tpu.memory_space<vmem>>[vector<16xi32>, vector<16xi32>], vector<16xf32>,
      %mul3A_363 = arith.mulf %mul3A_95, %gather3A_358 : vector<16xf32>
      %add3A_364 = arith.addf %add3A_349, %mul3A_363 : vector<16xf32>
      %exp3A_365 = math.exp %gather3A_362 : vector<16xf32>
      %mul3A_366 = arith.mulf %gather3A_358, %gather3A_358 : vector<16xf32>
      %add3A_367 = arith.addf %exp3A_365, %mul3A_366 : vector<16xf32>
      %mul3A_368 = arith.mulf %mul3A_95, %add3A_367 : vector<16xf32>
      %add3A_369 = arith.addf %add3A_354, %mul3A_368 : vector<16xf32>
      %mul3A_370 = arith.mulf %add3A_364, %add3A_364 : vector<16xf32>
      %sub3A_371 = arith.subf %add3A_369, %mul3A_370 : vector<16xf32>
      %max3A_372 = arith.constant 9.99999997E-7 : f32
      %max3A_373 = vector.broadcast %max3A_372 : f32 to vector<16xf32>
      %max3A_374 = arith.maximumf %sub3A_371, %max3A_373 : vector<16xf32>
      tpu.vector_store_idx %arg16[%iota3A, %and3A_245], %add3A_364 : memref<16x128xf32, #tpu.memory_space<vmem>>[vector<16xi32>, vector<16xi32>], vector<16xf32>,
      %bitcast3A = vector.bitcast %max3A_374 : vector<16xf32> to vector<16xi32>
      %shift_right_arithmetic3A = arith.constant 23 : i32
      %shift_right_arithmetic3A_375 = vector.broadcast %shift_right_arithmetic3A : i32 to vector<16xi32>
      %shift_right_arithmetic3A_376 = arith.shrsi %bitcast3A, %shift_right_arithmetic3A_375 : vector<16xi32>
      %sub3A_377 = arith.constant 127 : i32
      %sub3A_378 = vector.broadcast %sub3A_377 : i32 to vector<16xi32>
      %sub3A_379 = arith.subi %shift_right_arithmetic3A_376, %sub3A_378 : vector<16xi32>
      %and3A_380 = arith.constant 8388607 : i32
      %and3A_381 = vector.broadcast %and3A_380 : i32 to vector<16xi32>
      %and3A_382 = arith.andi %bitcast3A, %and3A_381 : vector<16xi32>
      %or3A = arith.constant 1065353216 : i32
      %or3A_383 = vector.broadcast %or3A : i32 to vector<16xi32>
      %or3A_384 = arith.ori %and3A_382, %or3A_383 : vector<16xi32>
      %bitcast3A_385 = vector.bitcast %or3A_384 : vector<16xi32> to vector<16xf32>
      %gt3A_386 = arith.constant 1.41421354 : f32
      %gt3A_387 = vector.broadcast %gt3A_386 : f32 to vector<16xf32>
      %gt3A_388 = arith.cmpf ogt, %bitcast3A_385, %gt3A_387 : vector<16xf32>
      %mul3A_389 = arith.constant 5.000000e-01 : f32
      %mul3A_390 = vector.broadcast %mul3A_389 : f32 to vector<16xf32>
      %mul3A_391 = arith.mulf %bitcast3A_385, %mul3A_390 : vector<16xf32>
      %select_n3A_392 = arith.select %gt3A_388, %mul3A_391, %bitcast3A_385 : vector<16xi1>, vector<16xf32>
      %add3A_393 = arith.constant 1 : i32
      %add3A_394 = vector.broadcast %add3A_393 : i32 to vector<16xi32>
      %add3A_395 = arith.addi %sub3A_379, %add3A_394 : vector<16xi32>
      %select_n3A_396 = arith.select %gt3A_388, %add3A_395, %sub3A_379 : vector<16xi1>, vector<16xi32>
      %sub3A_397 = arith.constant 1.000000e+00 : f32
      %sub3A_398 = vector.broadcast %sub3A_397 : f32 to vector<16xf32>
      %sub3A_399 = arith.subf %select_n3A_392, %sub3A_398 : vector<16xf32>
      %add3A_400 = arith.constant 1.000000e+00 : f32
      %add3A_401 = vector.broadcast %add3A_400 : f32 to vector<16xf32>
      %add3A_402 = arith.addf %select_n3A_392, %add3A_401 : vector<16xf32>
      %div3A_403 = arith.divf %sub3A_399, %add3A_402 : vector<16xf32>
      %mul3A_404 = arith.mulf %div3A_403, %div3A_403 : vector<16xf32>
      %mul3A_405 = arith.constant 2.000000e+00 : f32
      %mul3A_406 = vector.broadcast %mul3A_405 : f32 to vector<16xf32>
      %mul3A_407 = arith.mulf %mul3A_406, %div3A_403 : vector<16xf32>
      %mul3A_408 = arith.constant 0.142857149 : f32
      %mul3A_409 = vector.broadcast %mul3A_408 : f32 to vector<16xf32>
      %mul3A_410 = arith.mulf %mul3A_404, %mul3A_409 : vector<16xf32>
      %add3A_411 = arith.constant 2.000000e-01 : f32
      %add3A_412 = vector.broadcast %add3A_411 : f32 to vector<16xf32>
      %add3A_413 = arith.addf %add3A_412, %mul3A_410 : vector<16xf32>
      %mul3A_414 = arith.mulf %mul3A_404, %add3A_413 : vector<16xf32>
      %add3A_415 = arith.constant 0.333333343 : f32
      %add3A_416 = vector.broadcast %add3A_415 : f32 to vector<16xf32>
      %add3A_417 = arith.addf %add3A_416, %mul3A_414 : vector<16xf32>
      %mul3A_418 = arith.mulf %mul3A_404, %add3A_417 : vector<16xf32>
      %add3A_419 = arith.constant 1.000000e+00 : f32
      %add3A_420 = vector.broadcast %add3A_419 : f32 to vector<16xf32>
      %add3A_421 = arith.addf %add3A_420, %mul3A_418 : vector<16xf32>
      %mul3A_422 = arith.mulf %mul3A_407, %add3A_421 : vector<16xf32>
      %convert_element_type3A_423 = arith.sitofp %select_n3A_396 : vector<16xi32> to vector<16xf32>
      %mul3A_424 = arith.constant 0.693147182 : f32
      %mul3A_425 = vector.broadcast %mul3A_424 : f32 to vector<16xf32>
      %mul3A_426 = arith.mulf %convert_element_type3A_423, %mul3A_425 : vector<16xf32>
      %add3A_427 = arith.addf %mul3A_426, %mul3A_422 : vector<16xf32>
      tpu.vector_store_idx %arg17[%iota3A, %and3A_245], %add3A_427 : memref<16x128xf32, #tpu.memory_space<vmem>>[vector<16xi32>, vector<16xi32>], vector<16xf32>,
    }
    %scan3A_101 = arith.constant 128 : i32
    %add3A_102 = arith.constant 16 : i32
    %add3A_103 = arith.addi %scan3A_10, %add3A_102 : i32
    %sub3A_104 = arith.constant 1 : i32
    %sub3A_105 = arith.subi %add3A_103, %sub3A_104 : i32
    %jit3A = arith.constant 16 : i32
    %div3A_106 = arith.divsi %sub3A_105, %jit3A : i32
    %sign3A = arith.constant 0 : i32
    %sign3A_107 = arith.cmpi sgt, %sub3A_105, %sign3A : i32
    %sign3A_108 = arith.extui %sign3A_107 : i1 to i32
    %sign3A_109 = arith.constant 0 : i32
    %sign3A_110 = arith.cmpi slt, %sub3A_105, %sign3A_109 : i32
    %sign3A_111 = arith.extui %sign3A_110 : i1 to i32
    %sign3A_112 = arith.subi %sign3A_108, %sign3A_111 : i32
    %sign3A_113 = arith.constant 0 : i32
    %sign3A_114 = arith.cmpi sgt, %jit3A, %sign3A_113 : i32
    %sign3A_115 = arith.extui %sign3A_114 : i1 to i32
    %sign3A_116 = arith.constant 0 : i32
    %sign3A_117 = arith.cmpi slt, %jit3A, %sign3A_116 : i32
    %sign3A_118 = arith.extui %sign3A_117 : i1 to i32
    %sign3A_119 = arith.subi %sign3A_115, %sign3A_118 : i32
    %ne3A = arith.cmpi ne, %sign3A_112, %sign3A_119 : i32
    %rem3A = arith.remsi %sub3A_105, %jit3A : i32
    %ne3A_120 = arith.constant 0 : i32
    %ne3A_121 = arith.cmpi ne, %rem3A, %ne3A_120 : i32
    %and3A = arith.andi %ne3A, %ne3A_121 : i1
    %sub3A_122 = arith.constant 1 : i32
    %sub3A_123 = arith.subi %div3A_106, %sub3A_122 : i32
    %select_n3A = arith.select %and3A, %sub3A_123, %div3A_106 : i32
    %add3A_124 = arith.constant 1 : i32
    %add3A_125 = arith.addi %select_n3A, %add3A_124 : i32
    %jit3A_126 = arith.constant 2 : i32
    %div3A_127 = arith.divsi %add3A_125, %jit3A_126 : i32
    %sign3A_128 = arith.constant 0 : i32
    %sign3A_129 = arith.cmpi sgt, %add3A_125, %sign3A_128 : i32
    %sign3A_130 = arith.extui %sign3A_129 : i1 to i32
    %sign3A_131 = arith.constant 0 : i32
    %sign3A_132 = arith.cmpi slt, %add3A_125, %sign3A_131 : i32
    %sign3A_133 = arith.extui %sign3A_132 : i1 to i32
    %sign3A_134 = arith.subi %sign3A_130, %sign3A_133 : i32
    %sign3A_135 = arith.constant 0 : i32
    %sign3A_136 = arith.cmpi sgt, %jit3A_126, %sign3A_135 : i32
    %sign3A_137 = arith.extui %sign3A_136 : i1 to i32
    %sign3A_138 = arith.constant 0 : i32
    %sign3A_139 = arith.cmpi slt, %jit3A_126, %sign3A_138 : i32
    %sign3A_140 = arith.extui %sign3A_139 : i1 to i32
    %sign3A_141 = arith.subi %sign3A_137, %sign3A_140 : i32
    %ne3A_142 = arith.cmpi ne, %sign3A_134, %sign3A_141 : i32
    %rem3A_143 = arith.remsi %add3A_125, %jit3A_126 : i32
    %ne3A_144 = arith.constant 0 : i32
    %ne3A_145 = arith.cmpi ne, %rem3A_143, %ne3A_144 : i32
    %and3A_146 = arith.andi %ne3A_142, %ne3A_145 : i1
    %sub3A_147 = arith.constant 1 : i32
    %sub3A_148 = arith.subi %div3A_127, %sub3A_147 : i32
    %select_n3A_149 = arith.select %and3A_146, %sub3A_148, %div3A_127 : i32
    %while3A = arith.constant 0 : i32
    %while3A_150 = arith.constant 0 : i32
    %while3A_151 = arith.subi %select_n3A_149, %while3A_150 : i32
    %while3A_152 = arith.addi %while3A_150, %while3A_151 : i32
    %while3A_153 = arith.constant 1 : i32
    %while3A_154 = arith.divsi %while3A_151, %while3A_153 : i32
    %while3A_155 = arith.muli %while3A_154, %while3A_153 : i32
    %while3A_156 = arith.addi %while3A_150, %while3A_155 : i32
    %while3A_157 = arith.constant 1 : i32
    scf.for %while3A_240 = %while3A_150 to %while3A_156 step %while3A_157  : i32 {
      %mul3A_241 = arith.constant 2 : i32
      %mul3A_242 = arith.muli %while3A_240, %mul3A_241 : i32
      %add3A_243 = arith.constant 0 : i32
      %add3A_244 = arith.addi %mul3A_242, %add3A_243 : i32
      %lt3A = arith.cmpi slt, %add3A_244, %select_n3A : i32
      %convert_element_type3A_245 = arith.extui %lt3A : i1 to i32
      %cond3A_246 = arith.constant 0 : i32
      %cond3A_247 = arith.cmpi ne, %convert_element_type3A_245, %cond3A_246 : i32
      scf.if %cond3A_247 {
        %ge3A = arith.constant 2 : i32
        %ge3A_256 = arith.cmpi sge, %add3A_244, %ge3A : i32
        %convert_element_type3A_257 = arith.extui %ge3A_256 : i1 to i32
        %cond3A_258 = arith.constant 0 : i32
        %cond3A_259 = arith.cmpi ne, %convert_element_type3A_257, %cond3A_258 : i32
        scf.if %cond3A_259 {
          %dma_wait3A = arith.constant 0 : i32
          %dma_wait3A_355 = arith.constant 0 : i32
          %dma_wait3A_356 = tpu.memref_slice %arg18[%dma_wait3A, %dma_wait3A_355] : memref<1x16xi32, #tpu.memory_space<vmem>> -> memref<1x16xi32, #tpu.memory_space<vmem>>
          %dma_wait3A_357 = tpu.memref_squeeze %dma_wait3A_356 : memref<1x16xi32, #tpu.memory_space<vmem>> -> memref<16xi32, #tpu.memory_space<vmem>>
          %dma_wait3A_358 = arith.constant 0 : i32
          %dma_wait3A_359 = arith.constant 0 : i32
          %dma_wait3A_360 = tpu.memref_slice %arg4[%dma_wait3A_358, %dma_wait3A_359] : memref<16384x128xf32, #tpu.memory_space<hbm>> -> memref<16384x128xf32, #tpu.memory_space<hbm>>
          tpu.wait_indirect_dma semaphore(%arg20 : memref<!tpu.dma_semaphore, #tpu.memory_space<semaphore_mem>>) src(%arg12 : memref<16x128xf32, #tpu.memory_space<vmem>>) dst(%dma_wait3A_360 : memref<16384x128xf32, #tpu.memory_space<hbm>>)
          %dma_wait3A_361 = arith.constant 0 : i32
          %dma_wait3A_362 = arith.constant 0 : i32
          %dma_wait3A_363 = tpu.memref_slice %arg18[%dma_wait3A_361, %dma_wait3A_362] : memref<1x16xi32, #tpu.memory_space<vmem>> -> memref<1x16xi32, #tpu.memory_space<vmem>>
          %dma_wait3A_364 = tpu.memref_squeeze %dma_wait3A_363 : memref<1x16xi32, #tpu.memory_space<vmem>> -> memref<16xi32, #tpu.memory_space<vmem>>
          %dma_wait3A_365 = arith.constant 0 : i32
          %dma_wait3A_366 = arith.constant 0 : i32
          %dma_wait3A_367 = tpu.memref_slice %arg5[%dma_wait3A_365, %dma_wait3A_366] : memref<16384x128xf32, #tpu.memory_space<hbm>> -> memref<16384x128xf32, #tpu.memory_space<hbm>>
          tpu.wait_indirect_dma semaphore(%arg20 : memref<!tpu.dma_semaphore, #tpu.memory_space<semaphore_mem>>) src(%arg13 : memref<16x128xf32, #tpu.memory_space<vmem>>) dst(%dma_wait3A_367 : memref<16384x128xf32, #tpu.memory_space<hbm>>)
        } else {
        }
        %mul3A_260 = arith.constant 16 : i32
        %mul3A_261 = arith.muli %add3A_244, %mul3A_260 : i32
        %get3A = arith.index_cast %mul3A_261 : i32 to index
        %get3A_262 = tpu.vector_load %arg10[%get3A] {strides = array<i32>} : memref<16400xi32, #tpu.memory_space<vmem>>, vector<16xi32>,
        %broadcast_in_dim3A_263 = arith.constant 2048 : i32
        %broadcast_in_dim3A_264 = vector.broadcast %broadcast_in_dim3A_263 : i32 to vector<16xi32>
        %gather3A_265 = tpu.vector_load_idx %arg7[%get3A_262, %broadcast_in_dim3A_264] : memref<32x2064xf32, #tpu.memory_space<vmem>>[vector<16xi32>, vector<16xi32>], vector<16xf32>,
        %broadcast_in_dim3A_266 = arith.constant 2049 : i32
        %broadcast_in_dim3A_267 = vector.broadcast %broadcast_in_dim3A_266 : i32 to vector<16xi32>
        %gather3A_268 = tpu.vector_load_idx %arg7[%get3A_262, %broadcast_in_dim3A_267] : memref<32x2064xf32, #tpu.memory_space<vmem>>[vector<16xi32>, vector<16xi32>], vector<16xf32>,
        %broadcast_in_dim3A_269 = arith.constant 2050 : i32
        %broadcast_in_dim3A_270 = vector.broadcast %broadcast_in_dim3A_269 : i32 to vector<16xi32>
        %gather3A_271 = tpu.vector_load_idx %arg7[%get3A_262, %broadcast_in_dim3A_270] : memref<32x2064xf32, #tpu.memory_space<vmem>>[vector<16xi32>, vector<16xi32>], vector<16xf32>,
        %broadcast_in_dim3A_272 = arith.constant 2051 : i32
        %broadcast_in_dim3A_273 = vector.broadcast %broadcast_in_dim3A_272 : i32 to vector<16xi32>
        %gather3A_274 = tpu.vector_load_idx %arg7[%get3A_262, %broadcast_in_dim3A_273] : memref<32x2064xf32, #tpu.memory_space<vmem>>[vector<16xi32>, vector<16xi32>], vector<16xf32>,
        %broadcast_in_dim3A_275 = arith.constant 2052 : i32
        %broadcast_in_dim3A_276 = vector.broadcast %broadcast_in_dim3A_275 : i32 to vector<16xi32>
        %gather3A_277 = tpu.vector_load_idx %arg7[%get3A_262, %broadcast_in_dim3A_276] : memref<32x2064xf32, #tpu.memory_space<vmem>>[vector<16xi32>, vector<16xi32>], vector<16xf32>,
        %broadcast_in_dim3A_278 = arith.constant 2053 : i32
        %broadcast_in_dim3A_279 = vector.broadcast %broadcast_in_dim3A_278 : i32 to vector<16xi32>
        %gather3A_280 = tpu.vector_load_idx %arg7[%get3A_262, %broadcast_in_dim3A_279] : memref<32x2064xf32, #tpu.memory_space<vmem>>[vector<16xi32>, vector<16xi32>], vector<16xf32>,
        %broadcast_in_dim3A_281 = arith.constant 2054 : i32
        %broadcast_in_dim3A_282 = vector.broadcast %broadcast_in_dim3A_281 : i32 to vector<16xi32>
        %gather3A_283 = tpu.vector_load_idx %arg7[%get3A_262, %broadcast_in_dim3A_282] : memref<32x2064xf32, #tpu.memory_space<vmem>>[vector<16xi32>, vector<16xi32>], vector<16xf32>,
        %broadcast_in_dim3A_284 = arith.constant 2055 : i32
        %broadcast_in_dim3A_285 = vector.broadcast %broadcast_in_dim3A_284 : i32 to vector<16xi32>
        %gather3A_286 = tpu.vector_load_idx %arg7[%get3A_262, %broadcast_in_dim3A_285] : memref<32x2064xf32, #tpu.memory_space<vmem>>[vector<16xi32>, vector<16xi32>], vector<16xf32>,
        %max3A_287 = arith.maximumf %gather3A_265, %gather3A_268 : vector<16xf32>
        %max3A_288 = arith.maximumf %max3A_287, %gather3A_271 : vector<16xf32>
        %max3A_289 = arith.maximumf %max3A_288, %gather3A_274 : vector<16xf32>
        %max3A_290 = arith.maximumf %max3A_289, %gather3A_277 : vector<16xf32>
        %max3A_291 = arith.maximumf %max3A_290, %gather3A_280 : vector<16xf32>
        %max3A_292 = arith.maximumf %max3A_291, %gather3A_283 : vector<16xf32>
        %max3A_293 = arith.maximumf %max3A_292, %gather3A_286 : vector<16xf32>
        %sub3A_294 = arith.subf %gather3A_265, %max3A_293 : vector<16xf32>
        %exp3A_295 = math.exp %sub3A_294 : vector<16xf32>
        %sub3A_296 = arith.subf %gather3A_268, %max3A_293 : vector<16xf32>
        %exp3A_297 = math.exp %sub3A_296 : vector<16xf32>
        %sub3A_298 = arith.subf %gather3A_271, %max3A_293 : vector<16xf32>
        %exp3A_299 = math.exp %sub3A_298 : vector<16xf32>
        %sub3A_300 = arith.subf %gather3A_274, %max3A_293 : vector<16xf32>
        %exp3A_301 = math.exp %sub3A_300 : vector<16xf32>
        %sub3A_302 = arith.subf %gather3A_277, %max3A_293 : vector<16xf32>
        %exp3A_303 = math.exp %sub3A_302 : vector<16xf32>
        %sub3A_304 = arith.subf %gather3A_280, %max3A_293 : vector<16xf32>
        %exp3A_305 = math.exp %sub3A_304 : vector<16xf32>
        %sub3A_306 = arith.subf %gather3A_283, %max3A_293 : vector<16xf32>
        %exp3A_307 = math.exp %sub3A_306 : vector<16xf32>
        %sub3A_308 = arith.subf %gather3A_286, %max3A_293 : vector<16xf32>
        %exp3A_309 = math.exp %sub3A_308 : vector<16xf32>
        %add3A_310 = arith.addf %exp3A_295, %exp3A_297 : vector<16xf32>
        %add3A_311 = arith.addf %add3A_310, %exp3A_299 : vector<16xf32>
        %add3A_312 = arith.addf %add3A_311, %exp3A_301 : vector<16xf32>
        %add3A_313 = arith.addf %add3A_312, %exp3A_303 : vector<16xf32>
        %add3A_314 = arith.addf %add3A_313, %exp3A_305 : vector<16xf32>
        %add3A_315 = arith.addf %add3A_314, %exp3A_307 : vector<16xf32>
        %add3A_316 = arith.addf %add3A_315, %exp3A_309 : vector<16xf32>
        %div3A_317 = arith.constant 1.000000e+00 : f32
        %div3A_318 = vector.broadcast %div3A_317 : f32 to vector<16xf32>
        %div3A_319 = arith.divf %div3A_318, %add3A_316 : vector<16xf32>
        %mul3A_320 = arith.mulf %exp3A_295, %div3A_319 : vector<16xf32>
        %mul3A_321 = arith.mulf %exp3A_297, %div3A_319 : vector<16xf32>
        %mul3A_322 = arith.mulf %exp3A_299, %div3A_319 : vector<16xf32>
        %mul3A_323 = arith.mulf %exp3A_301, %div3A_319 : vector<16xf32>
        %mul3A_324 = arith.mulf %exp3A_303, %div3A_319 : vector<16xf32>
        %mul3A_325 = arith.mulf %exp3A_305, %div3A_319 : vector<16xf32>
        %mul3A_326 = arith.mulf %exp3A_307, %div3A_319 : vector<16xf32>
        %mul3A_327 = arith.mulf %exp3A_309, %div3A_319 : vector<16xf32>
        %scan3A_328 = arith.constant 0 : i32
        %scan3A_329 = arith.constant 0 : i32
        %scan3A_330 = arith.constant 128 : i32
        %scan3A_331 = arith.addi %scan3A_329, %scan3A_330 : i32
        %scan3A_332 = arith.constant 1 : i32
        scf.for %scan3A_355 = %scan3A_329 to %scan3A_331 step %scan3A_332  : i32 {
          %add3A_356 = vector.broadcast %scan3A_355 : i32 to vector<16xi32>
          %add3A_357 = arith.addi %iota3A, %add3A_356 : vector<16xi32>
          %and3A_358 = arith.constant 127 : i32
          %and3A_359 = vector.broadcast %and3A_358 : i32 to vector<16xi32>
          %and3A_360 = arith.andi %add3A_357, %and3A_359 : vector<16xi32>
          %broadcast_in_dim3A_361 = arith.constant 0.000000e+00 : f32
          %broadcast_in_dim3A_362 = vector.broadcast %broadcast_in_dim3A_361 : f32 to vector<16xf32>
          %broadcast_in_dim3A_363 = arith.constant 0.000000e+00 : f32
          %broadcast_in_dim3A_364 = vector.broadcast %broadcast_in_dim3A_363 : f32 to vector<16xf32>
          %broadcast_in_dim3A_365 = arith.constant 0 : i32
          %broadcast_in_dim3A_366 = vector.broadcast %broadcast_in_dim3A_365 : i32 to vector<16xi32>
          %add3A_367 = arith.addi %broadcast_in_dim3A_366, %and3A_360 : vector<16xi32>
          %gather3A_368 = tpu.vector_load_idx %arg7[%get3A_262, %add3A_367] : memref<32x2064xf32, #tpu.memory_space<vmem>>[vector<16xi32>, vector<16xi32>], vector<16xf32>,
          %broadcast_in_dim3A_369 = arith.constant 1024 : i32
          %broadcast_in_dim3A_370 = vector.broadcast %broadcast_in_dim3A_369 : i32 to vector<16xi32>
          %add3A_371 = arith.addi %broadcast_in_dim3A_370, %and3A_360 : vector<16xi32>
          %gather3A_372 = tpu.vector_load_idx %arg7[%get3A_262, %add3A_371] : memref<32x2064xf32, #tpu.memory_space<vmem>>[vector<16xi32>, vector<16xi32>], vector<16xf32>,
          %mul3A_373 = arith.mulf %mul3A_320, %gather3A_368 : vector<16xf32>
          %add3A_374 = arith.addf %broadcast_in_dim3A_362, %mul3A_373 : vector<16xf32>
          %exp3A_375 = math.exp %gather3A_372 : vector<16xf32>
          %mul3A_376 = arith.mulf %gather3A_368, %gather3A_368 : vector<16xf32>
          %add3A_377 = arith.addf %exp3A_375, %mul3A_376 : vector<16xf32>
          %mul3A_378 = arith.mulf %mul3A_320, %add3A_377 : vector<16xf32>
          %add3A_379 = arith.addf %broadcast_in_dim3A_364, %mul3A_378 : vector<16xf32>
          %broadcast_in_dim3A_380 = arith.constant 128 : i32
          %broadcast_in_dim3A_381 = vector.broadcast %broadcast_in_dim3A_380 : i32 to vector<16xi32>
          %add3A_382 = arith.addi %broadcast_in_dim3A_381, %and3A_360 : vector<16xi32>
          %gather3A_383 = tpu.vector_load_idx %arg7[%get3A_262, %add3A_382] : memref<32x2064xf32, #tpu.memory_space<vmem>>[vector<16xi32>, vector<16xi32>], vector<16xf32>,
          %broadcast_in_dim3A_384 = arith.constant 1152 : i32
          %broadcast_in_dim3A_385 = vector.broadcast %broadcast_in_dim3A_384 : i32 to vector<16xi32>
          %add3A_386 = arith.addi %broadcast_in_dim3A_385, %and3A_360 : vector<16xi32>
          %gather3A_387 = tpu.vector_load_idx %arg7[%get3A_262, %add3A_386] : memref<32x2064xf32, #tpu.memory_space<vmem>>[vector<16xi32>, vector<16xi32>], vector<16xf32>,
          %mul3A_388 = arith.mulf %mul3A_321, %gather3A_383 : vector<16xf32>
          %add3A_389 = arith.addf %add3A_374, %mul3A_388 : vector<16xf32>
          %exp3A_390 = math.exp %gather3A_387 : vector<16xf32>
          %mul3A_391 = arith.mulf %gather3A_383, %gather3A_383 : vector<16xf32>
          %add3A_392 = arith.addf %exp3A_390, %mul3A_391 : vector<16xf32>
          %mul3A_393 = arith.mulf %mul3A_321, %add3A_392 : vector<16xf32>
          %add3A_394 = arith.addf %add3A_379, %mul3A_393 : vector<16xf32>
          %broadcast_in_dim3A_395 = arith.constant 256 : i32
          %broadcast_in_dim3A_396 = vector.broadcast %broadcast_in_dim3A_395 : i32 to vector<16xi32>
          %add3A_397 = arith.addi %broadcast_in_dim3A_396, %and3A_360 : vector<16xi32>
          %gather3A_398 = tpu.vector_load_idx %arg7[%get3A_262, %add3A_397] : memref<32x2064xf32, #tpu.memory_space<vmem>>[vector<16xi32>, vector<16xi32>], vector<16xf32>,
          %broadcast_in_dim3A_399 = arith.constant 1280 : i32
          %broadcast_in_dim3A_400 = vector.broadcast %broadcast_in_dim3A_399 : i32 to vector<16xi32>
          %add3A_401 = arith.addi %broadcast_in_dim3A_400, %and3A_360 : vector<16xi32>
          %gather3A_402 = tpu.vector_load_idx %arg7[%get3A_262, %add3A_401] : memref<32x2064xf32, #tpu.memory_space<vmem>>[vector<16xi32>, vector<16xi32>], vector<16xf32>,
          %mul3A_403 = arith.mulf %mul3A_322, %gather3A_398 : vector<16xf32>
          %add3A_404 = arith.addf %add3A_389, %mul3A_403 : vector<16xf32>
          %exp3A_405 = math.exp %gather3A_402 : vector<16xf32>
          %mul3A_406 = arith.mulf %gather3A_398, %gather3A_398 : vector<16xf32>
          %add3A_407 = arith.addf %exp3A_405, %mul3A_406 : vector<16xf32>
          %mul3A_408 = arith.mulf %mul3A_322, %add3A_407 : vector<16xf32>
          %add3A_409 = arith.addf %add3A_394, %mul3A_408 : vector<16xf32>
          %broadcast_in_dim3A_410 = arith.constant 384 : i32
          %broadcast_in_dim3A_411 = vector.broadcast %broadcast_in_dim3A_410 : i32 to vector<16xi32>
          %add3A_412 = arith.addi %broadcast_in_dim3A_411, %and3A_360 : vector<16xi32>
          %gather3A_413 = tpu.vector_load_idx %arg7[%get3A_262, %add3A_412] : memref<32x2064xf32, #tpu.memory_space<vmem>>[vector<16xi32>, vector<16xi32>], vector<16xf32>,
          %broadcast_in_dim3A_414 = arith.constant 1408 : i32
          %broadcast_in_dim3A_415 = vector.broadcast %broadcast_in_dim3A_414 : i32 to vector<16xi32>
          %add3A_416 = arith.addi %broadcast_in_dim3A_415, %and3A_360 : vector<16xi32>
          %gather3A_417 = tpu.vector_load_idx %arg7[%get3A_262, %add3A_416] : memref<32x2064xf32, #tpu.memory_space<vmem>>[vector<16xi32>, vector<16xi32>], vector<16xf32>,
          %mul3A_418 = arith.mulf %mul3A_323, %gather3A_413 : vector<16xf32>
          %add3A_419 = arith.addf %add3A_404, %mul3A_418 : vector<16xf32>
          %exp3A_420 = math.exp %gather3A_417 : vector<16xf32>
          %mul3A_421 = arith.mulf %gather3A_413, %gather3A_413 : vector<16xf32>
          %add3A_422 = arith.addf %exp3A_420, %mul3A_421 : vector<16xf32>
          %mul3A_423 = arith.mulf %mul3A_323, %add3A_422 : vector<16xf32>
          %add3A_424 = arith.addf %add3A_409, %mul3A_423 : vector<16xf32>
          %broadcast_in_dim3A_425 = arith.constant 512 : i32
          %broadcast_in_dim3A_426 = vector.broadcast %broadcast_in_dim3A_425 : i32 to vector<16xi32>
          %add3A_427 = arith.addi %broadcast_in_dim3A_426, %and3A_360 : vector<16xi32>
          %gather3A_428 = tpu.vector_load_idx %arg7[%get3A_262, %add3A_427] : memref<32x2064xf32, #tpu.memory_space<vmem>>[vector<16xi32>, vector<16xi32>], vector<16xf32>,
          %broadcast_in_dim3A_429 = arith.constant 1536 : i32
          %broadcast_in_dim3A_430 = vector.broadcast %broadcast_in_dim3A_429 : i32 to vector<16xi32>
          %add3A_431 = arith.addi %broadcast_in_dim3A_430, %and3A_360 : vector<16xi32>
          %gather3A_432 = tpu.vector_load_idx %arg7[%get3A_262, %add3A_431] : memref<32x2064xf32, #tpu.memory_space<vmem>>[vector<16xi32>, vector<16xi32>], vector<16xf32>,
          %mul3A_433 = arith.mulf %mul3A_324, %gather3A_428 : vector<16xf32>
          %add3A_434 = arith.addf %add3A_419, %mul3A_433 : vector<16xf32>
          %exp3A_435 = math.exp %gather3A_432 : vector<16xf32>
          %mul3A_436 = arith.mulf %gather3A_428, %gather3A_428 : vector<16xf32>
          %add3A_437 = arith.addf %exp3A_435, %mul3A_436 : vector<16xf32>
          %mul3A_438 = arith.mulf %mul3A_324, %add3A_437 : vector<16xf32>
          %add3A_439 = arith.addf %add3A_424, %mul3A_438 : vector<16xf32>
          %broadcast_in_dim3A_440 = arith.constant 640 : i32
          %broadcast_in_dim3A_441 = vector.broadcast %broadcast_in_dim3A_440 : i32 to vector<16xi32>
          %add3A_442 = arith.addi %broadcast_in_dim3A_441, %and3A_360 : vector<16xi32>
          %gather3A_443 = tpu.vector_load_idx %arg7[%get3A_262, %add3A_442] : memref<32x2064xf32, #tpu.memory_space<vmem>>[vector<16xi32>, vector<16xi32>], vector<16xf32>,
          %broadcast_in_dim3A_444 = arith.constant 1664 : i32
          %broadcast_in_dim3A_445 = vector.broadcast %broadcast_in_dim3A_444 : i32 to vector<16xi32>
          %add3A_446 = arith.addi %broadcast_in_dim3A_445, %and3A_360 : vector<16xi32>
          %gather3A_447 = tpu.vector_load_idx %arg7[%get3A_262, %add3A_446] : memref<32x2064xf32, #tpu.memory_space<vmem>>[vector<16xi32>, vector<16xi32>], vector<16xf32>,
          %mul3A_448 = arith.mulf %mul3A_325, %gather3A_443 : vector<16xf32>
          %add3A_449 = arith.addf %add3A_434, %mul3A_448 : vector<16xf32>
          %exp3A_450 = math.exp %gather3A_447 : vector<16xf32>
          %mul3A_451 = arith.mulf %gather3A_443, %gather3A_443 : vector<16xf32>
          %add3A_452 = arith.addf %exp3A_450, %mul3A_451 : vector<16xf32>
          %mul3A_453 = arith.mulf %mul3A_325, %add3A_452 : vector<16xf32>
          %add3A_454 = arith.addf %add3A_439, %mul3A_453 : vector<16xf32>
          %broadcast_in_dim3A_455 = arith.constant 768 : i32
          %broadcast_in_dim3A_456 = vector.broadcast %broadcast_in_dim3A_455 : i32 to vector<16xi32>
          %add3A_457 = arith.addi %broadcast_in_dim3A_456, %and3A_360 : vector<16xi32>
          %gather3A_458 = tpu.vector_load_idx %arg7[%get3A_262, %add3A_457] : memref<32x2064xf32, #tpu.memory_space<vmem>>[vector<16xi32>, vector<16xi32>], vector<16xf32>,
          %broadcast_in_dim3A_459 = arith.constant 1792 : i32
          %broadcast_in_dim3A_460 = vector.broadcast %broadcast_in_dim3A_459 : i32 to vector<16xi32>
          %add3A_461 = arith.addi %broadcast_in_dim3A_460, %and3A_360 : vector<16xi32>
          %gather3A_462 = tpu.vector_load_idx %arg7[%get3A_262, %add3A_461] : memref<32x2064xf32, #tpu.memory_space<vmem>>[vector<16xi32>, vector<16xi32>], vector<16xf32>,
          %mul3A_463 = arith.mulf %mul3A_326, %gather3A_458 : vector<16xf32>
          %add3A_464 = arith.addf %add3A_449, %mul3A_463 : vector<16xf32>
          %exp3A_465 = math.exp %gather3A_462 : vector<16xf32>
          %mul3A_466 = arith.mulf %gather3A_458, %gather3A_458 : vector<16xf32>
          %add3A_467 = arith.addf %exp3A_465, %mul3A_466 : vector<16xf32>
          %mul3A_468 = arith.mulf %mul3A_326, %add3A_467 : vector<16xf32>
          %add3A_469 = arith.addf %add3A_454, %mul3A_468 : vector<16xf32>
          %broadcast_in_dim3A_470 = arith.constant 896 : i32
          %broadcast_in_dim3A_471 = vector.broadcast %broadcast_in_dim3A_470 : i32 to vector<16xi32>
          %add3A_472 = arith.addi %broadcast_in_dim3A_471, %and3A_360 : vector<16xi32>
          %gather3A_473 = tpu.vector_load_idx %arg7[%get3A_262, %add3A_472] : memref<32x2064xf32, #tpu.memory_space<vmem>>[vector<16xi32>, vector<16xi32>], vector<16xf32>,
          %broadcast_in_dim3A_474 = arith.constant 1920 : i32
          %broadcast_in_dim3A_475 = vector.broadcast %broadcast_in_dim3A_474 : i32 to vector<16xi32>
          %add3A_476 = arith.addi %broadcast_in_dim3A_475, %and3A_360 : vector<16xi32>
          %gather3A_477 = tpu.vector_load_idx %arg7[%get3A_262, %add3A_476] : memref<32x2064xf32, #tpu.memory_space<vmem>>[vector<16xi32>, vector<16xi32>], vector<16xf32>,
          %mul3A_478 = arith.mulf %mul3A_327, %gather3A_473 : vector<16xf32>
          %add3A_479 = arith.addf %add3A_464, %mul3A_478 : vector<16xf32>
          %exp3A_480 = math.exp %gather3A_477 : vector<16xf32>
          %mul3A_481 = arith.mulf %gather3A_473, %gather3A_473 : vector<16xf32>
          %add3A_482 = arith.addf %exp3A_480, %mul3A_481 : vector<16xf32>
          %mul3A_483 = arith.mulf %mul3A_327, %add3A_482 : vector<16xf32>
          %add3A_484 = arith.addf %add3A_469, %mul3A_483 : vector<16xf32>
          %mul3A_485 = arith.mulf %add3A_479, %add3A_479 : vector<16xf32>
          %sub3A_486 = arith.subf %add3A_484, %mul3A_485 : vector<16xf32>
          %max3A_487 = arith.constant 9.99999997E-7 : f32
          %max3A_488 = vector.broadcast %max3A_487 : f32 to vector<16xf32>
          %max3A_489 = arith.maximumf %sub3A_486, %max3A_488 : vector<16xf32>
          tpu.vector_store_idx %arg12[%iota3A, %and3A_360], %add3A_479 : memref<16x128xf32, #tpu.memory_space<vmem>>[vector<16xi32>, vector<16xi32>], vector<16xf32>,
          %bitcast3A = vector.bitcast %max3A_489 : vector<16xf32> to vector<16xi32>
          %shift_right_arithmetic3A = arith.constant 23 : i32
          %shift_right_arithmetic3A_490 = vector.broadcast %shift_right_arithmetic3A : i32 to vector<16xi32>
          %shift_right_arithmetic3A_491 = arith.shrsi %bitcast3A, %shift_right_arithmetic3A_490 : vector<16xi32>
          %sub3A_492 = arith.constant 127 : i32
          %sub3A_493 = vector.broadcast %sub3A_492 : i32 to vector<16xi32>
          %sub3A_494 = arith.subi %shift_right_arithmetic3A_491, %sub3A_493 : vector<16xi32>
          %and3A_495 = arith.constant 8388607 : i32
          %and3A_496 = vector.broadcast %and3A_495 : i32 to vector<16xi32>
          %and3A_497 = arith.andi %bitcast3A, %and3A_496 : vector<16xi32>
          %or3A = arith.constant 1065353216 : i32
          %or3A_498 = vector.broadcast %or3A : i32 to vector<16xi32>
          %or3A_499 = arith.ori %and3A_497, %or3A_498 : vector<16xi32>
          %bitcast3A_500 = vector.bitcast %or3A_499 : vector<16xi32> to vector<16xf32>
          %gt3A_501 = arith.constant 1.41421354 : f32
          %gt3A_502 = vector.broadcast %gt3A_501 : f32 to vector<16xf32>
          %gt3A_503 = arith.cmpf ogt, %bitcast3A_500, %gt3A_502 : vector<16xf32>
          %mul3A_504 = arith.constant 5.000000e-01 : f32
          %mul3A_505 = vector.broadcast %mul3A_504 : f32 to vector<16xf32>
          %mul3A_506 = arith.mulf %bitcast3A_500, %mul3A_505 : vector<16xf32>
          %select_n3A_507 = arith.select %gt3A_503, %mul3A_506, %bitcast3A_500 : vector<16xi1>, vector<16xf32>
          %add3A_508 = arith.constant 1 : i32
          %add3A_509 = vector.broadcast %add3A_508 : i32 to vector<16xi32>
          %add3A_510 = arith.addi %sub3A_494, %add3A_509 : vector<16xi32>
          %select_n3A_511 = arith.select %gt3A_503, %add3A_510, %sub3A_494 : vector<16xi1>, vector<16xi32>
          %sub3A_512 = arith.constant 1.000000e+00 : f32
          %sub3A_513 = vector.broadcast %sub3A_512 : f32 to vector<16xf32>
          %sub3A_514 = arith.subf %select_n3A_507, %sub3A_513 : vector<16xf32>
          %add3A_515 = arith.constant 1.000000e+00 : f32
          %add3A_516 = vector.broadcast %add3A_515 : f32 to vector<16xf32>
          %add3A_517 = arith.addf %select_n3A_507, %add3A_516 : vector<16xf32>
          %div3A_518 = arith.divf %sub3A_514, %add3A_517 : vector<16xf32>
          %mul3A_519 = arith.mulf %div3A_518, %div3A_518 : vector<16xf32>
          %mul3A_520 = arith.constant 2.000000e+00 : f32
          %mul3A_521 = vector.broadcast %mul3A_520 : f32 to vector<16xf32>
          %mul3A_522 = arith.mulf %mul3A_521, %div3A_518 : vector<16xf32>
          %mul3A_523 = arith.constant 0.142857149 : f32
          %mul3A_524 = vector.broadcast %mul3A_523 : f32 to vector<16xf32>
          %mul3A_525 = arith.mulf %mul3A_519, %mul3A_524 : vector<16xf32>
          %add3A_526 = arith.constant 2.000000e-01 : f32
          %add3A_527 = vector.broadcast %add3A_526 : f32 to vector<16xf32>
          %add3A_528 = arith.addf %add3A_527, %mul3A_525 : vector<16xf32>
          %mul3A_529 = arith.mulf %mul3A_519, %add3A_528 : vector<16xf32>
          %add3A_530 = arith.constant 0.333333343 : f32
          %add3A_531 = vector.broadcast %add3A_530 : f32 to vector<16xf32>
          %add3A_532 = arith.addf %add3A_531, %mul3A_529 : vector<16xf32>
          %mul3A_533 = arith.mulf %mul3A_519, %add3A_532 : vector<16xf32>
          %add3A_534 = arith.constant 1.000000e+00 : f32
          %add3A_535 = vector.broadcast %add3A_534 : f32 to vector<16xf32>
          %add3A_536 = arith.addf %add3A_535, %mul3A_533 : vector<16xf32>
          %mul3A_537 = arith.mulf %mul3A_522, %add3A_536 : vector<16xf32>
          %convert_element_type3A_538 = arith.sitofp %select_n3A_511 : vector<16xi32> to vector<16xf32>
          %mul3A_539 = arith.constant 0.693147182 : f32
          %mul3A_540 = vector.broadcast %mul3A_539 : f32 to vector<16xf32>
          %mul3A_541 = arith.mulf %convert_element_type3A_538, %mul3A_540 : vector<16xf32>
          %add3A_542 = arith.addf %mul3A_541, %mul3A_537 : vector<16xf32>
          tpu.vector_store_idx %arg13[%iota3A, %and3A_360], %add3A_542 : memref<16x128xf32, #tpu.memory_space<vmem>>[vector<16xi32>, vector<16xi32>], vector<16xf32>,
        }
        %scan3A_333 = arith.constant 128 : i32
        %mul3A_334 = arith.constant 16 : i32
        %mul3A_335 = arith.muli %add3A_244, %mul3A_334 : i32
        %get3A_336 = arith.index_cast %mul3A_335 : i32 to index
        %get3A_337 = tpu.vector_load %arg9[%get3A_336] {strides = array<i32>} : memref<16400xi32, #tpu.memory_space<vmem>>, vector<16xi32>,
        %swap3A_338 = arith.constant 0 : i32
        %swap3A_339 = arith.index_cast %swap3A_338 : i32 to index
        %swap3A_340 = arith.constant 0 : index
        %swap3A_341 = tpu.vector_load %arg18[%swap3A_339, %swap3A_340] {strides = array<i32>} : memref<1x16xi32, #tpu.memory_space<vmem>>, vector<16xi32>,
        tpu.vector_store %arg18[%swap3A_339, %swap3A_340], %get3A_337 {strides = array<i32>} : memref<1x16xi32, #tpu.memory_space<vmem>>, vector<16xi32>,
        %dma_start3A = arith.constant 0 : i32
        %dma_start3A_342 = arith.constant 0 : i32
        %dma_start3A_343 = tpu.memref_slice %arg18[%dma_start3A, %dma_start3A_342] : memref<1x16xi32, #tpu.memory_space<vmem>> -> memref<1x16xi32, #tpu.memory_space<vmem>>
        %dma_start3A_344 = tpu.memref_squeeze %dma_start3A_343 : memref<1x16xi32, #tpu.memory_space<vmem>> -> memref<16xi32, #tpu.memory_space<vmem>>
        %dma_start3A_345 = arith.constant 0 : i32
        %dma_start3A_346 = arith.constant 0 : i32
        %dma_start3A_347 = tpu.memref_slice %arg4[%dma_start3A_345, %dma_start3A_346] : memref<16384x128xf32, #tpu.memory_space<hbm>> -> memref<16384x128xf32, #tpu.memory_space<hbm>>
        tpu.enqueue_indirect_dma source(%arg12 : memref<16x128xf32, #tpu.memory_space<vmem>>) target(%dma_start3A_347 : memref<16384x128xf32, #tpu.memory_space<hbm>>) offsets(%dma_start3A_344 : memref<16xi32, #tpu.memory_space<vmem>>) semaphore(%arg20 : memref<!tpu.dma_semaphore, #tpu.memory_space<semaphore_mem>>)
        %dma_start3A_348 = arith.constant 0 : i32
        %dma_start3A_349 = arith.constant 0 : i32
        %dma_start3A_350 = tpu.memref_slice %arg18[%dma_start3A_348, %dma_start3A_349] : memref<1x16xi32, #tpu.memory_space<vmem>> -> memref<1x16xi32, #tpu.memory_space<vmem>>
        %dma_start3A_351 = tpu.memref_squeeze %dma_start3A_350 : memref<1x16xi32, #tpu.memory_space<vmem>> -> memref<16xi32, #tpu.memory_space<vmem>>
        %dma_start3A_352 = arith.constant 0 : i32
        %dma_start3A_353 = arith.constant 0 : i32
        %dma_start3A_354 = tpu.memref_slice %arg5[%dma_start3A_352, %dma_start3A_353] : memref<16384x128xf32, #tpu.memory_space<hbm>> -> memref<16384x128xf32, #tpu.memory_space<hbm>>
        tpu.enqueue_indirect_dma source(%arg13 : memref<16x128xf32, #tpu.memory_space<vmem>>) target(%dma_start3A_354 : memref<16384x128xf32, #tpu.memory_space<hbm>>) offsets(%dma_start3A_351 : memref<16xi32, #tpu.memory_space<vmem>>) semaphore(%arg20 : memref<!tpu.dma_semaphore, #tpu.memory_space<semaphore_mem>>)
      } else {
      }
      %mul3A_248 = arith.constant 2 : i32
      %mul3A_249 = arith.muli %while3A_240, %mul3A_248 : i32
      %add3A_250 = arith.constant 1 : i32
      %add3A_251 = arith.addi %mul3A_249, %add3A_250 : i32
      %lt3A_252 = arith.cmpi slt, %add3A_251, %select_n3A : i32
      %convert_element_type3A_253 = arith.extui %lt3A_252 : i1 to i32
      %cond3A_254 = arith.constant 0 : i32
      %cond3A_255 = arith.cmpi ne, %convert_element_type3A_253, %cond3A_254 : i32
      scf.if %cond3A_255 {
        %ge3A = arith.constant 2 : i32
        %ge3A_256 = arith.cmpi sge, %add3A_251, %ge3A : i32
        %convert_element_type3A_257 = arith.extui %ge3A_256 : i1 to i32
        %cond3A_258 = arith.constant 0 : i32
        %cond3A_259 = arith.cmpi ne, %convert_element_type3A_257, %cond3A_258 : i32
        scf.if %cond3A_259 {
          %dma_wait3A = arith.constant 0 : i32
          %dma_wait3A_355 = arith.constant 0 : i32
          %dma_wait3A_356 = tpu.memref_slice %arg19[%dma_wait3A, %dma_wait3A_355] : memref<1x16xi32, #tpu.memory_space<vmem>> -> memref<1x16xi32, #tpu.memory_space<vmem>>
          %dma_wait3A_357 = tpu.memref_squeeze %dma_wait3A_356 : memref<1x16xi32, #tpu.memory_space<vmem>> -> memref<16xi32, #tpu.memory_space<vmem>>
          %dma_wait3A_358 = arith.constant 0 : i32
          %dma_wait3A_359 = arith.constant 0 : i32
          %dma_wait3A_360 = tpu.memref_slice %arg4[%dma_wait3A_358, %dma_wait3A_359] : memref<16384x128xf32, #tpu.memory_space<hbm>> -> memref<16384x128xf32, #tpu.memory_space<hbm>>
          tpu.wait_indirect_dma semaphore(%arg21 : memref<!tpu.dma_semaphore, #tpu.memory_space<semaphore_mem>>) src(%arg14 : memref<16x128xf32, #tpu.memory_space<vmem>>) dst(%dma_wait3A_360 : memref<16384x128xf32, #tpu.memory_space<hbm>>)
          %dma_wait3A_361 = arith.constant 0 : i32
          %dma_wait3A_362 = arith.constant 0 : i32
          %dma_wait3A_363 = tpu.memref_slice %arg19[%dma_wait3A_361, %dma_wait3A_362] : memref<1x16xi32, #tpu.memory_space<vmem>> -> memref<1x16xi32, #tpu.memory_space<vmem>>
          %dma_wait3A_364 = tpu.memref_squeeze %dma_wait3A_363 : memref<1x16xi32, #tpu.memory_space<vmem>> -> memref<16xi32, #tpu.memory_space<vmem>>
          %dma_wait3A_365 = arith.constant 0 : i32
          %dma_wait3A_366 = arith.constant 0 : i32
          %dma_wait3A_367 = tpu.memref_slice %arg5[%dma_wait3A_365, %dma_wait3A_366] : memref<16384x128xf32, #tpu.memory_space<hbm>> -> memref<16384x128xf32, #tpu.memory_space<hbm>>
          tpu.wait_indirect_dma semaphore(%arg21 : memref<!tpu.dma_semaphore, #tpu.memory_space<semaphore_mem>>) src(%arg15 : memref<16x128xf32, #tpu.memory_space<vmem>>) dst(%dma_wait3A_367 : memref<16384x128xf32, #tpu.memory_space<hbm>>)
        } else {
        }
        %mul3A_260 = arith.constant 16 : i32
        %mul3A_261 = arith.muli %add3A_251, %mul3A_260 : i32
        %get3A = arith.index_cast %mul3A_261 : i32 to index
        %get3A_262 = tpu.vector_load %arg10[%get3A] {strides = array<i32>} : memref<16400xi32, #tpu.memory_space<vmem>>, vector<16xi32>,
        %broadcast_in_dim3A_263 = arith.constant 2048 : i32
        %broadcast_in_dim3A_264 = vector.broadcast %broadcast_in_dim3A_263 : i32 to vector<16xi32>
        %gather3A_265 = tpu.vector_load_idx %arg7[%get3A_262, %broadcast_in_dim3A_264] : memref<32x2064xf32, #tpu.memory_space<vmem>>[vector<16xi32>, vector<16xi32>], vector<16xf32>,
        %broadcast_in_dim3A_266 = arith.constant 2049 : i32
        %broadcast_in_dim3A_267 = vector.broadcast %broadcast_in_dim3A_266 : i32 to vector<16xi32>
        %gather3A_268 = tpu.vector_load_idx %arg7[%get3A_262, %broadcast_in_dim3A_267] : memref<32x2064xf32, #tpu.memory_space<vmem>>[vector<16xi32>, vector<16xi32>], vector<16xf32>,
        %broadcast_in_dim3A_269 = arith.constant 2050 : i32
        %broadcast_in_dim3A_270 = vector.broadcast %broadcast_in_dim3A_269 : i32 to vector<16xi32>
        %gather3A_271 = tpu.vector_load_idx %arg7[%get3A_262, %broadcast_in_dim3A_270] : memref<32x2064xf32, #tpu.memory_space<vmem>>[vector<16xi32>, vector<16xi32>], vector<16xf32>,
        %broadcast_in_dim3A_272 = arith.constant 2051 : i32
        %broadcast_in_dim3A_273 = vector.broadcast %broadcast_in_dim3A_272 : i32 to vector<16xi32>
        %gather3A_274 = tpu.vector_load_idx %arg7[%get3A_262, %broadcast_in_dim3A_273] : memref<32x2064xf32, #tpu.memory_space<vmem>>[vector<16xi32>, vector<16xi32>], vector<16xf32>,
        %broadcast_in_dim3A_275 = arith.constant 2052 : i32
        %broadcast_in_dim3A_276 = vector.broadcast %broadcast_in_dim3A_275 : i32 to vector<16xi32>
        %gather3A_277 = tpu.vector_load_idx %arg7[%get3A_262, %broadcast_in_dim3A_276] : memref<32x2064xf32, #tpu.memory_space<vmem>>[vector<16xi32>, vector<16xi32>], vector<16xf32>,
        %broadcast_in_dim3A_278 = arith.constant 2053 : i32
        %broadcast_in_dim3A_279 = vector.broadcast %broadcast_in_dim3A_278 : i32 to vector<16xi32>
        %gather3A_280 = tpu.vector_load_idx %arg7[%get3A_262, %broadcast_in_dim3A_279] : memref<32x2064xf32, #tpu.memory_space<vmem>>[vector<16xi32>, vector<16xi32>], vector<16xf32>,
        %broadcast_in_dim3A_281 = arith.constant 2054 : i32
        %broadcast_in_dim3A_282 = vector.broadcast %broadcast_in_dim3A_281 : i32 to vector<16xi32>
        %gather3A_283 = tpu.vector_load_idx %arg7[%get3A_262, %broadcast_in_dim3A_282] : memref<32x2064xf32, #tpu.memory_space<vmem>>[vector<16xi32>, vector<16xi32>], vector<16xf32>,
        %broadcast_in_dim3A_284 = arith.constant 2055 : i32
        %broadcast_in_dim3A_285 = vector.broadcast %broadcast_in_dim3A_284 : i32 to vector<16xi32>
        %gather3A_286 = tpu.vector_load_idx %arg7[%get3A_262, %broadcast_in_dim3A_285] : memref<32x2064xf32, #tpu.memory_space<vmem>>[vector<16xi32>, vector<16xi32>], vector<16xf32>,
        %max3A_287 = arith.maximumf %gather3A_265, %gather3A_268 : vector<16xf32>
        %max3A_288 = arith.maximumf %max3A_287, %gather3A_271 : vector<16xf32>
        %max3A_289 = arith.maximumf %max3A_288, %gather3A_274 : vector<16xf32>
        %max3A_290 = arith.maximumf %max3A_289, %gather3A_277 : vector<16xf32>
        %max3A_291 = arith.maximumf %max3A_290, %gather3A_280 : vector<16xf32>
        %max3A_292 = arith.maximumf %max3A_291, %gather3A_283 : vector<16xf32>
        %max3A_293 = arith.maximumf %max3A_292, %gather3A_286 : vector<16xf32>
        %sub3A_294 = arith.subf %gather3A_265, %max3A_293 : vector<16xf32>
        %exp3A_295 = math.exp %sub3A_294 : vector<16xf32>
        %sub3A_296 = arith.subf %gather3A_268, %max3A_293 : vector<16xf32>
        %exp3A_297 = math.exp %sub3A_296 : vector<16xf32>
        %sub3A_298 = arith.subf %gather3A_271, %max3A_293 : vector<16xf32>
        %exp3A_299 = math.exp %sub3A_298 : vector<16xf32>
        %sub3A_300 = arith.subf %gather3A_274, %max3A_293 : vector<16xf32>
        %exp3A_301 = math.exp %sub3A_300 : vector<16xf32>
        %sub3A_302 = arith.subf %gather3A_277, %max3A_293 : vector<16xf32>
        %exp3A_303 = math.exp %sub3A_302 : vector<16xf32>
        %sub3A_304 = arith.subf %gather3A_280, %max3A_293 : vector<16xf32>
        %exp3A_305 = math.exp %sub3A_304 : vector<16xf32>
        %sub3A_306 = arith.subf %gather3A_283, %max3A_293 : vector<16xf32>
        %exp3A_307 = math.exp %sub3A_306 : vector<16xf32>
        %sub3A_308 = arith.subf %gather3A_286, %max3A_293 : vector<16xf32>
        %exp3A_309 = math.exp %sub3A_308 : vector<16xf32>
        %add3A_310 = arith.addf %exp3A_295, %exp3A_297 : vector<16xf32>
        %add3A_311 = arith.addf %add3A_310, %exp3A_299 : vector<16xf32>
        %add3A_312 = arith.addf %add3A_311, %exp3A_301 : vector<16xf32>
        %add3A_313 = arith.addf %add3A_312, %exp3A_303 : vector<16xf32>
        %add3A_314 = arith.addf %add3A_313, %exp3A_305 : vector<16xf32>
        %add3A_315 = arith.addf %add3A_314, %exp3A_307 : vector<16xf32>
        %add3A_316 = arith.addf %add3A_315, %exp3A_309 : vector<16xf32>
        %div3A_317 = arith.constant 1.000000e+00 : f32
        %div3A_318 = vector.broadcast %div3A_317 : f32 to vector<16xf32>
        %div3A_319 = arith.divf %div3A_318, %add3A_316 : vector<16xf32>
        %mul3A_320 = arith.mulf %exp3A_295, %div3A_319 : vector<16xf32>
        %mul3A_321 = arith.mulf %exp3A_297, %div3A_319 : vector<16xf32>
        %mul3A_322 = arith.mulf %exp3A_299, %div3A_319 : vector<16xf32>
        %mul3A_323 = arith.mulf %exp3A_301, %div3A_319 : vector<16xf32>
        %mul3A_324 = arith.mulf %exp3A_303, %div3A_319 : vector<16xf32>
        %mul3A_325 = arith.mulf %exp3A_305, %div3A_319 : vector<16xf32>
        %mul3A_326 = arith.mulf %exp3A_307, %div3A_319 : vector<16xf32>
        %mul3A_327 = arith.mulf %exp3A_309, %div3A_319 : vector<16xf32>
        %scan3A_328 = arith.constant 0 : i32
        %scan3A_329 = arith.constant 0 : i32
        %scan3A_330 = arith.constant 128 : i32
        %scan3A_331 = arith.addi %scan3A_329, %scan3A_330 : i32
        %scan3A_332 = arith.constant 1 : i32
        scf.for %scan3A_355 = %scan3A_329 to %scan3A_331 step %scan3A_332  : i32 {
          %add3A_356 = vector.broadcast %scan3A_355 : i32 to vector<16xi32>
          %add3A_357 = arith.addi %iota3A, %add3A_356 : vector<16xi32>
          %and3A_358 = arith.constant 127 : i32
          %and3A_359 = vector.broadcast %and3A_358 : i32 to vector<16xi32>
          %and3A_360 = arith.andi %add3A_357, %and3A_359 : vector<16xi32>
          %broadcast_in_dim3A_361 = arith.constant 0.000000e+00 : f32
          %broadcast_in_dim3A_362 = vector.broadcast %broadcast_in_dim3A_361 : f32 to vector<16xf32>
          %broadcast_in_dim3A_363 = arith.constant 0.000000e+00 : f32
          %broadcast_in_dim3A_364 = vector.broadcast %broadcast_in_dim3A_363 : f32 to vector<16xf32>
          %broadcast_in_dim3A_365 = arith.constant 0 : i32
          %broadcast_in_dim3A_366 = vector.broadcast %broadcast_in_dim3A_365 : i32 to vector<16xi32>
          %add3A_367 = arith.addi %broadcast_in_dim3A_366, %and3A_360 : vector<16xi32>
          %gather3A_368 = tpu.vector_load_idx %arg7[%get3A_262, %add3A_367] : memref<32x2064xf32, #tpu.memory_space<vmem>>[vector<16xi32>, vector<16xi32>], vector<16xf32>,
          %broadcast_in_dim3A_369 = arith.constant 1024 : i32
          %broadcast_in_dim3A_370 = vector.broadcast %broadcast_in_dim3A_369 : i32 to vector<16xi32>
          %add3A_371 = arith.addi %broadcast_in_dim3A_370, %and3A_360 : vector<16xi32>
          %gather3A_372 = tpu.vector_load_idx %arg7[%get3A_262, %add3A_371] : memref<32x2064xf32, #tpu.memory_space<vmem>>[vector<16xi32>, vector<16xi32>], vector<16xf32>,
          %mul3A_373 = arith.mulf %mul3A_320, %gather3A_368 : vector<16xf32>
          %add3A_374 = arith.addf %broadcast_in_dim3A_362, %mul3A_373 : vector<16xf32>
          %exp3A_375 = math.exp %gather3A_372 : vector<16xf32>
          %mul3A_376 = arith.mulf %gather3A_368, %gather3A_368 : vector<16xf32>
          %add3A_377 = arith.addf %exp3A_375, %mul3A_376 : vector<16xf32>
          %mul3A_378 = arith.mulf %mul3A_320, %add3A_377 : vector<16xf32>
          %add3A_379 = arith.addf %broadcast_in_dim3A_364, %mul3A_378 : vector<16xf32>
          %broadcast_in_dim3A_380 = arith.constant 128 : i32
          %broadcast_in_dim3A_381 = vector.broadcast %broadcast_in_dim3A_380 : i32 to vector<16xi32>
          %add3A_382 = arith.addi %broadcast_in_dim3A_381, %and3A_360 : vector<16xi32>
          %gather3A_383 = tpu.vector_load_idx %arg7[%get3A_262, %add3A_382] : memref<32x2064xf32, #tpu.memory_space<vmem>>[vector<16xi32>, vector<16xi32>], vector<16xf32>,
          %broadcast_in_dim3A_384 = arith.constant 1152 : i32
          %broadcast_in_dim3A_385 = vector.broadcast %broadcast_in_dim3A_384 : i32 to vector<16xi32>
          %add3A_386 = arith.addi %broadcast_in_dim3A_385, %and3A_360 : vector<16xi32>
          %gather3A_387 = tpu.vector_load_idx %arg7[%get3A_262, %add3A_386] : memref<32x2064xf32, #tpu.memory_space<vmem>>[vector<16xi32>, vector<16xi32>], vector<16xf32>,
          %mul3A_388 = arith.mulf %mul3A_321, %gather3A_383 : vector<16xf32>
          %add3A_389 = arith.addf %add3A_374, %mul3A_388 : vector<16xf32>
          %exp3A_390 = math.exp %gather3A_387 : vector<16xf32>
          %mul3A_391 = arith.mulf %gather3A_383, %gather3A_383 : vector<16xf32>
          %add3A_392 = arith.addf %exp3A_390, %mul3A_391 : vector<16xf32>
          %mul3A_393 = arith.mulf %mul3A_321, %add3A_392 : vector<16xf32>
          %add3A_394 = arith.addf %add3A_379, %mul3A_393 : vector<16xf32>
          %broadcast_in_dim3A_395 = arith.constant 256 : i32
          %broadcast_in_dim3A_396 = vector.broadcast %broadcast_in_dim3A_395 : i32 to vector<16xi32>
          %add3A_397 = arith.addi %broadcast_in_dim3A_396, %and3A_360 : vector<16xi32>
          %gather3A_398 = tpu.vector_load_idx %arg7[%get3A_262, %add3A_397] : memref<32x2064xf32, #tpu.memory_space<vmem>>[vector<16xi32>, vector<16xi32>], vector<16xf32>,
          %broadcast_in_dim3A_399 = arith.constant 1280 : i32
          %broadcast_in_dim3A_400 = vector.broadcast %broadcast_in_dim3A_399 : i32 to vector<16xi32>
          %add3A_401 = arith.addi %broadcast_in_dim3A_400, %and3A_360 : vector<16xi32>
          %gather3A_402 = tpu.vector_load_idx %arg7[%get3A_262, %add3A_401] : memref<32x2064xf32, #tpu.memory_space<vmem>>[vector<16xi32>, vector<16xi32>], vector<16xf32>,
          %mul3A_403 = arith.mulf %mul3A_322, %gather3A_398 : vector<16xf32>
          %add3A_404 = arith.addf %add3A_389, %mul3A_403 : vector<16xf32>
          %exp3A_405 = math.exp %gather3A_402 : vector<16xf32>
          %mul3A_406 = arith.mulf %gather3A_398, %gather3A_398 : vector<16xf32>
          %add3A_407 = arith.addf %exp3A_405, %mul3A_406 : vector<16xf32>
          %mul3A_408 = arith.mulf %mul3A_322, %add3A_407 : vector<16xf32>
          %add3A_409 = arith.addf %add3A_394, %mul3A_408 : vector<16xf32>
          %broadcast_in_dim3A_410 = arith.constant 384 : i32
          %broadcast_in_dim3A_411 = vector.broadcast %broadcast_in_dim3A_410 : i32 to vector<16xi32>
          %add3A_412 = arith.addi %broadcast_in_dim3A_411, %and3A_360 : vector<16xi32>
          %gather3A_413 = tpu.vector_load_idx %arg7[%get3A_262, %add3A_412] : memref<32x2064xf32, #tpu.memory_space<vmem>>[vector<16xi32>, vector<16xi32>], vector<16xf32>,
          %broadcast_in_dim3A_414 = arith.constant 1408 : i32
          %broadcast_in_dim3A_415 = vector.broadcast %broadcast_in_dim3A_414 : i32 to vector<16xi32>
          %add3A_416 = arith.addi %broadcast_in_dim3A_415, %and3A_360 : vector<16xi32>
          %gather3A_417 = tpu.vector_load_idx %arg7[%get3A_262, %add3A_416] : memref<32x2064xf32, #tpu.memory_space<vmem>>[vector<16xi32>, vector<16xi32>], vector<16xf32>,
          %mul3A_418 = arith.mulf %mul3A_323, %gather3A_413 : vector<16xf32>
          %add3A_419 = arith.addf %add3A_404, %mul3A_418 : vector<16xf32>
          %exp3A_420 = math.exp %gather3A_417 : vector<16xf32>
          %mul3A_421 = arith.mulf %gather3A_413, %gather3A_413 : vector<16xf32>
          %add3A_422 = arith.addf %exp3A_420, %mul3A_421 : vector<16xf32>
          %mul3A_423 = arith.mulf %mul3A_323, %add3A_422 : vector<16xf32>
          %add3A_424 = arith.addf %add3A_409, %mul3A_423 : vector<16xf32>
          %broadcast_in_dim3A_425 = arith.constant 512 : i32
          %broadcast_in_dim3A_426 = vector.broadcast %broadcast_in_dim3A_425 : i32 to vector<16xi32>
          %add3A_427 = arith.addi %broadcast_in_dim3A_426, %and3A_360 : vector<16xi32>
          %gather3A_428 = tpu.vector_load_idx %arg7[%get3A_262, %add3A_427] : memref<32x2064xf32, #tpu.memory_space<vmem>>[vector<16xi32>, vector<16xi32>], vector<16xf32>,
          %broadcast_in_dim3A_429 = arith.constant 1536 : i32
          %broadcast_in_dim3A_430 = vector.broadcast %broadcast_in_dim3A_429 : i32 to vector<16xi32>
          %add3A_431 = arith.addi %broadcast_in_dim3A_430, %and3A_360 : vector<16xi32>
          %gather3A_432 = tpu.vector_load_idx %arg7[%get3A_262, %add3A_431] : memref<32x2064xf32, #tpu.memory_space<vmem>>[vector<16xi32>, vector<16xi32>], vector<16xf32>,
          %mul3A_433 = arith.mulf %mul3A_324, %gather3A_428 : vector<16xf32>
          %add3A_434 = arith.addf %add3A_419, %mul3A_433 : vector<16xf32>
          %exp3A_435 = math.exp %gather3A_432 : vector<16xf32>
          %mul3A_436 = arith.mulf %gather3A_428, %gather3A_428 : vector<16xf32>
          %add3A_437 = arith.addf %exp3A_435, %mul3A_436 : vector<16xf32>
          %mul3A_438 = arith.mulf %mul3A_324, %add3A_437 : vector<16xf32>
          %add3A_439 = arith.addf %add3A_424, %mul3A_438 : vector<16xf32>
          %broadcast_in_dim3A_440 = arith.constant 640 : i32
          %broadcast_in_dim3A_441 = vector.broadcast %broadcast_in_dim3A_440 : i32 to vector<16xi32>
          %add3A_442 = arith.addi %broadcast_in_dim3A_441, %and3A_360 : vector<16xi32>
          %gather3A_443 = tpu.vector_load_idx %arg7[%get3A_262, %add3A_442] : memref<32x2064xf32, #tpu.memory_space<vmem>>[vector<16xi32>, vector<16xi32>], vector<16xf32>,
          %broadcast_in_dim3A_444 = arith.constant 1664 : i32
          %broadcast_in_dim3A_445 = vector.broadcast %broadcast_in_dim3A_444 : i32 to vector<16xi32>
          %add3A_446 = arith.addi %broadcast_in_dim3A_445, %and3A_360 : vector<16xi32>
          %gather3A_447 = tpu.vector_load_idx %arg7[%get3A_262, %add3A_446] : memref<32x2064xf32, #tpu.memory_space<vmem>>[vector<16xi32>, vector<16xi32>], vector<16xf32>,
          %mul3A_448 = arith.mulf %mul3A_325, %gather3A_443 : vector<16xf32>
          %add3A_449 = arith.addf %add3A_434, %mul3A_448 : vector<16xf32>
          %exp3A_450 = math.exp %gather3A_447 : vector<16xf32>
          %mul3A_451 = arith.mulf %gather3A_443, %gather3A_443 : vector<16xf32>
          %add3A_452 = arith.addf %exp3A_450, %mul3A_451 : vector<16xf32>
          %mul3A_453 = arith.mulf %mul3A_325, %add3A_452 : vector<16xf32>
          %add3A_454 = arith.addf %add3A_439, %mul3A_453 : vector<16xf32>
          %broadcast_in_dim3A_455 = arith.constant 768 : i32
          %broadcast_in_dim3A_456 = vector.broadcast %broadcast_in_dim3A_455 : i32 to vector<16xi32>
          %add3A_457 = arith.addi %broadcast_in_dim3A_456, %and3A_360 : vector<16xi32>
          %gather3A_458 = tpu.vector_load_idx %arg7[%get3A_262, %add3A_457] : memref<32x2064xf32, #tpu.memory_space<vmem>>[vector<16xi32>, vector<16xi32>], vector<16xf32>,
          %broadcast_in_dim3A_459 = arith.constant 1792 : i32
          %broadcast_in_dim3A_460 = vector.broadcast %broadcast_in_dim3A_459 : i32 to vector<16xi32>
          %add3A_461 = arith.addi %broadcast_in_dim3A_460, %and3A_360 : vector<16xi32>
          %gather3A_462 = tpu.vector_load_idx %arg7[%get3A_262, %add3A_461] : memref<32x2064xf32, #tpu.memory_space<vmem>>[vector<16xi32>, vector<16xi32>], vector<16xf32>,
          %mul3A_463 = arith.mulf %mul3A_326, %gather3A_458 : vector<16xf32>
          %add3A_464 = arith.addf %add3A_449, %mul3A_463 : vector<16xf32>
          %exp3A_465 = math.exp %gather3A_462 : vector<16xf32>
          %mul3A_466 = arith.mulf %gather3A_458, %gather3A_458 : vector<16xf32>
          %add3A_467 = arith.addf %exp3A_465, %mul3A_466 : vector<16xf32>
          %mul3A_468 = arith.mulf %mul3A_326, %add3A_467 : vector<16xf32>
          %add3A_469 = arith.addf %add3A_454, %mul3A_468 : vector<16xf32>
          %broadcast_in_dim3A_470 = arith.constant 896 : i32
          %broadcast_in_dim3A_471 = vector.broadcast %broadcast_in_dim3A_470 : i32 to vector<16xi32>
          %add3A_472 = arith.addi %broadcast_in_dim3A_471, %and3A_360 : vector<16xi32>
          %gather3A_473 = tpu.vector_load_idx %arg7[%get3A_262, %add3A_472] : memref<32x2064xf32, #tpu.memory_space<vmem>>[vector<16xi32>, vector<16xi32>], vector<16xf32>,
          %broadcast_in_dim3A_474 = arith.constant 1920 : i32
          %broadcast_in_dim3A_475 = vector.broadcast %broadcast_in_dim3A_474 : i32 to vector<16xi32>
          %add3A_476 = arith.addi %broadcast_in_dim3A_475, %and3A_360 : vector<16xi32>
          %gather3A_477 = tpu.vector_load_idx %arg7[%get3A_262, %add3A_476] : memref<32x2064xf32, #tpu.memory_space<vmem>>[vector<16xi32>, vector<16xi32>], vector<16xf32>,
          %mul3A_478 = arith.mulf %mul3A_327, %gather3A_473 : vector<16xf32>
          %add3A_479 = arith.addf %add3A_464, %mul3A_478 : vector<16xf32>
          %exp3A_480 = math.exp %gather3A_477 : vector<16xf32>
          %mul3A_481 = arith.mulf %gather3A_473, %gather3A_473 : vector<16xf32>
          %add3A_482 = arith.addf %exp3A_480, %mul3A_481 : vector<16xf32>
          %mul3A_483 = arith.mulf %mul3A_327, %add3A_482 : vector<16xf32>
          %add3A_484 = arith.addf %add3A_469, %mul3A_483 : vector<16xf32>
          %mul3A_485 = arith.mulf %add3A_479, %add3A_479 : vector<16xf32>
          %sub3A_486 = arith.subf %add3A_484, %mul3A_485 : vector<16xf32>
          %max3A_487 = arith.constant 9.99999997E-7 : f32
          %max3A_488 = vector.broadcast %max3A_487 : f32 to vector<16xf32>
          %max3A_489 = arith.maximumf %sub3A_486, %max3A_488 : vector<16xf32>
          tpu.vector_store_idx %arg14[%iota3A, %and3A_360], %add3A_479 : memref<16x128xf32, #tpu.memory_space<vmem>>[vector<16xi32>, vector<16xi32>], vector<16xf32>,
          %bitcast3A = vector.bitcast %max3A_489 : vector<16xf32> to vector<16xi32>
          %shift_right_arithmetic3A = arith.constant 23 : i32
          %shift_right_arithmetic3A_490 = vector.broadcast %shift_right_arithmetic3A : i32 to vector<16xi32>
          %shift_right_arithmetic3A_491 = arith.shrsi %bitcast3A, %shift_right_arithmetic3A_490 : vector<16xi32>
          %sub3A_492 = arith.constant 127 : i32
          %sub3A_493 = vector.broadcast %sub3A_492 : i32 to vector<16xi32>
          %sub3A_494 = arith.subi %shift_right_arithmetic3A_491, %sub3A_493 : vector<16xi32>
          %and3A_495 = arith.constant 8388607 : i32
          %and3A_496 = vector.broadcast %and3A_495 : i32 to vector<16xi32>
          %and3A_497 = arith.andi %bitcast3A, %and3A_496 : vector<16xi32>
          %or3A = arith.constant 1065353216 : i32
          %or3A_498 = vector.broadcast %or3A : i32 to vector<16xi32>
          %or3A_499 = arith.ori %and3A_497, %or3A_498 : vector<16xi32>
          %bitcast3A_500 = vector.bitcast %or3A_499 : vector<16xi32> to vector<16xf32>
          %gt3A_501 = arith.constant 1.41421354 : f32
          %gt3A_502 = vector.broadcast %gt3A_501 : f32 to vector<16xf32>
          %gt3A_503 = arith.cmpf ogt, %bitcast3A_500, %gt3A_502 : vector<16xf32>
          %mul3A_504 = arith.constant 5.000000e-01 : f32
          %mul3A_505 = vector.broadcast %mul3A_504 : f32 to vector<16xf32>
          %mul3A_506 = arith.mulf %bitcast3A_500, %mul3A_505 : vector<16xf32>
          %select_n3A_507 = arith.select %gt3A_503, %mul3A_506, %bitcast3A_500 : vector<16xi1>, vector<16xf32>
          %add3A_508 = arith.constant 1 : i32
          %add3A_509 = vector.broadcast %add3A_508 : i32 to vector<16xi32>
          %add3A_510 = arith.addi %sub3A_494, %add3A_509 : vector<16xi32>
          %select_n3A_511 = arith.select %gt3A_503, %add3A_510, %sub3A_494 : vector<16xi1>, vector<16xi32>
          %sub3A_512 = arith.constant 1.000000e+00 : f32
          %sub3A_513 = vector.broadcast %sub3A_512 : f32 to vector<16xf32>
          %sub3A_514 = arith.subf %select_n3A_507, %sub3A_513 : vector<16xf32>
          %add3A_515 = arith.constant 1.000000e+00 : f32
          %add3A_516 = vector.broadcast %add3A_515 : f32 to vector<16xf32>
          %add3A_517 = arith.addf %select_n3A_507, %add3A_516 : vector<16xf32>
          %div3A_518 = arith.divf %sub3A_514, %add3A_517 : vector<16xf32>
          %mul3A_519 = arith.mulf %div3A_518, %div3A_518 : vector<16xf32>
          %mul3A_520 = arith.constant 2.000000e+00 : f32
          %mul3A_521 = vector.broadcast %mul3A_520 : f32 to vector<16xf32>
          %mul3A_522 = arith.mulf %mul3A_521, %div3A_518 : vector<16xf32>
          %mul3A_523 = arith.constant 0.142857149 : f32
          %mul3A_524 = vector.broadcast %mul3A_523 : f32 to vector<16xf32>
          %mul3A_525 = arith.mulf %mul3A_519, %mul3A_524 : vector<16xf32>
          %add3A_526 = arith.constant 2.000000e-01 : f32
          %add3A_527 = vector.broadcast %add3A_526 : f32 to vector<16xf32>
          %add3A_528 = arith.addf %add3A_527, %mul3A_525 : vector<16xf32>
          %mul3A_529 = arith.mulf %mul3A_519, %add3A_528 : vector<16xf32>
          %add3A_530 = arith.constant 0.333333343 : f32
          %add3A_531 = vector.broadcast %add3A_530 : f32 to vector<16xf32>
          %add3A_532 = arith.addf %add3A_531, %mul3A_529 : vector<16xf32>
          %mul3A_533 = arith.mulf %mul3A_519, %add3A_532 : vector<16xf32>
          %add3A_534 = arith.constant 1.000000e+00 : f32
          %add3A_535 = vector.broadcast %add3A_534 : f32 to vector<16xf32>
          %add3A_536 = arith.addf %add3A_535, %mul3A_533 : vector<16xf32>
          %mul3A_537 = arith.mulf %mul3A_522, %add3A_536 : vector<16xf32>
          %convert_element_type3A_538 = arith.sitofp %select_n3A_511 : vector<16xi32> to vector<16xf32>
          %mul3A_539 = arith.constant 0.693147182 : f32
          %mul3A_540 = vector.broadcast %mul3A_539 : f32 to vector<16xf32>
          %mul3A_541 = arith.mulf %convert_element_type3A_538, %mul3A_540 : vector<16xf32>
          %add3A_542 = arith.addf %mul3A_541, %mul3A_537 : vector<16xf32>
          tpu.vector_store_idx %arg15[%iota3A, %and3A_360], %add3A_542 : memref<16x128xf32, #tpu.memory_space<vmem>>[vector<16xi32>, vector<16xi32>], vector<16xf32>,
        }
        %scan3A_333 = arith.constant 128 : i32
        %mul3A_334 = arith.constant 16 : i32
        %mul3A_335 = arith.muli %add3A_251, %mul3A_334 : i32
        %get3A_336 = arith.index_cast %mul3A_335 : i32 to index
        %get3A_337 = tpu.vector_load %arg9[%get3A_336] {strides = array<i32>} : memref<16400xi32, #tpu.memory_space<vmem>>, vector<16xi32>,
        %swap3A_338 = arith.constant 0 : i32
        %swap3A_339 = arith.index_cast %swap3A_338 : i32 to index
        %swap3A_340 = arith.constant 0 : index
        %swap3A_341 = tpu.vector_load %arg19[%swap3A_339, %swap3A_340] {strides = array<i32>} : memref<1x16xi32, #tpu.memory_space<vmem>>, vector<16xi32>,
        tpu.vector_store %arg19[%swap3A_339, %swap3A_340], %get3A_337 {strides = array<i32>} : memref<1x16xi32, #tpu.memory_space<vmem>>, vector<16xi32>,
        %dma_start3A = arith.constant 0 : i32
        %dma_start3A_342 = arith.constant 0 : i32
        %dma_start3A_343 = tpu.memref_slice %arg19[%dma_start3A, %dma_start3A_342] : memref<1x16xi32, #tpu.memory_space<vmem>> -> memref<1x16xi32, #tpu.memory_space<vmem>>
        %dma_start3A_344 = tpu.memref_squeeze %dma_start3A_343 : memref<1x16xi32, #tpu.memory_space<vmem>> -> memref<16xi32, #tpu.memory_space<vmem>>
        %dma_start3A_345 = arith.constant 0 : i32
        %dma_start3A_346 = arith.constant 0 : i32
        %dma_start3A_347 = tpu.memref_slice %arg4[%dma_start3A_345, %dma_start3A_346] : memref<16384x128xf32, #tpu.memory_space<hbm>> -> memref<16384x128xf32, #tpu.memory_space<hbm>>
        tpu.enqueue_indirect_dma source(%arg14 : memref<16x128xf32, #tpu.memory_space<vmem>>) target(%dma_start3A_347 : memref<16384x128xf32, #tpu.memory_space<hbm>>) offsets(%dma_start3A_344 : memref<16xi32, #tpu.memory_space<vmem>>) semaphore(%arg21 : memref<!tpu.dma_semaphore, #tpu.memory_space<semaphore_mem>>)
        %dma_start3A_348 = arith.constant 0 : i32
        %dma_start3A_349 = arith.constant 0 : i32
        %dma_start3A_350 = tpu.memref_slice %arg19[%dma_start3A_348, %dma_start3A_349] : memref<1x16xi32, #tpu.memory_space<vmem>> -> memref<1x16xi32, #tpu.memory_space<vmem>>
        %dma_start3A_351 = tpu.memref_squeeze %dma_start3A_350 : memref<1x16xi32, #tpu.memory_space<vmem>> -> memref<16xi32, #tpu.memory_space<vmem>>
        %dma_start3A_352 = arith.constant 0 : i32
        %dma_start3A_353 = arith.constant 0 : i32
        %dma_start3A_354 = tpu.memref_slice %arg5[%dma_start3A_352, %dma_start3A_353] : memref<16384x128xf32, #tpu.memory_space<hbm>> -> memref<16384x128xf32, #tpu.memory_space<hbm>>
        tpu.enqueue_indirect_dma source(%arg15 : memref<16x128xf32, #tpu.memory_space<vmem>>) target(%dma_start3A_354 : memref<16384x128xf32, #tpu.memory_space<hbm>>) offsets(%dma_start3A_351 : memref<16xi32, #tpu.memory_space<vmem>>) semaphore(%arg21 : memref<!tpu.dma_semaphore, #tpu.memory_space<semaphore_mem>>)
      } else {
      }
    }
    %while3A_158 = arith.constant 1 : i32
    scf.for %while3A_240 = %while3A_156 to %while3A_152 step %while3A_158  : i32 {
      %mul3A_241 = arith.constant 2 : i32
      %mul3A_242 = arith.muli %while3A_240, %mul3A_241 : i32
      %add3A_243 = arith.constant 0 : i32
      %add3A_244 = arith.addi %mul3A_242, %add3A_243 : i32
      %lt3A = arith.cmpi slt, %add3A_244, %select_n3A : i32
      %convert_element_type3A_245 = arith.extui %lt3A : i1 to i32
      %cond3A_246 = arith.constant 0 : i32
      %cond3A_247 = arith.cmpi ne, %convert_element_type3A_245, %cond3A_246 : i32
      scf.if %cond3A_247 {
        %ge3A = arith.constant 2 : i32
        %ge3A_256 = arith.cmpi sge, %add3A_244, %ge3A : i32
        %convert_element_type3A_257 = arith.extui %ge3A_256 : i1 to i32
        %cond3A_258 = arith.constant 0 : i32
        %cond3A_259 = arith.cmpi ne, %convert_element_type3A_257, %cond3A_258 : i32
        scf.if %cond3A_259 {
          %dma_wait3A = arith.constant 0 : i32
          %dma_wait3A_355 = arith.constant 0 : i32
          %dma_wait3A_356 = tpu.memref_slice %arg18[%dma_wait3A, %dma_wait3A_355] : memref<1x16xi32, #tpu.memory_space<vmem>> -> memref<1x16xi32, #tpu.memory_space<vmem>>
          %dma_wait3A_357 = tpu.memref_squeeze %dma_wait3A_356 : memref<1x16xi32, #tpu.memory_space<vmem>> -> memref<16xi32, #tpu.memory_space<vmem>>
          %dma_wait3A_358 = arith.constant 0 : i32
          %dma_wait3A_359 = arith.constant 0 : i32
          %dma_wait3A_360 = tpu.memref_slice %arg4[%dma_wait3A_358, %dma_wait3A_359] : memref<16384x128xf32, #tpu.memory_space<hbm>> -> memref<16384x128xf32, #tpu.memory_space<hbm>>
          tpu.wait_indirect_dma semaphore(%arg20 : memref<!tpu.dma_semaphore, #tpu.memory_space<semaphore_mem>>) src(%arg12 : memref<16x128xf32, #tpu.memory_space<vmem>>) dst(%dma_wait3A_360 : memref<16384x128xf32, #tpu.memory_space<hbm>>)
          %dma_wait3A_361 = arith.constant 0 : i32
          %dma_wait3A_362 = arith.constant 0 : i32
          %dma_wait3A_363 = tpu.memref_slice %arg18[%dma_wait3A_361, %dma_wait3A_362] : memref<1x16xi32, #tpu.memory_space<vmem>> -> memref<1x16xi32, #tpu.memory_space<vmem>>
          %dma_wait3A_364 = tpu.memref_squeeze %dma_wait3A_363 : memref<1x16xi32, #tpu.memory_space<vmem>> -> memref<16xi32, #tpu.memory_space<vmem>>
          %dma_wait3A_365 = arith.constant 0 : i32
          %dma_wait3A_366 = arith.constant 0 : i32
          %dma_wait3A_367 = tpu.memref_slice %arg5[%dma_wait3A_365, %dma_wait3A_366] : memref<16384x128xf32, #tpu.memory_space<hbm>> -> memref<16384x128xf32, #tpu.memory_space<hbm>>
          tpu.wait_indirect_dma semaphore(%arg20 : memref<!tpu.dma_semaphore, #tpu.memory_space<semaphore_mem>>) src(%arg13 : memref<16x128xf32, #tpu.memory_space<vmem>>) dst(%dma_wait3A_367 : memref<16384x128xf32, #tpu.memory_space<hbm>>)
        } else {
        }
        %mul3A_260 = arith.constant 16 : i32
        %mul3A_261 = arith.muli %add3A_244, %mul3A_260 : i32
        %get3A = arith.index_cast %mul3A_261 : i32 to index
        %get3A_262 = tpu.vector_load %arg10[%get3A] {strides = array<i32>} : memref<16400xi32, #tpu.memory_space<vmem>>, vector<16xi32>,
        %broadcast_in_dim3A_263 = arith.constant 2048 : i32
        %broadcast_in_dim3A_264 = vector.broadcast %broadcast_in_dim3A_263 : i32 to vector<16xi32>
        %gather3A_265 = tpu.vector_load_idx %arg7[%get3A_262, %broadcast_in_dim3A_264] : memref<32x2064xf32, #tpu.memory_space<vmem>>[vector<16xi32>, vector<16xi32>], vector<16xf32>,
        %broadcast_in_dim3A_266 = arith.constant 2049 : i32
        %broadcast_in_dim3A_267 = vector.broadcast %broadcast_in_dim3A_266 : i32 to vector<16xi32>
        %gather3A_268 = tpu.vector_load_idx %arg7[%get3A_262, %broadcast_in_dim3A_267] : memref<32x2064xf32, #tpu.memory_space<vmem>>[vector<16xi32>, vector<16xi32>], vector<16xf32>,
        %broadcast_in_dim3A_269 = arith.constant 2050 : i32
        %broadcast_in_dim3A_270 = vector.broadcast %broadcast_in_dim3A_269 : i32 to vector<16xi32>
        %gather3A_271 = tpu.vector_load_idx %arg7[%get3A_262, %broadcast_in_dim3A_270] : memref<32x2064xf32, #tpu.memory_space<vmem>>[vector<16xi32>, vector<16xi32>], vector<16xf32>,
        %broadcast_in_dim3A_272 = arith.constant 2051 : i32
        %broadcast_in_dim3A_273 = vector.broadcast %broadcast_in_dim3A_272 : i32 to vector<16xi32>
        %gather3A_274 = tpu.vector_load_idx %arg7[%get3A_262, %broadcast_in_dim3A_273] : memref<32x2064xf32, #tpu.memory_space<vmem>>[vector<16xi32>, vector<16xi32>], vector<16xf32>,
        %broadcast_in_dim3A_275 = arith.constant 2052 : i32
        %broadcast_in_dim3A_276 = vector.broadcast %broadcast_in_dim3A_275 : i32 to vector<16xi32>
        %gather3A_277 = tpu.vector_load_idx %arg7[%get3A_262, %broadcast_in_dim3A_276] : memref<32x2064xf32, #tpu.memory_space<vmem>>[vector<16xi32>, vector<16xi32>], vector<16xf32>,
        %broadcast_in_dim3A_278 = arith.constant 2053 : i32
        %broadcast_in_dim3A_279 = vector.broadcast %broadcast_in_dim3A_278 : i32 to vector<16xi32>
        %gather3A_280 = tpu.vector_load_idx %arg7[%get3A_262, %broadcast_in_dim3A_279] : memref<32x2064xf32, #tpu.memory_space<vmem>>[vector<16xi32>, vector<16xi32>], vector<16xf32>,
        %broadcast_in_dim3A_281 = arith.constant 2054 : i32
        %broadcast_in_dim3A_282 = vector.broadcast %broadcast_in_dim3A_281 : i32 to vector<16xi32>
        %gather3A_283 = tpu.vector_load_idx %arg7[%get3A_262, %broadcast_in_dim3A_282] : memref<32x2064xf32, #tpu.memory_space<vmem>>[vector<16xi32>, vector<16xi32>], vector<16xf32>,
        %broadcast_in_dim3A_284 = arith.constant 2055 : i32
        %broadcast_in_dim3A_285 = vector.broadcast %broadcast_in_dim3A_284 : i32 to vector<16xi32>
        %gather3A_286 = tpu.vector_load_idx %arg7[%get3A_262, %broadcast_in_dim3A_285] : memref<32x2064xf32, #tpu.memory_space<vmem>>[vector<16xi32>, vector<16xi32>], vector<16xf32>,
        %max3A_287 = arith.maximumf %gather3A_265, %gather3A_268 : vector<16xf32>
        %max3A_288 = arith.maximumf %max3A_287, %gather3A_271 : vector<16xf32>
        %max3A_289 = arith.maximumf %max3A_288, %gather3A_274 : vector<16xf32>
        %max3A_290 = arith.maximumf %max3A_289, %gather3A_277 : vector<16xf32>
        %max3A_291 = arith.maximumf %max3A_290, %gather3A_280 : vector<16xf32>
        %max3A_292 = arith.maximumf %max3A_291, %gather3A_283 : vector<16xf32>
        %max3A_293 = arith.maximumf %max3A_292, %gather3A_286 : vector<16xf32>
        %sub3A_294 = arith.subf %gather3A_265, %max3A_293 : vector<16xf32>
        %exp3A_295 = math.exp %sub3A_294 : vector<16xf32>
        %sub3A_296 = arith.subf %gather3A_268, %max3A_293 : vector<16xf32>
        %exp3A_297 = math.exp %sub3A_296 : vector<16xf32>
        %sub3A_298 = arith.subf %gather3A_271, %max3A_293 : vector<16xf32>
        %exp3A_299 = math.exp %sub3A_298 : vector<16xf32>
        %sub3A_300 = arith.subf %gather3A_274, %max3A_293 : vector<16xf32>
        %exp3A_301 = math.exp %sub3A_300 : vector<16xf32>
        %sub3A_302 = arith.subf %gather3A_277, %max3A_293 : vector<16xf32>
        %exp3A_303 = math.exp %sub3A_302 : vector<16xf32>
        %sub3A_304 = arith.subf %gather3A_280, %max3A_293 : vector<16xf32>
        %exp3A_305 = math.exp %sub3A_304 : vector<16xf32>
        %sub3A_306 = arith.subf %gather3A_283, %max3A_293 : vector<16xf32>
        %exp3A_307 = math.exp %sub3A_306 : vector<16xf32>
        %sub3A_308 = arith.subf %gather3A_286, %max3A_293 : vector<16xf32>
        %exp3A_309 = math.exp %sub3A_308 : vector<16xf32>
        %add3A_310 = arith.addf %exp3A_295, %exp3A_297 : vector<16xf32>
        %add3A_311 = arith.addf %add3A_310, %exp3A_299 : vector<16xf32>
        %add3A_312 = arith.addf %add3A_311, %exp3A_301 : vector<16xf32>
        %add3A_313 = arith.addf %add3A_312, %exp3A_303 : vector<16xf32>
        %add3A_314 = arith.addf %add3A_313, %exp3A_305 : vector<16xf32>
        %add3A_315 = arith.addf %add3A_314, %exp3A_307 : vector<16xf32>
        %add3A_316 = arith.addf %add3A_315, %exp3A_309 : vector<16xf32>
        %div3A_317 = arith.constant 1.000000e+00 : f32
        %div3A_318 = vector.broadcast %div3A_317 : f32 to vector<16xf32>
        %div3A_319 = arith.divf %div3A_318, %add3A_316 : vector<16xf32>
        %mul3A_320 = arith.mulf %exp3A_295, %div3A_319 : vector<16xf32>
        %mul3A_321 = arith.mulf %exp3A_297, %div3A_319 : vector<16xf32>
        %mul3A_322 = arith.mulf %exp3A_299, %div3A_319 : vector<16xf32>
        %mul3A_323 = arith.mulf %exp3A_301, %div3A_319 : vector<16xf32>
        %mul3A_324 = arith.mulf %exp3A_303, %div3A_319 : vector<16xf32>
        %mul3A_325 = arith.mulf %exp3A_305, %div3A_319 : vector<16xf32>
        %mul3A_326 = arith.mulf %exp3A_307, %div3A_319 : vector<16xf32>
        %mul3A_327 = arith.mulf %exp3A_309, %div3A_319 : vector<16xf32>
        %scan3A_328 = arith.constant 0 : i32
        %scan3A_329 = arith.constant 0 : i32
        %scan3A_330 = arith.constant 128 : i32
        %scan3A_331 = arith.addi %scan3A_329, %scan3A_330 : i32
        %scan3A_332 = arith.constant 1 : i32
        scf.for %scan3A_355 = %scan3A_329 to %scan3A_331 step %scan3A_332  : i32 {
          %add3A_356 = vector.broadcast %scan3A_355 : i32 to vector<16xi32>
          %add3A_357 = arith.addi %iota3A, %add3A_356 : vector<16xi32>
          %and3A_358 = arith.constant 127 : i32
          %and3A_359 = vector.broadcast %and3A_358 : i32 to vector<16xi32>
          %and3A_360 = arith.andi %add3A_357, %and3A_359 : vector<16xi32>
          %broadcast_in_dim3A_361 = arith.constant 0.000000e+00 : f32
          %broadcast_in_dim3A_362 = vector.broadcast %broadcast_in_dim3A_361 : f32 to vector<16xf32>
          %broadcast_in_dim3A_363 = arith.constant 0.000000e+00 : f32
          %broadcast_in_dim3A_364 = vector.broadcast %broadcast_in_dim3A_363 : f32 to vector<16xf32>
          %broadcast_in_dim3A_365 = arith.constant 0 : i32
          %broadcast_in_dim3A_366 = vector.broadcast %broadcast_in_dim3A_365 : i32 to vector<16xi32>
          %add3A_367 = arith.addi %broadcast_in_dim3A_366, %and3A_360 : vector<16xi32>
          %gather3A_368 = tpu.vector_load_idx %arg7[%get3A_262, %add3A_367] : memref<32x2064xf32, #tpu.memory_space<vmem>>[vector<16xi32>, vector<16xi32>], vector<16xf32>,
          %broadcast_in_dim3A_369 = arith.constant 1024 : i32
          %broadcast_in_dim3A_370 = vector.broadcast %broadcast_in_dim3A_369 : i32 to vector<16xi32>
          %add3A_371 = arith.addi %broadcast_in_dim3A_370, %and3A_360 : vector<16xi32>
          %gather3A_372 = tpu.vector_load_idx %arg7[%get3A_262, %add3A_371] : memref<32x2064xf32, #tpu.memory_space<vmem>>[vector<16xi32>, vector<16xi32>], vector<16xf32>,
          %mul3A_373 = arith.mulf %mul3A_320, %gather3A_368 : vector<16xf32>
          %add3A_374 = arith.addf %broadcast_in_dim3A_362, %mul3A_373 : vector<16xf32>
          %exp3A_375 = math.exp %gather3A_372 : vector<16xf32>
          %mul3A_376 = arith.mulf %gather3A_368, %gather3A_368 : vector<16xf32>
          %add3A_377 = arith.addf %exp3A_375, %mul3A_376 : vector<16xf32>
          %mul3A_378 = arith.mulf %mul3A_320, %add3A_377 : vector<16xf32>
          %add3A_379 = arith.addf %broadcast_in_dim3A_364, %mul3A_378 : vector<16xf32>
          %broadcast_in_dim3A_380 = arith.constant 128 : i32
          %broadcast_in_dim3A_381 = vector.broadcast %broadcast_in_dim3A_380 : i32 to vector<16xi32>
          %add3A_382 = arith.addi %broadcast_in_dim3A_381, %and3A_360 : vector<16xi32>
          %gather3A_383 = tpu.vector_load_idx %arg7[%get3A_262, %add3A_382] : memref<32x2064xf32, #tpu.memory_space<vmem>>[vector<16xi32>, vector<16xi32>], vector<16xf32>,
          %broadcast_in_dim3A_384 = arith.constant 1152 : i32
          %broadcast_in_dim3A_385 = vector.broadcast %broadcast_in_dim3A_384 : i32 to vector<16xi32>
          %add3A_386 = arith.addi %broadcast_in_dim3A_385, %and3A_360 : vector<16xi32>
          %gather3A_387 = tpu.vector_load_idx %arg7[%get3A_262, %add3A_386] : memref<32x2064xf32, #tpu.memory_space<vmem>>[vector<16xi32>, vector<16xi32>], vector<16xf32>,
          %mul3A_388 = arith.mulf %mul3A_321, %gather3A_383 : vector<16xf32>
          %add3A_389 = arith.addf %add3A_374, %mul3A_388 : vector<16xf32>
          %exp3A_390 = math.exp %gather3A_387 : vector<16xf32>
          %mul3A_391 = arith.mulf %gather3A_383, %gather3A_383 : vector<16xf32>
          %add3A_392 = arith.addf %exp3A_390, %mul3A_391 : vector<16xf32>
          %mul3A_393 = arith.mulf %mul3A_321, %add3A_392 : vector<16xf32>
          %add3A_394 = arith.addf %add3A_379, %mul3A_393 : vector<16xf32>
          %broadcast_in_dim3A_395 = arith.constant 256 : i32
          %broadcast_in_dim3A_396 = vector.broadcast %broadcast_in_dim3A_395 : i32 to vector<16xi32>
          %add3A_397 = arith.addi %broadcast_in_dim3A_396, %and3A_360 : vector<16xi32>
          %gather3A_398 = tpu.vector_load_idx %arg7[%get3A_262, %add3A_397] : memref<32x2064xf32, #tpu.memory_space<vmem>>[vector<16xi32>, vector<16xi32>], vector<16xf32>,
          %broadcast_in_dim3A_399 = arith.constant 1280 : i32
          %broadcast_in_dim3A_400 = vector.broadcast %broadcast_in_dim3A_399 : i32 to vector<16xi32>
          %add3A_401 = arith.addi %broadcast_in_dim3A_400, %and3A_360 : vector<16xi32>
          %gather3A_402 = tpu.vector_load_idx %arg7[%get3A_262, %add3A_401] : memref<32x2064xf32, #tpu.memory_space<vmem>>[vector<16xi32>, vector<16xi32>], vector<16xf32>,
          %mul3A_403 = arith.mulf %mul3A_322, %gather3A_398 : vector<16xf32>
          %add3A_404 = arith.addf %add3A_389, %mul3A_403 : vector<16xf32>
          %exp3A_405 = math.exp %gather3A_402 : vector<16xf32>
          %mul3A_406 = arith.mulf %gather3A_398, %gather3A_398 : vector<16xf32>
          %add3A_407 = arith.addf %exp3A_405, %mul3A_406 : vector<16xf32>
          %mul3A_408 = arith.mulf %mul3A_322, %add3A_407 : vector<16xf32>
          %add3A_409 = arith.addf %add3A_394, %mul3A_408 : vector<16xf32>
          %broadcast_in_dim3A_410 = arith.constant 384 : i32
          %broadcast_in_dim3A_411 = vector.broadcast %broadcast_in_dim3A_410 : i32 to vector<16xi32>
          %add3A_412 = arith.addi %broadcast_in_dim3A_411, %and3A_360 : vector<16xi32>
          %gather3A_413 = tpu.vector_load_idx %arg7[%get3A_262, %add3A_412] : memref<32x2064xf32, #tpu.memory_space<vmem>>[vector<16xi32>, vector<16xi32>], vector<16xf32>,
          %broadcast_in_dim3A_414 = arith.constant 1408 : i32
          %broadcast_in_dim3A_415 = vector.broadcast %broadcast_in_dim3A_414 : i32 to vector<16xi32>
          %add3A_416 = arith.addi %broadcast_in_dim3A_415, %and3A_360 : vector<16xi32>
          %gather3A_417 = tpu.vector_load_idx %arg7[%get3A_262, %add3A_416] : memref<32x2064xf32, #tpu.memory_space<vmem>>[vector<16xi32>, vector<16xi32>], vector<16xf32>,
          %mul3A_418 = arith.mulf %mul3A_323, %gather3A_413 : vector<16xf32>
          %add3A_419 = arith.addf %add3A_404, %mul3A_418 : vector<16xf32>
          %exp3A_420 = math.exp %gather3A_417 : vector<16xf32>
          %mul3A_421 = arith.mulf %gather3A_413, %gather3A_413 : vector<16xf32>
          %add3A_422 = arith.addf %exp3A_420, %mul3A_421 : vector<16xf32>
          %mul3A_423 = arith.mulf %mul3A_323, %add3A_422 : vector<16xf32>
          %add3A_424 = arith.addf %add3A_409, %mul3A_423 : vector<16xf32>
          %broadcast_in_dim3A_425 = arith.constant 512 : i32
          %broadcast_in_dim3A_426 = vector.broadcast %broadcast_in_dim3A_425 : i32 to vector<16xi32>
          %add3A_427 = arith.addi %broadcast_in_dim3A_426, %and3A_360 : vector<16xi32>
          %gather3A_428 = tpu.vector_load_idx %arg7[%get3A_262, %add3A_427] : memref<32x2064xf32, #tpu.memory_space<vmem>>[vector<16xi32>, vector<16xi32>], vector<16xf32>,
          %broadcast_in_dim3A_429 = arith.constant 1536 : i32
          %broadcast_in_dim3A_430 = vector.broadcast %broadcast_in_dim3A_429 : i32 to vector<16xi32>
          %add3A_431 = arith.addi %broadcast_in_dim3A_430, %and3A_360 : vector<16xi32>
          %gather3A_432 = tpu.vector_load_idx %arg7[%get3A_262, %add3A_431] : memref<32x2064xf32, #tpu.memory_space<vmem>>[vector<16xi32>, vector<16xi32>], vector<16xf32>,
          %mul3A_433 = arith.mulf %mul3A_324, %gather3A_428 : vector<16xf32>
          %add3A_434 = arith.addf %add3A_419, %mul3A_433 : vector<16xf32>
          %exp3A_435 = math.exp %gather3A_432 : vector<16xf32>
          %mul3A_436 = arith.mulf %gather3A_428, %gather3A_428 : vector<16xf32>
          %add3A_437 = arith.addf %exp3A_435, %mul3A_436 : vector<16xf32>
          %mul3A_438 = arith.mulf %mul3A_324, %add3A_437 : vector<16xf32>
          %add3A_439 = arith.addf %add3A_424, %mul3A_438 : vector<16xf32>
          %broadcast_in_dim3A_440 = arith.constant 640 : i32
          %broadcast_in_dim3A_441 = vector.broadcast %broadcast_in_dim3A_440 : i32 to vector<16xi32>
          %add3A_442 = arith.addi %broadcast_in_dim3A_441, %and3A_360 : vector<16xi32>
          %gather3A_443 = tpu.vector_load_idx %arg7[%get3A_262, %add3A_442] : memref<32x2064xf32, #tpu.memory_space<vmem>>[vector<16xi32>, vector<16xi32>], vector<16xf32>,
          %broadcast_in_dim3A_444 = arith.constant 1664 : i32
          %broadcast_in_dim3A_445 = vector.broadcast %broadcast_in_dim3A_444 : i32 to vector<16xi32>
          %add3A_446 = arith.addi %broadcast_in_dim3A_445, %and3A_360 : vector<16xi32>
          %gather3A_447 = tpu.vector_load_idx %arg7[%get3A_262, %add3A_446] : memref<32x2064xf32, #tpu.memory_space<vmem>>[vector<16xi32>, vector<16xi32>], vector<16xf32>,
          %mul3A_448 = arith.mulf %mul3A_325, %gather3A_443 : vector<16xf32>
          %add3A_449 = arith.addf %add3A_434, %mul3A_448 : vector<16xf32>
          %exp3A_450 = math.exp %gather3A_447 : vector<16xf32>
          %mul3A_451 = arith.mulf %gather3A_443, %gather3A_443 : vector<16xf32>
          %add3A_452 = arith.addf %exp3A_450, %mul3A_451 : vector<16xf32>
          %mul3A_453 = arith.mulf %mul3A_325, %add3A_452 : vector<16xf32>
          %add3A_454 = arith.addf %add3A_439, %mul3A_453 : vector<16xf32>
          %broadcast_in_dim3A_455 = arith.constant 768 : i32
          %broadcast_in_dim3A_456 = vector.broadcast %broadcast_in_dim3A_455 : i32 to vector<16xi32>
          %add3A_457 = arith.addi %broadcast_in_dim3A_456, %and3A_360 : vector<16xi32>
          %gather3A_458 = tpu.vector_load_idx %arg7[%get3A_262, %add3A_457] : memref<32x2064xf32, #tpu.memory_space<vmem>>[vector<16xi32>, vector<16xi32>], vector<16xf32>,
          %broadcast_in_dim3A_459 = arith.constant 1792 : i32
          %broadcast_in_dim3A_460 = vector.broadcast %broadcast_in_dim3A_459 : i32 to vector<16xi32>
          %add3A_461 = arith.addi %broadcast_in_dim3A_460, %and3A_360 : vector<16xi32>
          %gather3A_462 = tpu.vector_load_idx %arg7[%get3A_262, %add3A_461] : memref<32x2064xf32, #tpu.memory_space<vmem>>[vector<16xi32>, vector<16xi32>], vector<16xf32>,
          %mul3A_463 = arith.mulf %mul3A_326, %gather3A_458 : vector<16xf32>
          %add3A_464 = arith.addf %add3A_449, %mul3A_463 : vector<16xf32>
          %exp3A_465 = math.exp %gather3A_462 : vector<16xf32>
          %mul3A_466 = arith.mulf %gather3A_458, %gather3A_458 : vector<16xf32>
          %add3A_467 = arith.addf %exp3A_465, %mul3A_466 : vector<16xf32>
          %mul3A_468 = arith.mulf %mul3A_326, %add3A_467 : vector<16xf32>
          %add3A_469 = arith.addf %add3A_454, %mul3A_468 : vector<16xf32>
          %broadcast_in_dim3A_470 = arith.constant 896 : i32
          %broadcast_in_dim3A_471 = vector.broadcast %broadcast_in_dim3A_470 : i32 to vector<16xi32>
          %add3A_472 = arith.addi %broadcast_in_dim3A_471, %and3A_360 : vector<16xi32>
          %gather3A_473 = tpu.vector_load_idx %arg7[%get3A_262, %add3A_472] : memref<32x2064xf32, #tpu.memory_space<vmem>>[vector<16xi32>, vector<16xi32>], vector<16xf32>,
          %broadcast_in_dim3A_474 = arith.constant 1920 : i32
          %broadcast_in_dim3A_475 = vector.broadcast %broadcast_in_dim3A_474 : i32 to vector<16xi32>
          %add3A_476 = arith.addi %broadcast_in_dim3A_475, %and3A_360 : vector<16xi32>
          %gather3A_477 = tpu.vector_load_idx %arg7[%get3A_262, %add3A_476] : memref<32x2064xf32, #tpu.memory_space<vmem>>[vector<16xi32>, vector<16xi32>], vector<16xf32>,
          %mul3A_478 = arith.mulf %mul3A_327, %gather3A_473 : vector<16xf32>
          %add3A_479 = arith.addf %add3A_464, %mul3A_478 : vector<16xf32>
          %exp3A_480 = math.exp %gather3A_477 : vector<16xf32>
          %mul3A_481 = arith.mulf %gather3A_473, %gather3A_473 : vector<16xf32>
          %add3A_482 = arith.addf %exp3A_480, %mul3A_481 : vector<16xf32>
          %mul3A_483 = arith.mulf %mul3A_327, %add3A_482 : vector<16xf32>
          %add3A_484 = arith.addf %add3A_469, %mul3A_483 : vector<16xf32>
          %mul3A_485 = arith.mulf %add3A_479, %add3A_479 : vector<16xf32>
          %sub3A_486 = arith.subf %add3A_484, %mul3A_485 : vector<16xf32>
          %max3A_487 = arith.constant 9.99999997E-7 : f32
          %max3A_488 = vector.broadcast %max3A_487 : f32 to vector<16xf32>
          %max3A_489 = arith.maximumf %sub3A_486, %max3A_488 : vector<16xf32>
          tpu.vector_store_idx %arg12[%iota3A, %and3A_360], %add3A_479 : memref<16x128xf32, #tpu.memory_space<vmem>>[vector<16xi32>, vector<16xi32>], vector<16xf32>,
          %bitcast3A = vector.bitcast %max3A_489 : vector<16xf32> to vector<16xi32>
          %shift_right_arithmetic3A = arith.constant 23 : i32
          %shift_right_arithmetic3A_490 = vector.broadcast %shift_right_arithmetic3A : i32 to vector<16xi32>
          %shift_right_arithmetic3A_491 = arith.shrsi %bitcast3A, %shift_right_arithmetic3A_490 : vector<16xi32>
          %sub3A_492 = arith.constant 127 : i32
          %sub3A_493 = vector.broadcast %sub3A_492 : i32 to vector<16xi32>
          %sub3A_494 = arith.subi %shift_right_arithmetic3A_491, %sub3A_493 : vector<16xi32>
          %and3A_495 = arith.constant 8388607 : i32
          %and3A_496 = vector.broadcast %and3A_495 : i32 to vector<16xi32>
          %and3A_497 = arith.andi %bitcast3A, %and3A_496 : vector<16xi32>
          %or3A = arith.constant 1065353216 : i32
          %or3A_498 = vector.broadcast %or3A : i32 to vector<16xi32>
          %or3A_499 = arith.ori %and3A_497, %or3A_498 : vector<16xi32>
          %bitcast3A_500 = vector.bitcast %or3A_499 : vector<16xi32> to vector<16xf32>
          %gt3A_501 = arith.constant 1.41421354 : f32
          %gt3A_502 = vector.broadcast %gt3A_501 : f32 to vector<16xf32>
          %gt3A_503 = arith.cmpf ogt, %bitcast3A_500, %gt3A_502 : vector<16xf32>
          %mul3A_504 = arith.constant 5.000000e-01 : f32
          %mul3A_505 = vector.broadcast %mul3A_504 : f32 to vector<16xf32>
          %mul3A_506 = arith.mulf %bitcast3A_500, %mul3A_505 : vector<16xf32>
          %select_n3A_507 = arith.select %gt3A_503, %mul3A_506, %bitcast3A_500 : vector<16xi1>, vector<16xf32>
          %add3A_508 = arith.constant 1 : i32
          %add3A_509 = vector.broadcast %add3A_508 : i32 to vector<16xi32>
          %add3A_510 = arith.addi %sub3A_494, %add3A_509 : vector<16xi32>
          %select_n3A_511 = arith.select %gt3A_503, %add3A_510, %sub3A_494 : vector<16xi1>, vector<16xi32>
          %sub3A_512 = arith.constant 1.000000e+00 : f32
          %sub3A_513 = vector.broadcast %sub3A_512 : f32 to vector<16xf32>
          %sub3A_514 = arith.subf %select_n3A_507, %sub3A_513 : vector<16xf32>
          %add3A_515 = arith.constant 1.000000e+00 : f32
          %add3A_516 = vector.broadcast %add3A_515 : f32 to vector<16xf32>
          %add3A_517 = arith.addf %select_n3A_507, %add3A_516 : vector<16xf32>
          %div3A_518 = arith.divf %sub3A_514, %add3A_517 : vector<16xf32>
          %mul3A_519 = arith.mulf %div3A_518, %div3A_518 : vector<16xf32>
          %mul3A_520 = arith.constant 2.000000e+00 : f32
          %mul3A_521 = vector.broadcast %mul3A_520 : f32 to vector<16xf32>
          %mul3A_522 = arith.mulf %mul3A_521, %div3A_518 : vector<16xf32>
          %mul3A_523 = arith.constant 0.142857149 : f32
          %mul3A_524 = vector.broadcast %mul3A_523 : f32 to vector<16xf32>
          %mul3A_525 = arith.mulf %mul3A_519, %mul3A_524 : vector<16xf32>
          %add3A_526 = arith.constant 2.000000e-01 : f32
          %add3A_527 = vector.broadcast %add3A_526 : f32 to vector<16xf32>
          %add3A_528 = arith.addf %add3A_527, %mul3A_525 : vector<16xf32>
          %mul3A_529 = arith.mulf %mul3A_519, %add3A_528 : vector<16xf32>
          %add3A_530 = arith.constant 0.333333343 : f32
          %add3A_531 = vector.broadcast %add3A_530 : f32 to vector<16xf32>
          %add3A_532 = arith.addf %add3A_531, %mul3A_529 : vector<16xf32>
          %mul3A_533 = arith.mulf %mul3A_519, %add3A_532 : vector<16xf32>
          %add3A_534 = arith.constant 1.000000e+00 : f32
          %add3A_535 = vector.broadcast %add3A_534 : f32 to vector<16xf32>
          %add3A_536 = arith.addf %add3A_535, %mul3A_533 : vector<16xf32>
          %mul3A_537 = arith.mulf %mul3A_522, %add3A_536 : vector<16xf32>
          %convert_element_type3A_538 = arith.sitofp %select_n3A_511 : vector<16xi32> to vector<16xf32>
          %mul3A_539 = arith.constant 0.693147182 : f32
          %mul3A_540 = vector.broadcast %mul3A_539 : f32 to vector<16xf32>
          %mul3A_541 = arith.mulf %convert_element_type3A_538, %mul3A_540 : vector<16xf32>
          %add3A_542 = arith.addf %mul3A_541, %mul3A_537 : vector<16xf32>
          tpu.vector_store_idx %arg13[%iota3A, %and3A_360], %add3A_542 : memref<16x128xf32, #tpu.memory_space<vmem>>[vector<16xi32>, vector<16xi32>], vector<16xf32>,
        }
        %scan3A_333 = arith.constant 128 : i32
        %mul3A_334 = arith.constant 16 : i32
        %mul3A_335 = arith.muli %add3A_244, %mul3A_334 : i32
        %get3A_336 = arith.index_cast %mul3A_335 : i32 to index
        %get3A_337 = tpu.vector_load %arg9[%get3A_336] {strides = array<i32>} : memref<16400xi32, #tpu.memory_space<vmem>>, vector<16xi32>,
        %swap3A_338 = arith.constant 0 : i32
        %swap3A_339 = arith.index_cast %swap3A_338 : i32 to index
        %swap3A_340 = arith.constant 0 : index
        %swap3A_341 = tpu.vector_load %arg18[%swap3A_339, %swap3A_340] {strides = array<i32>} : memref<1x16xi32, #tpu.memory_space<vmem>>, vector<16xi32>,
        tpu.vector_store %arg18[%swap3A_339, %swap3A_340], %get3A_337 {strides = array<i32>} : memref<1x16xi32, #tpu.memory_space<vmem>>, vector<16xi32>,
        %dma_start3A = arith.constant 0 : i32
        %dma_start3A_342 = arith.constant 0 : i32
        %dma_start3A_343 = tpu.memref_slice %arg18[%dma_start3A, %dma_start3A_342] : memref<1x16xi32, #tpu.memory_space<vmem>> -> memref<1x16xi32, #tpu.memory_space<vmem>>
        %dma_start3A_344 = tpu.memref_squeeze %dma_start3A_343 : memref<1x16xi32, #tpu.memory_space<vmem>> -> memref<16xi32, #tpu.memory_space<vmem>>
        %dma_start3A_345 = arith.constant 0 : i32
        %dma_start3A_346 = arith.constant 0 : i32
        %dma_start3A_347 = tpu.memref_slice %arg4[%dma_start3A_345, %dma_start3A_346] : memref<16384x128xf32, #tpu.memory_space<hbm>> -> memref<16384x128xf32, #tpu.memory_space<hbm>>
        tpu.enqueue_indirect_dma source(%arg12 : memref<16x128xf32, #tpu.memory_space<vmem>>) target(%dma_start3A_347 : memref<16384x128xf32, #tpu.memory_space<hbm>>) offsets(%dma_start3A_344 : memref<16xi32, #tpu.memory_space<vmem>>) semaphore(%arg20 : memref<!tpu.dma_semaphore, #tpu.memory_space<semaphore_mem>>)
        %dma_start3A_348 = arith.constant 0 : i32
        %dma_start3A_349 = arith.constant 0 : i32
        %dma_start3A_350 = tpu.memref_slice %arg18[%dma_start3A_348, %dma_start3A_349] : memref<1x16xi32, #tpu.memory_space<vmem>> -> memref<1x16xi32, #tpu.memory_space<vmem>>
        %dma_start3A_351 = tpu.memref_squeeze %dma_start3A_350 : memref<1x16xi32, #tpu.memory_space<vmem>> -> memref<16xi32, #tpu.memory_space<vmem>>
        %dma_start3A_352 = arith.constant 0 : i32
        %dma_start3A_353 = arith.constant 0 : i32
        %dma_start3A_354 = tpu.memref_slice %arg5[%dma_start3A_352, %dma_start3A_353] : memref<16384x128xf32, #tpu.memory_space<hbm>> -> memref<16384x128xf32, #tpu.memory_space<hbm>>
        tpu.enqueue_indirect_dma source(%arg13 : memref<16x128xf32, #tpu.memory_space<vmem>>) target(%dma_start3A_354 : memref<16384x128xf32, #tpu.memory_space<hbm>>) offsets(%dma_start3A_351 : memref<16xi32, #tpu.memory_space<vmem>>) semaphore(%arg20 : memref<!tpu.dma_semaphore, #tpu.memory_space<semaphore_mem>>)
      } else {
      }
      %mul3A_248 = arith.constant 2 : i32
      %mul3A_249 = arith.muli %while3A_240, %mul3A_248 : i32
      %add3A_250 = arith.constant 1 : i32
      %add3A_251 = arith.addi %mul3A_249, %add3A_250 : i32
      %lt3A_252 = arith.cmpi slt, %add3A_251, %select_n3A : i32
      %convert_element_type3A_253 = arith.extui %lt3A_252 : i1 to i32
      %cond3A_254 = arith.constant 0 : i32
      %cond3A_255 = arith.cmpi ne, %convert_element_type3A_253, %cond3A_254 : i32
      scf.if %cond3A_255 {
        %ge3A = arith.constant 2 : i32
        %ge3A_256 = arith.cmpi sge, %add3A_251, %ge3A : i32
        %convert_element_type3A_257 = arith.extui %ge3A_256 : i1 to i32
        %cond3A_258 = arith.constant 0 : i32
        %cond3A_259 = arith.cmpi ne, %convert_element_type3A_257, %cond3A_258 : i32
        scf.if %cond3A_259 {
          %dma_wait3A = arith.constant 0 : i32
          %dma_wait3A_355 = arith.constant 0 : i32
          %dma_wait3A_356 = tpu.memref_slice %arg19[%dma_wait3A, %dma_wait3A_355] : memref<1x16xi32, #tpu.memory_space<vmem>> -> memref<1x16xi32, #tpu.memory_space<vmem>>
          %dma_wait3A_357 = tpu.memref_squeeze %dma_wait3A_356 : memref<1x16xi32, #tpu.memory_space<vmem>> -> memref<16xi32, #tpu.memory_space<vmem>>
          %dma_wait3A_358 = arith.constant 0 : i32
          %dma_wait3A_359 = arith.constant 0 : i32
          %dma_wait3A_360 = tpu.memref_slice %arg4[%dma_wait3A_358, %dma_wait3A_359] : memref<16384x128xf32, #tpu.memory_space<hbm>> -> memref<16384x128xf32, #tpu.memory_space<hbm>>
          tpu.wait_indirect_dma semaphore(%arg21 : memref<!tpu.dma_semaphore, #tpu.memory_space<semaphore_mem>>) src(%arg14 : memref<16x128xf32, #tpu.memory_space<vmem>>) dst(%dma_wait3A_360 : memref<16384x128xf32, #tpu.memory_space<hbm>>)
          %dma_wait3A_361 = arith.constant 0 : i32
          %dma_wait3A_362 = arith.constant 0 : i32
          %dma_wait3A_363 = tpu.memref_slice %arg19[%dma_wait3A_361, %dma_wait3A_362] : memref<1x16xi32, #tpu.memory_space<vmem>> -> memref<1x16xi32, #tpu.memory_space<vmem>>
          %dma_wait3A_364 = tpu.memref_squeeze %dma_wait3A_363 : memref<1x16xi32, #tpu.memory_space<vmem>> -> memref<16xi32, #tpu.memory_space<vmem>>
          %dma_wait3A_365 = arith.constant 0 : i32
          %dma_wait3A_366 = arith.constant 0 : i32
          %dma_wait3A_367 = tpu.memref_slice %arg5[%dma_wait3A_365, %dma_wait3A_366] : memref<16384x128xf32, #tpu.memory_space<hbm>> -> memref<16384x128xf32, #tpu.memory_space<hbm>>
          tpu.wait_indirect_dma semaphore(%arg21 : memref<!tpu.dma_semaphore, #tpu.memory_space<semaphore_mem>>) src(%arg15 : memref<16x128xf32, #tpu.memory_space<vmem>>) dst(%dma_wait3A_367 : memref<16384x128xf32, #tpu.memory_space<hbm>>)
        } else {
        }
        %mul3A_260 = arith.constant 16 : i32
        %mul3A_261 = arith.muli %add3A_251, %mul3A_260 : i32
        %get3A = arith.index_cast %mul3A_261 : i32 to index
        %get3A_262 = tpu.vector_load %arg10[%get3A] {strides = array<i32>} : memref<16400xi32, #tpu.memory_space<vmem>>, vector<16xi32>,
        %broadcast_in_dim3A_263 = arith.constant 2048 : i32
        %broadcast_in_dim3A_264 = vector.broadcast %broadcast_in_dim3A_263 : i32 to vector<16xi32>
        %gather3A_265 = tpu.vector_load_idx %arg7[%get3A_262, %broadcast_in_dim3A_264] : memref<32x2064xf32, #tpu.memory_space<vmem>>[vector<16xi32>, vector<16xi32>], vector<16xf32>,
        %broadcast_in_dim3A_266 = arith.constant 2049 : i32
        %broadcast_in_dim3A_267 = vector.broadcast %broadcast_in_dim3A_266 : i32 to vector<16xi32>
        %gather3A_268 = tpu.vector_load_idx %arg7[%get3A_262, %broadcast_in_dim3A_267] : memref<32x2064xf32, #tpu.memory_space<vmem>>[vector<16xi32>, vector<16xi32>], vector<16xf32>,
        %broadcast_in_dim3A_269 = arith.constant 2050 : i32
        %broadcast_in_dim3A_270 = vector.broadcast %broadcast_in_dim3A_269 : i32 to vector<16xi32>
        %gather3A_271 = tpu.vector_load_idx %arg7[%get3A_262, %broadcast_in_dim3A_270] : memref<32x2064xf32, #tpu.memory_space<vmem>>[vector<16xi32>, vector<16xi32>], vector<16xf32>,
        %broadcast_in_dim3A_272 = arith.constant 2051 : i32
        %broadcast_in_dim3A_273 = vector.broadcast %broadcast_in_dim3A_272 : i32 to vector<16xi32>
        %gather3A_274 = tpu.vector_load_idx %arg7[%get3A_262, %broadcast_in_dim3A_273] : memref<32x2064xf32, #tpu.memory_space<vmem>>[vector<16xi32>, vector<16xi32>], vector<16xf32>,
        %broadcast_in_dim3A_275 = arith.constant 2052 : i32
        %broadcast_in_dim3A_276 = vector.broadcast %broadcast_in_dim3A_275 : i32 to vector<16xi32>
        %gather3A_277 = tpu.vector_load_idx %arg7[%get3A_262, %broadcast_in_dim3A_276] : memref<32x2064xf32, #tpu.memory_space<vmem>>[vector<16xi32>, vector<16xi32>], vector<16xf32>,
        %broadcast_in_dim3A_278 = arith.constant 2053 : i32
        %broadcast_in_dim3A_279 = vector.broadcast %broadcast_in_dim3A_278 : i32 to vector<16xi32>
        %gather3A_280 = tpu.vector_load_idx %arg7[%get3A_262, %broadcast_in_dim3A_279] : memref<32x2064xf32, #tpu.memory_space<vmem>>[vector<16xi32>, vector<16xi32>], vector<16xf32>,
        %broadcast_in_dim3A_281 = arith.constant 2054 : i32
        %broadcast_in_dim3A_282 = vector.broadcast %broadcast_in_dim3A_281 : i32 to vector<16xi32>
        %gather3A_283 = tpu.vector_load_idx %arg7[%get3A_262, %broadcast_in_dim3A_282] : memref<32x2064xf32, #tpu.memory_space<vmem>>[vector<16xi32>, vector<16xi32>], vector<16xf32>,
        %broadcast_in_dim3A_284 = arith.constant 2055 : i32
        %broadcast_in_dim3A_285 = vector.broadcast %broadcast_in_dim3A_284 : i32 to vector<16xi32>
        %gather3A_286 = tpu.vector_load_idx %arg7[%get3A_262, %broadcast_in_dim3A_285] : memref<32x2064xf32, #tpu.memory_space<vmem>>[vector<16xi32>, vector<16xi32>], vector<16xf32>,
        %max3A_287 = arith.maximumf %gather3A_265, %gather3A_268 : vector<16xf32>
        %max3A_288 = arith.maximumf %max3A_287, %gather3A_271 : vector<16xf32>
        %max3A_289 = arith.maximumf %max3A_288, %gather3A_274 : vector<16xf32>
        %max3A_290 = arith.maximumf %max3A_289, %gather3A_277 : vector<16xf32>
        %max3A_291 = arith.maximumf %max3A_290, %gather3A_280 : vector<16xf32>
        %max3A_292 = arith.maximumf %max3A_291, %gather3A_283 : vector<16xf32>
        %max3A_293 = arith.maximumf %max3A_292, %gather3A_286 : vector<16xf32>
        %sub3A_294 = arith.subf %gather3A_265, %max3A_293 : vector<16xf32>
        %exp3A_295 = math.exp %sub3A_294 : vector<16xf32>
        %sub3A_296 = arith.subf %gather3A_268, %max3A_293 : vector<16xf32>
        %exp3A_297 = math.exp %sub3A_296 : vector<16xf32>
        %sub3A_298 = arith.subf %gather3A_271, %max3A_293 : vector<16xf32>
        %exp3A_299 = math.exp %sub3A_298 : vector<16xf32>
        %sub3A_300 = arith.subf %gather3A_274, %max3A_293 : vector<16xf32>
        %exp3A_301 = math.exp %sub3A_300 : vector<16xf32>
        %sub3A_302 = arith.subf %gather3A_277, %max3A_293 : vector<16xf32>
        %exp3A_303 = math.exp %sub3A_302 : vector<16xf32>
        %sub3A_304 = arith.subf %gather3A_280, %max3A_293 : vector<16xf32>
        %exp3A_305 = math.exp %sub3A_304 : vector<16xf32>
        %sub3A_306 = arith.subf %gather3A_283, %max3A_293 : vector<16xf32>
        %exp3A_307 = math.exp %sub3A_306 : vector<16xf32>
        %sub3A_308 = arith.subf %gather3A_286, %max3A_293 : vector<16xf32>
        %exp3A_309 = math.exp %sub3A_308 : vector<16xf32>
        %add3A_310 = arith.addf %exp3A_295, %exp3A_297 : vector<16xf32>
        %add3A_311 = arith.addf %add3A_310, %exp3A_299 : vector<16xf32>
        %add3A_312 = arith.addf %add3A_311, %exp3A_301 : vector<16xf32>
        %add3A_313 = arith.addf %add3A_312, %exp3A_303 : vector<16xf32>
        %add3A_314 = arith.addf %add3A_313, %exp3A_305 : vector<16xf32>
        %add3A_315 = arith.addf %add3A_314, %exp3A_307 : vector<16xf32>
        %add3A_316 = arith.addf %add3A_315, %exp3A_309 : vector<16xf32>
        %div3A_317 = arith.constant 1.000000e+00 : f32
        %div3A_318 = vector.broadcast %div3A_317 : f32 to vector<16xf32>
        %div3A_319 = arith.divf %div3A_318, %add3A_316 : vector<16xf32>
        %mul3A_320 = arith.mulf %exp3A_295, %div3A_319 : vector<16xf32>
        %mul3A_321 = arith.mulf %exp3A_297, %div3A_319 : vector<16xf32>
        %mul3A_322 = arith.mulf %exp3A_299, %div3A_319 : vector<16xf32>
        %mul3A_323 = arith.mulf %exp3A_301, %div3A_319 : vector<16xf32>
        %mul3A_324 = arith.mulf %exp3A_303, %div3A_319 : vector<16xf32>
        %mul3A_325 = arith.mulf %exp3A_305, %div3A_319 : vector<16xf32>
        %mul3A_326 = arith.mulf %exp3A_307, %div3A_319 : vector<16xf32>
        %mul3A_327 = arith.mulf %exp3A_309, %div3A_319 : vector<16xf32>
        %scan3A_328 = arith.constant 0 : i32
        %scan3A_329 = arith.constant 0 : i32
        %scan3A_330 = arith.constant 128 : i32
        %scan3A_331 = arith.addi %scan3A_329, %scan3A_330 : i32
        %scan3A_332 = arith.constant 1 : i32
        scf.for %scan3A_355 = %scan3A_329 to %scan3A_331 step %scan3A_332  : i32 {
          %add3A_356 = vector.broadcast %scan3A_355 : i32 to vector<16xi32>
          %add3A_357 = arith.addi %iota3A, %add3A_356 : vector<16xi32>
          %and3A_358 = arith.constant 127 : i32
          %and3A_359 = vector.broadcast %and3A_358 : i32 to vector<16xi32>
          %and3A_360 = arith.andi %add3A_357, %and3A_359 : vector<16xi32>
          %broadcast_in_dim3A_361 = arith.constant 0.000000e+00 : f32
          %broadcast_in_dim3A_362 = vector.broadcast %broadcast_in_dim3A_361 : f32 to vector<16xf32>
          %broadcast_in_dim3A_363 = arith.constant 0.000000e+00 : f32
          %broadcast_in_dim3A_364 = vector.broadcast %broadcast_in_dim3A_363 : f32 to vector<16xf32>
          %broadcast_in_dim3A_365 = arith.constant 0 : i32
          %broadcast_in_dim3A_366 = vector.broadcast %broadcast_in_dim3A_365 : i32 to vector<16xi32>
          %add3A_367 = arith.addi %broadcast_in_dim3A_366, %and3A_360 : vector<16xi32>
          %gather3A_368 = tpu.vector_load_idx %arg7[%get3A_262, %add3A_367] : memref<32x2064xf32, #tpu.memory_space<vmem>>[vector<16xi32>, vector<16xi32>], vector<16xf32>,
          %broadcast_in_dim3A_369 = arith.constant 1024 : i32
          %broadcast_in_dim3A_370 = vector.broadcast %broadcast_in_dim3A_369 : i32 to vector<16xi32>
          %add3A_371 = arith.addi %broadcast_in_dim3A_370, %and3A_360 : vector<16xi32>
          %gather3A_372 = tpu.vector_load_idx %arg7[%get3A_262, %add3A_371] : memref<32x2064xf32, #tpu.memory_space<vmem>>[vector<16xi32>, vector<16xi32>], vector<16xf32>,
          %mul3A_373 = arith.mulf %mul3A_320, %gather3A_368 : vector<16xf32>
          %add3A_374 = arith.addf %broadcast_in_dim3A_362, %mul3A_373 : vector<16xf32>
          %exp3A_375 = math.exp %gather3A_372 : vector<16xf32>
          %mul3A_376 = arith.mulf %gather3A_368, %gather3A_368 : vector<16xf32>
          %add3A_377 = arith.addf %exp3A_375, %mul3A_376 : vector<16xf32>
          %mul3A_378 = arith.mulf %mul3A_320, %add3A_377 : vector<16xf32>
          %add3A_379 = arith.addf %broadcast_in_dim3A_364, %mul3A_378 : vector<16xf32>
          %broadcast_in_dim3A_380 = arith.constant 128 : i32
          %broadcast_in_dim3A_381 = vector.broadcast %broadcast_in_dim3A_380 : i32 to vector<16xi32>
          %add3A_382 = arith.addi %broadcast_in_dim3A_381, %and3A_360 : vector<16xi32>
          %gather3A_383 = tpu.vector_load_idx %arg7[%get3A_262, %add3A_382] : memref<32x2064xf32, #tpu.memory_space<vmem>>[vector<16xi32>, vector<16xi32>], vector<16xf32>,
          %broadcast_in_dim3A_384 = arith.constant 1152 : i32
          %broadcast_in_dim3A_385 = vector.broadcast %broadcast_in_dim3A_384 : i32 to vector<16xi32>
          %add3A_386 = arith.addi %broadcast_in_dim3A_385, %and3A_360 : vector<16xi32>
          %gather3A_387 = tpu.vector_load_idx %arg7[%get3A_262, %add3A_386] : memref<32x2064xf32, #tpu.memory_space<vmem>>[vector<16xi32>, vector<16xi32>], vector<16xf32>,
          %mul3A_388 = arith.mulf %mul3A_321, %gather3A_383 : vector<16xf32>
          %add3A_389 = arith.addf %add3A_374, %mul3A_388 : vector<16xf32>
          %exp3A_390 = math.exp %gather3A_387 : vector<16xf32>
          %mul3A_391 = arith.mulf %gather3A_383, %gather3A_383 : vector<16xf32>
          %add3A_392 = arith.addf %exp3A_390, %mul3A_391 : vector<16xf32>
          %mul3A_393 = arith.mulf %mul3A_321, %add3A_392 : vector<16xf32>
          %add3A_394 = arith.addf %add3A_379, %mul3A_393 : vector<16xf32>
          %broadcast_in_dim3A_395 = arith.constant 256 : i32
          %broadcast_in_dim3A_396 = vector.broadcast %broadcast_in_dim3A_395 : i32 to vector<16xi32>
          %add3A_397 = arith.addi %broadcast_in_dim3A_396, %and3A_360 : vector<16xi32>
          %gather3A_398 = tpu.vector_load_idx %arg7[%get3A_262, %add3A_397] : memref<32x2064xf32, #tpu.memory_space<vmem>>[vector<16xi32>, vector<16xi32>], vector<16xf32>,
          %broadcast_in_dim3A_399 = arith.constant 1280 : i32
          %broadcast_in_dim3A_400 = vector.broadcast %broadcast_in_dim3A_399 : i32 to vector<16xi32>
          %add3A_401 = arith.addi %broadcast_in_dim3A_400, %and3A_360 : vector<16xi32>
          %gather3A_402 = tpu.vector_load_idx %arg7[%get3A_262, %add3A_401] : memref<32x2064xf32, #tpu.memory_space<vmem>>[vector<16xi32>, vector<16xi32>], vector<16xf32>,
          %mul3A_403 = arith.mulf %mul3A_322, %gather3A_398 : vector<16xf32>
          %add3A_404 = arith.addf %add3A_389, %mul3A_403 : vector<16xf32>
          %exp3A_405 = math.exp %gather3A_402 : vector<16xf32>
          %mul3A_406 = arith.mulf %gather3A_398, %gather3A_398 : vector<16xf32>
          %add3A_407 = arith.addf %exp3A_405, %mul3A_406 : vector<16xf32>
          %mul3A_408 = arith.mulf %mul3A_322, %add3A_407 : vector<16xf32>
          %add3A_409 = arith.addf %add3A_394, %mul3A_408 : vector<16xf32>
          %broadcast_in_dim3A_410 = arith.constant 384 : i32
          %broadcast_in_dim3A_411 = vector.broadcast %broadcast_in_dim3A_410 : i32 to vector<16xi32>
          %add3A_412 = arith.addi %broadcast_in_dim3A_411, %and3A_360 : vector<16xi32>
          %gather3A_413 = tpu.vector_load_idx %arg7[%get3A_262, %add3A_412] : memref<32x2064xf32, #tpu.memory_space<vmem>>[vector<16xi32>, vector<16xi32>], vector<16xf32>,
          %broadcast_in_dim3A_414 = arith.constant 1408 : i32
          %broadcast_in_dim3A_415 = vector.broadcast %broadcast_in_dim3A_414 : i32 to vector<16xi32>
          %add3A_416 = arith.addi %broadcast_in_dim3A_415, %and3A_360 : vector<16xi32>
          %gather3A_417 = tpu.vector_load_idx %arg7[%get3A_262, %add3A_416] : memref<32x2064xf32, #tpu.memory_space<vmem>>[vector<16xi32>, vector<16xi32>], vector<16xf32>,
          %mul3A_418 = arith.mulf %mul3A_323, %gather3A_413 : vector<16xf32>
          %add3A_419 = arith.addf %add3A_404, %mul3A_418 : vector<16xf32>
          %exp3A_420 = math.exp %gather3A_417 : vector<16xf32>
          %mul3A_421 = arith.mulf %gather3A_413, %gather3A_413 : vector<16xf32>
          %add3A_422 = arith.addf %exp3A_420, %mul3A_421 : vector<16xf32>
          %mul3A_423 = arith.mulf %mul3A_323, %add3A_422 : vector<16xf32>
          %add3A_424 = arith.addf %add3A_409, %mul3A_423 : vector<16xf32>
          %broadcast_in_dim3A_425 = arith.constant 512 : i32
          %broadcast_in_dim3A_426 = vector.broadcast %broadcast_in_dim3A_425 : i32 to vector<16xi32>
          %add3A_427 = arith.addi %broadcast_in_dim3A_426, %and3A_360 : vector<16xi32>
          %gather3A_428 = tpu.vector_load_idx %arg7[%get3A_262, %add3A_427] : memref<32x2064xf32, #tpu.memory_space<vmem>>[vector<16xi32>, vector<16xi32>], vector<16xf32>,
          %broadcast_in_dim3A_429 = arith.constant 1536 : i32
          %broadcast_in_dim3A_430 = vector.broadcast %broadcast_in_dim3A_429 : i32 to vector<16xi32>
          %add3A_431 = arith.addi %broadcast_in_dim3A_430, %and3A_360 : vector<16xi32>
          %gather3A_432 = tpu.vector_load_idx %arg7[%get3A_262, %add3A_431] : memref<32x2064xf32, #tpu.memory_space<vmem>>[vector<16xi32>, vector<16xi32>], vector<16xf32>,
          %mul3A_433 = arith.mulf %mul3A_324, %gather3A_428 : vector<16xf32>
          %add3A_434 = arith.addf %add3A_419, %mul3A_433 : vector<16xf32>
          %exp3A_435 = math.exp %gather3A_432 : vector<16xf32>
          %mul3A_436 = arith.mulf %gather3A_428, %gather3A_428 : vector<16xf32>
          %add3A_437 = arith.addf %exp3A_435, %mul3A_436 : vector<16xf32>
          %mul3A_438 = arith.mulf %mul3A_324, %add3A_437 : vector<16xf32>
          %add3A_439 = arith.addf %add3A_424, %mul3A_438 : vector<16xf32>
          %broadcast_in_dim3A_440 = arith.constant 640 : i32
          %broadcast_in_dim3A_441 = vector.broadcast %broadcast_in_dim3A_440 : i32 to vector<16xi32>
          %add3A_442 = arith.addi %broadcast_in_dim3A_441, %and3A_360 : vector<16xi32>
          %gather3A_443 = tpu.vector_load_idx %arg7[%get3A_262, %add3A_442] : memref<32x2064xf32, #tpu.memory_space<vmem>>[vector<16xi32>, vector<16xi32>], vector<16xf32>,
          %broadcast_in_dim3A_444 = arith.constant 1664 : i32
          %broadcast_in_dim3A_445 = vector.broadcast %broadcast_in_dim3A_444 : i32 to vector<16xi32>
          %add3A_446 = arith.addi %broadcast_in_dim3A_445, %and3A_360 : vector<16xi32>
          %gather3A_447 = tpu.vector_load_idx %arg7[%get3A_262, %add3A_446] : memref<32x2064xf32, #tpu.memory_space<vmem>>[vector<16xi32>, vector<16xi32>], vector<16xf32>,
          %mul3A_448 = arith.mulf %mul3A_325, %gather3A_443 : vector<16xf32>
          %add3A_449 = arith.addf %add3A_434, %mul3A_448 : vector<16xf32>
          %exp3A_450 = math.exp %gather3A_447 : vector<16xf32>
          %mul3A_451 = arith.mulf %gather3A_443, %gather3A_443 : vector<16xf32>
          %add3A_452 = arith.addf %exp3A_450, %mul3A_451 : vector<16xf32>
          %mul3A_453 = arith.mulf %mul3A_325, %add3A_452 : vector<16xf32>
          %add3A_454 = arith.addf %add3A_439, %mul3A_453 : vector<16xf32>
          %broadcast_in_dim3A_455 = arith.constant 768 : i32
          %broadcast_in_dim3A_456 = vector.broadcast %broadcast_in_dim3A_455 : i32 to vector<16xi32>
          %add3A_457 = arith.addi %broadcast_in_dim3A_456, %and3A_360 : vector<16xi32>
          %gather3A_458 = tpu.vector_load_idx %arg7[%get3A_262, %add3A_457] : memref<32x2064xf32, #tpu.memory_space<vmem>>[vector<16xi32>, vector<16xi32>], vector<16xf32>,
          %broadcast_in_dim3A_459 = arith.constant 1792 : i32
          %broadcast_in_dim3A_460 = vector.broadcast %broadcast_in_dim3A_459 : i32 to vector<16xi32>
          %add3A_461 = arith.addi %broadcast_in_dim3A_460, %and3A_360 : vector<16xi32>
          %gather3A_462 = tpu.vector_load_idx %arg7[%get3A_262, %add3A_461] : memref<32x2064xf32, #tpu.memory_space<vmem>>[vector<16xi32>, vector<16xi32>], vector<16xf32>,
          %mul3A_463 = arith.mulf %mul3A_326, %gather3A_458 : vector<16xf32>
          %add3A_464 = arith.addf %add3A_449, %mul3A_463 : vector<16xf32>
          %exp3A_465 = math.exp %gather3A_462 : vector<16xf32>
          %mul3A_466 = arith.mulf %gather3A_458, %gather3A_458 : vector<16xf32>
          %add3A_467 = arith.addf %exp3A_465, %mul3A_466 : vector<16xf32>
          %mul3A_468 = arith.mulf %mul3A_326, %add3A_467 : vector<16xf32>
          %add3A_469 = arith.addf %add3A_454, %mul3A_468 : vector<16xf32>
          %broadcast_in_dim3A_470 = arith.constant 896 : i32
          %broadcast_in_dim3A_471 = vector.broadcast %broadcast_in_dim3A_470 : i32 to vector<16xi32>
          %add3A_472 = arith.addi %broadcast_in_dim3A_471, %and3A_360 : vector<16xi32>
          %gather3A_473 = tpu.vector_load_idx %arg7[%get3A_262, %add3A_472] : memref<32x2064xf32, #tpu.memory_space<vmem>>[vector<16xi32>, vector<16xi32>], vector<16xf32>,
          %broadcast_in_dim3A_474 = arith.constant 1920 : i32
          %broadcast_in_dim3A_475 = vector.broadcast %broadcast_in_dim3A_474 : i32 to vector<16xi32>
          %add3A_476 = arith.addi %broadcast_in_dim3A_475, %and3A_360 : vector<16xi32>
          %gather3A_477 = tpu.vector_load_idx %arg7[%get3A_262, %add3A_476] : memref<32x2064xf32, #tpu.memory_space<vmem>>[vector<16xi32>, vector<16xi32>], vector<16xf32>,
          %mul3A_478 = arith.mulf %mul3A_327, %gather3A_473 : vector<16xf32>
          %add3A_479 = arith.addf %add3A_464, %mul3A_478 : vector<16xf32>
          %exp3A_480 = math.exp %gather3A_477 : vector<16xf32>
          %mul3A_481 = arith.mulf %gather3A_473, %gather3A_473 : vector<16xf32>
          %add3A_482 = arith.addf %exp3A_480, %mul3A_481 : vector<16xf32>
          %mul3A_483 = arith.mulf %mul3A_327, %add3A_482 : vector<16xf32>
          %add3A_484 = arith.addf %add3A_469, %mul3A_483 : vector<16xf32>
          %mul3A_485 = arith.mulf %add3A_479, %add3A_479 : vector<16xf32>
          %sub3A_486 = arith.subf %add3A_484, %mul3A_485 : vector<16xf32>
          %max3A_487 = arith.constant 9.99999997E-7 : f32
          %max3A_488 = vector.broadcast %max3A_487 : f32 to vector<16xf32>
          %max3A_489 = arith.maximumf %sub3A_486, %max3A_488 : vector<16xf32>
          tpu.vector_store_idx %arg14[%iota3A, %and3A_360], %add3A_479 : memref<16x128xf32, #tpu.memory_space<vmem>>[vector<16xi32>, vector<16xi32>], vector<16xf32>,
          %bitcast3A = vector.bitcast %max3A_489 : vector<16xf32> to vector<16xi32>
          %shift_right_arithmetic3A = arith.constant 23 : i32
          %shift_right_arithmetic3A_490 = vector.broadcast %shift_right_arithmetic3A : i32 to vector<16xi32>
          %shift_right_arithmetic3A_491 = arith.shrsi %bitcast3A, %shift_right_arithmetic3A_490 : vector<16xi32>
          %sub3A_492 = arith.constant 127 : i32
          %sub3A_493 = vector.broadcast %sub3A_492 : i32 to vector<16xi32>
          %sub3A_494 = arith.subi %shift_right_arithmetic3A_491, %sub3A_493 : vector<16xi32>
          %and3A_495 = arith.constant 8388607 : i32
          %and3A_496 = vector.broadcast %and3A_495 : i32 to vector<16xi32>
          %and3A_497 = arith.andi %bitcast3A, %and3A_496 : vector<16xi32>
          %or3A = arith.constant 1065353216 : i32
          %or3A_498 = vector.broadcast %or3A : i32 to vector<16xi32>
          %or3A_499 = arith.ori %and3A_497, %or3A_498 : vector<16xi32>
          %bitcast3A_500 = vector.bitcast %or3A_499 : vector<16xi32> to vector<16xf32>
          %gt3A_501 = arith.constant 1.41421354 : f32
          %gt3A_502 = vector.broadcast %gt3A_501 : f32 to vector<16xf32>
          %gt3A_503 = arith.cmpf ogt, %bitcast3A_500, %gt3A_502 : vector<16xf32>
          %mul3A_504 = arith.constant 5.000000e-01 : f32
          %mul3A_505 = vector.broadcast %mul3A_504 : f32 to vector<16xf32>
          %mul3A_506 = arith.mulf %bitcast3A_500, %mul3A_505 : vector<16xf32>
          %select_n3A_507 = arith.select %gt3A_503, %mul3A_506, %bitcast3A_500 : vector<16xi1>, vector<16xf32>
          %add3A_508 = arith.constant 1 : i32
          %add3A_509 = vector.broadcast %add3A_508 : i32 to vector<16xi32>
          %add3A_510 = arith.addi %sub3A_494, %add3A_509 : vector<16xi32>
          %select_n3A_511 = arith.select %gt3A_503, %add3A_510, %sub3A_494 : vector<16xi1>, vector<16xi32>
          %sub3A_512 = arith.constant 1.000000e+00 : f32
          %sub3A_513 = vector.broadcast %sub3A_512 : f32 to vector<16xf32>
          %sub3A_514 = arith.subf %select_n3A_507, %sub3A_513 : vector<16xf32>
          %add3A_515 = arith.constant 1.000000e+00 : f32
          %add3A_516 = vector.broadcast %add3A_515 : f32 to vector<16xf32>
          %add3A_517 = arith.addf %select_n3A_507, %add3A_516 : vector<16xf32>
          %div3A_518 = arith.divf %sub3A_514, %add3A_517 : vector<16xf32>
          %mul3A_519 = arith.mulf %div3A_518, %div3A_518 : vector<16xf32>
          %mul3A_520 = arith.constant 2.000000e+00 : f32
          %mul3A_521 = vector.broadcast %mul3A_520 : f32 to vector<16xf32>
          %mul3A_522 = arith.mulf %mul3A_521, %div3A_518 : vector<16xf32>
          %mul3A_523 = arith.constant 0.142857149 : f32
          %mul3A_524 = vector.broadcast %mul3A_523 : f32 to vector<16xf32>
          %mul3A_525 = arith.mulf %mul3A_519, %mul3A_524 : vector<16xf32>
          %add3A_526 = arith.constant 2.000000e-01 : f32
          %add3A_527 = vector.broadcast %add3A_526 : f32 to vector<16xf32>
          %add3A_528 = arith.addf %add3A_527, %mul3A_525 : vector<16xf32>
          %mul3A_529 = arith.mulf %mul3A_519, %add3A_528 : vector<16xf32>
          %add3A_530 = arith.constant 0.333333343 : f32
          %add3A_531 = vector.broadcast %add3A_530 : f32 to vector<16xf32>
          %add3A_532 = arith.addf %add3A_531, %mul3A_529 : vector<16xf32>
          %mul3A_533 = arith.mulf %mul3A_519, %add3A_532 : vector<16xf32>
          %add3A_534 = arith.constant 1.000000e+00 : f32
          %add3A_535 = vector.broadcast %add3A_534 : f32 to vector<16xf32>
          %add3A_536 = arith.addf %add3A_535, %mul3A_533 : vector<16xf32>
          %mul3A_537 = arith.mulf %mul3A_522, %add3A_536 : vector<16xf32>
          %convert_element_type3A_538 = arith.sitofp %select_n3A_511 : vector<16xi32> to vector<16xf32>
          %mul3A_539 = arith.constant 0.693147182 : f32
          %mul3A_540 = vector.broadcast %mul3A_539 : f32 to vector<16xf32>
          %mul3A_541 = arith.mulf %convert_element_type3A_538, %mul3A_540 : vector<16xf32>
          %add3A_542 = arith.addf %mul3A_541, %mul3A_537 : vector<16xf32>
          tpu.vector_store_idx %arg15[%iota3A, %and3A_360], %add3A_542 : memref<16x128xf32, #tpu.memory_space<vmem>>[vector<16xi32>, vector<16xi32>], vector<16xf32>,
        }
        %scan3A_333 = arith.constant 128 : i32
        %mul3A_334 = arith.constant 16 : i32
        %mul3A_335 = arith.muli %add3A_251, %mul3A_334 : i32
        %get3A_336 = arith.index_cast %mul3A_335 : i32 to index
        %get3A_337 = tpu.vector_load %arg9[%get3A_336] {strides = array<i32>} : memref<16400xi32, #tpu.memory_space<vmem>>, vector<16xi32>,
        %swap3A_338 = arith.constant 0 : i32
        %swap3A_339 = arith.index_cast %swap3A_338 : i32 to index
        %swap3A_340 = arith.constant 0 : index
        %swap3A_341 = tpu.vector_load %arg19[%swap3A_339, %swap3A_340] {strides = array<i32>} : memref<1x16xi32, #tpu.memory_space<vmem>>, vector<16xi32>,
        tpu.vector_store %arg19[%swap3A_339, %swap3A_340], %get3A_337 {strides = array<i32>} : memref<1x16xi32, #tpu.memory_space<vmem>>, vector<16xi32>,
        %dma_start3A = arith.constant 0 : i32
        %dma_start3A_342 = arith.constant 0 : i32
        %dma_start3A_343 = tpu.memref_slice %arg19[%dma_start3A, %dma_start3A_342] : memref<1x16xi32, #tpu.memory_space<vmem>> -> memref<1x16xi32, #tpu.memory_space<vmem>>
        %dma_start3A_344 = tpu.memref_squeeze %dma_start3A_343 : memref<1x16xi32, #tpu.memory_space<vmem>> -> memref<16xi32, #tpu.memory_space<vmem>>
        %dma_start3A_345 = arith.constant 0 : i32
        %dma_start3A_346 = arith.constant 0 : i32
        %dma_start3A_347 = tpu.memref_slice %arg4[%dma_start3A_345, %dma_start3A_346] : memref<16384x128xf32, #tpu.memory_space<hbm>> -> memref<16384x128xf32, #tpu.memory_space<hbm>>
        tpu.enqueue_indirect_dma source(%arg14 : memref<16x128xf32, #tpu.memory_space<vmem>>) target(%dma_start3A_347 : memref<16384x128xf32, #tpu.memory_space<hbm>>) offsets(%dma_start3A_344 : memref<16xi32, #tpu.memory_space<vmem>>) semaphore(%arg21 : memref<!tpu.dma_semaphore, #tpu.memory_space<semaphore_mem>>)
        %dma_start3A_348 = arith.constant 0 : i32
        %dma_start3A_349 = arith.constant 0 : i32
        %dma_start3A_350 = tpu.memref_slice %arg19[%dma_start3A_348, %dma_start3A_349] : memref<1x16xi32, #tpu.memory_space<vmem>> -> memref<1x16xi32, #tpu.memory_space<vmem>>
        %dma_start3A_351 = tpu.memref_squeeze %dma_start3A_350 : memref<1x16xi32, #tpu.memory_space<vmem>> -> memref<16xi32, #tpu.memory_space<vmem>>
        %dma_start3A_352 = arith.constant 0 : i32
        %dma_start3A_353 = arith.constant 0 : i32
        %dma_start3A_354 = tpu.memref_slice %arg5[%dma_start3A_352, %dma_start3A_353] : memref<16384x128xf32, #tpu.memory_space<hbm>> -> memref<16384x128xf32, #tpu.memory_space<hbm>>
        tpu.enqueue_indirect_dma source(%arg15 : memref<16x128xf32, #tpu.memory_space<vmem>>) target(%dma_start3A_354 : memref<16384x128xf32, #tpu.memory_space<hbm>>) offsets(%dma_start3A_351 : memref<16xi32, #tpu.memory_space<vmem>>) semaphore(%arg21 : memref<!tpu.dma_semaphore, #tpu.memory_space<semaphore_mem>>)
      } else {
      }
    }
    %gt3A = arith.constant 0 : i32
    %gt3A_159 = arith.cmpi sgt, %select_n3A, %gt3A : i32
    %convert_element_type3A = arith.extui %gt3A_159 : i1 to i32
    %cond3A = arith.constant 0 : i32
    %cond3A_160 = arith.cmpi ne, %convert_element_type3A, %cond3A : i32
    scf.if %cond3A_160 {
      %dma_wait3A = arith.constant 0 : i32
      %dma_wait3A_240 = arith.constant 0 : i32
      %dma_wait3A_241 = tpu.memref_slice %arg18[%dma_wait3A, %dma_wait3A_240] : memref<1x16xi32, #tpu.memory_space<vmem>> -> memref<1x16xi32, #tpu.memory_space<vmem>>
      %dma_wait3A_242 = tpu.memref_squeeze %dma_wait3A_241 : memref<1x16xi32, #tpu.memory_space<vmem>> -> memref<16xi32, #tpu.memory_space<vmem>>
      %dma_wait3A_243 = arith.constant 0 : i32
      %dma_wait3A_244 = arith.constant 0 : i32
      %dma_wait3A_245 = tpu.memref_slice %arg4[%dma_wait3A_243, %dma_wait3A_244] : memref<16384x128xf32, #tpu.memory_space<hbm>> -> memref<16384x128xf32, #tpu.memory_space<hbm>>
      tpu.wait_indirect_dma semaphore(%arg20 : memref<!tpu.dma_semaphore, #tpu.memory_space<semaphore_mem>>) src(%arg12 : memref<16x128xf32, #tpu.memory_space<vmem>>) dst(%dma_wait3A_245 : memref<16384x128xf32, #tpu.memory_space<hbm>>)
      %dma_wait3A_246 = arith.constant 0 : i32
      %dma_wait3A_247 = arith.constant 0 : i32
      %dma_wait3A_248 = tpu.memref_slice %arg18[%dma_wait3A_246, %dma_wait3A_247] : memref<1x16xi32, #tpu.memory_space<vmem>> -> memref<1x16xi32, #tpu.memory_space<vmem>>
      %dma_wait3A_249 = tpu.memref_squeeze %dma_wait3A_248 : memref<1x16xi32, #tpu.memory_space<vmem>> -> memref<16xi32, #tpu.memory_space<vmem>>
      %dma_wait3A_250 = arith.constant 0 : i32
      %dma_wait3A_251 = arith.constant 0 : i32
      %dma_wait3A_252 = tpu.memref_slice %arg5[%dma_wait3A_250, %dma_wait3A_251] : memref<16384x128xf32, #tpu.memory_space<hbm>> -> memref<16384x128xf32, #tpu.memory_space<hbm>>
      tpu.wait_indirect_dma semaphore(%arg20 : memref<!tpu.dma_semaphore, #tpu.memory_space<semaphore_mem>>) src(%arg13 : memref<16x128xf32, #tpu.memory_space<vmem>>) dst(%dma_wait3A_252 : memref<16384x128xf32, #tpu.memory_space<hbm>>)
    } else {
    }
    %gt3A_161 = arith.constant 1 : i32
    %gt3A_162 = arith.cmpi sgt, %select_n3A, %gt3A_161 : i32
    %convert_element_type3A_163 = arith.extui %gt3A_162 : i1 to i32
    %cond3A_164 = arith.constant 0 : i32
    %cond3A_165 = arith.cmpi ne, %convert_element_type3A_163, %cond3A_164 : i32
    scf.if %cond3A_165 {
      %dma_wait3A = arith.constant 0 : i32
      %dma_wait3A_240 = arith.constant 0 : i32
      %dma_wait3A_241 = tpu.memref_slice %arg19[%dma_wait3A, %dma_wait3A_240] : memref<1x16xi32, #tpu.memory_space<vmem>> -> memref<1x16xi32, #tpu.memory_space<vmem>>
      %dma_wait3A_242 = tpu.memref_squeeze %dma_wait3A_241 : memref<1x16xi32, #tpu.memory_space<vmem>> -> memref<16xi32, #tpu.memory_space<vmem>>
      %dma_wait3A_243 = arith.constant 0 : i32
      %dma_wait3A_244 = arith.constant 0 : i32
      %dma_wait3A_245 = tpu.memref_slice %arg4[%dma_wait3A_243, %dma_wait3A_244] : memref<16384x128xf32, #tpu.memory_space<hbm>> -> memref<16384x128xf32, #tpu.memory_space<hbm>>
      tpu.wait_indirect_dma semaphore(%arg21 : memref<!tpu.dma_semaphore, #tpu.memory_space<semaphore_mem>>) src(%arg14 : memref<16x128xf32, #tpu.memory_space<vmem>>) dst(%dma_wait3A_245 : memref<16384x128xf32, #tpu.memory_space<hbm>>)
      %dma_wait3A_246 = arith.constant 0 : i32
      %dma_wait3A_247 = arith.constant 0 : i32
      %dma_wait3A_248 = tpu.memref_slice %arg19[%dma_wait3A_246, %dma_wait3A_247] : memref<1x16xi32, #tpu.memory_space<vmem>> -> memref<1x16xi32, #tpu.memory_space<vmem>>
      %dma_wait3A_249 = tpu.memref_squeeze %dma_wait3A_248 : memref<1x16xi32, #tpu.memory_space<vmem>> -> memref<16xi32, #tpu.memory_space<vmem>>
      %dma_wait3A_250 = arith.constant 0 : i32
      %dma_wait3A_251 = arith.constant 0 : i32
      %dma_wait3A_252 = tpu.memref_slice %arg5[%dma_wait3A_250, %dma_wait3A_251] : memref<16384x128xf32, #tpu.memory_space<hbm>> -> memref<16384x128xf32, #tpu.memory_space<hbm>>
      tpu.wait_indirect_dma semaphore(%arg21 : memref<!tpu.dma_semaphore, #tpu.memory_space<semaphore_mem>>) src(%arg15 : memref<16x128xf32, #tpu.memory_space<vmem>>) dst(%dma_wait3A_252 : memref<16384x128xf32, #tpu.memory_space<hbm>>)
    } else {
    }
    %add3A_166 = arith.constant 16 : i32
    %add3A_167 = arith.addi %scan3A_26, %add3A_166 : i32
    %sub3A_168 = arith.constant 1 : i32
    %sub3A_169 = arith.subi %add3A_167, %sub3A_168 : i32
    %jit3A_170 = arith.constant 16 : i32
    %div3A_171 = arith.divsi %sub3A_169, %jit3A_170 : i32
    %sign3A_172 = arith.constant 0 : i32
    %sign3A_173 = arith.cmpi sgt, %sub3A_169, %sign3A_172 : i32
    %sign3A_174 = arith.extui %sign3A_173 : i1 to i32
    %sign3A_175 = arith.constant 0 : i32
    %sign3A_176 = arith.cmpi slt, %sub3A_169, %sign3A_175 : i32
    %sign3A_177 = arith.extui %sign3A_176 : i1 to i32
    %sign3A_178 = arith.subi %sign3A_174, %sign3A_177 : i32
    %sign3A_179 = arith.constant 0 : i32
    %sign3A_180 = arith.cmpi sgt, %jit3A_170, %sign3A_179 : i32
    %sign3A_181 = arith.extui %sign3A_180 : i1 to i32
    %sign3A_182 = arith.constant 0 : i32
    %sign3A_183 = arith.cmpi slt, %jit3A_170, %sign3A_182 : i32
    %sign3A_184 = arith.extui %sign3A_183 : i1 to i32
    %sign3A_185 = arith.subi %sign3A_181, %sign3A_184 : i32
    %ne3A_186 = arith.cmpi ne, %sign3A_178, %sign3A_185 : i32
    %rem3A_187 = arith.remsi %sub3A_169, %jit3A_170 : i32
    %ne3A_188 = arith.constant 0 : i32
    %ne3A_189 = arith.cmpi ne, %rem3A_187, %ne3A_188 : i32
    %and3A_190 = arith.andi %ne3A_186, %ne3A_189 : i1
    %sub3A_191 = arith.constant 1 : i32
    %sub3A_192 = arith.subi %div3A_171, %sub3A_191 : i32
    %select_n3A_193 = arith.select %and3A_190, %sub3A_192, %div3A_171 : i32
    %add3A_194 = arith.constant 1 : i32
    %add3A_195 = arith.addi %select_n3A_193, %add3A_194 : i32
    %jit3A_196 = arith.constant 2 : i32
    %div3A_197 = arith.divsi %add3A_195, %jit3A_196 : i32
    %sign3A_198 = arith.constant 0 : i32
    %sign3A_199 = arith.cmpi sgt, %add3A_195, %sign3A_198 : i32
    %sign3A_200 = arith.extui %sign3A_199 : i1 to i32
    %sign3A_201 = arith.constant 0 : i32
    %sign3A_202 = arith.cmpi slt, %add3A_195, %sign3A_201 : i32
    %sign3A_203 = arith.extui %sign3A_202 : i1 to i32
    %sign3A_204 = arith.subi %sign3A_200, %sign3A_203 : i32
    %sign3A_205 = arith.constant 0 : i32
    %sign3A_206 = arith.cmpi sgt, %jit3A_196, %sign3A_205 : i32
    %sign3A_207 = arith.extui %sign3A_206 : i1 to i32
    %sign3A_208 = arith.constant 0 : i32
    %sign3A_209 = arith.cmpi slt, %jit3A_196, %sign3A_208 : i32
    %sign3A_210 = arith.extui %sign3A_209 : i1 to i32
    %sign3A_211 = arith.subi %sign3A_207, %sign3A_210 : i32
    %ne3A_212 = arith.cmpi ne, %sign3A_204, %sign3A_211 : i32
    %rem3A_213 = arith.remsi %add3A_195, %jit3A_196 : i32
    %ne3A_214 = arith.constant 0 : i32
    %ne3A_215 = arith.cmpi ne, %rem3A_213, %ne3A_214 : i32
    %and3A_216 = arith.andi %ne3A_212, %ne3A_215 : i1
    %sub3A_217 = arith.constant 1 : i32
    %sub3A_218 = arith.subi %div3A_197, %sub3A_217 : i32
    %select_n3A_219 = arith.select %and3A_216, %sub3A_218, %div3A_197 : i32
    %while3A_220 = arith.constant 0 : i32
    %while3A_221 = arith.constant 0 : i32
    %while3A_222 = arith.subi %select_n3A_219, %while3A_221 : i32
    %while3A_223 = arith.addi %while3A_221, %while3A_222 : i32
    %while3A_224 = arith.constant 1 : i32
    %while3A_225 = arith.divsi %while3A_222, %while3A_224 : i32
    %while3A_226 = arith.muli %while3A_225, %while3A_224 : i32
    %while3A_227 = arith.addi %while3A_221, %while3A_226 : i32
    %while3A_228 = arith.constant 1 : i32
    scf.for %while3A_240 = %while3A_221 to %while3A_227 step %while3A_228  : i32 {
      %mul3A_241 = arith.constant 2 : i32
      %mul3A_242 = arith.muli %while3A_240, %mul3A_241 : i32
      %add3A_243 = arith.constant 0 : i32
      %add3A_244 = arith.addi %mul3A_242, %add3A_243 : i32
      %lt3A = arith.cmpi slt, %add3A_244, %select_n3A_193 : i32
      %convert_element_type3A_245 = arith.extui %lt3A : i1 to i32
      %cond3A_246 = arith.constant 0 : i32
      %cond3A_247 = arith.cmpi ne, %convert_element_type3A_245, %cond3A_246 : i32
      scf.if %cond3A_247 {
        %ge3A = arith.constant 2 : i32
        %ge3A_256 = arith.cmpi sge, %add3A_244, %ge3A : i32
        %convert_element_type3A_257 = arith.extui %ge3A_256 : i1 to i32
        %cond3A_258 = arith.constant 0 : i32
        %cond3A_259 = arith.cmpi ne, %convert_element_type3A_257, %cond3A_258 : i32
        scf.if %cond3A_259 {
          %dma_wait3A = arith.constant 0 : i32
          %dma_wait3A_280 = arith.constant 0 : i32
          %dma_wait3A_281 = tpu.memref_slice %arg18[%dma_wait3A, %dma_wait3A_280] : memref<1x16xi32, #tpu.memory_space<vmem>> -> memref<1x16xi32, #tpu.memory_space<vmem>>
          %dma_wait3A_282 = tpu.memref_squeeze %dma_wait3A_281 : memref<1x16xi32, #tpu.memory_space<vmem>> -> memref<16xi32, #tpu.memory_space<vmem>>
          %dma_wait3A_283 = arith.constant 0 : i32
          %dma_wait3A_284 = arith.constant 0 : i32
          %dma_wait3A_285 = tpu.memref_slice %arg4[%dma_wait3A_283, %dma_wait3A_284] : memref<16384x128xf32, #tpu.memory_space<hbm>> -> memref<16384x128xf32, #tpu.memory_space<hbm>>
          tpu.wait_indirect_dma semaphore(%arg20 : memref<!tpu.dma_semaphore, #tpu.memory_space<semaphore_mem>>) src(%arg16 : memref<16x128xf32, #tpu.memory_space<vmem>>) dst(%dma_wait3A_285 : memref<16384x128xf32, #tpu.memory_space<hbm>>)
          %dma_wait3A_286 = arith.constant 0 : i32
          %dma_wait3A_287 = arith.constant 0 : i32
          %dma_wait3A_288 = tpu.memref_slice %arg18[%dma_wait3A_286, %dma_wait3A_287] : memref<1x16xi32, #tpu.memory_space<vmem>> -> memref<1x16xi32, #tpu.memory_space<vmem>>
          %dma_wait3A_289 = tpu.memref_squeeze %dma_wait3A_288 : memref<1x16xi32, #tpu.memory_space<vmem>> -> memref<16xi32, #tpu.memory_space<vmem>>
          %dma_wait3A_290 = arith.constant 0 : i32
          %dma_wait3A_291 = arith.constant 0 : i32
          %dma_wait3A_292 = tpu.memref_slice %arg5[%dma_wait3A_290, %dma_wait3A_291] : memref<16384x128xf32, #tpu.memory_space<hbm>> -> memref<16384x128xf32, #tpu.memory_space<hbm>>
          tpu.wait_indirect_dma semaphore(%arg20 : memref<!tpu.dma_semaphore, #tpu.memory_space<semaphore_mem>>) src(%arg17 : memref<16x128xf32, #tpu.memory_space<vmem>>) dst(%dma_wait3A_292 : memref<16384x128xf32, #tpu.memory_space<hbm>>)
        } else {
        }
        %mul3A_260 = arith.constant 16 : i32
        %mul3A_261 = arith.muli %add3A_244, %mul3A_260 : i32
        %get3A = arith.index_cast %mul3A_261 : i32 to index
        %get3A_262 = tpu.vector_load %arg11[%get3A] {strides = array<i32>} : memref<528xi32, #tpu.memory_space<vmem>>, vector<16xi32>,
        %swap3A_263 = arith.constant 0 : i32
        %swap3A_264 = arith.index_cast %swap3A_263 : i32 to index
        %swap3A_265 = arith.constant 0 : index
        %swap3A_266 = tpu.vector_load %arg18[%swap3A_264, %swap3A_265] {strides = array<i32>} : memref<1x16xi32, #tpu.memory_space<vmem>>, vector<16xi32>,
        tpu.vector_store %arg18[%swap3A_264, %swap3A_265], %get3A_262 {strides = array<i32>} : memref<1x16xi32, #tpu.memory_space<vmem>>, vector<16xi32>,
        %dma_start3A = arith.constant 0 : i32
        %dma_start3A_267 = arith.constant 0 : i32
        %dma_start3A_268 = tpu.memref_slice %arg18[%dma_start3A, %dma_start3A_267] : memref<1x16xi32, #tpu.memory_space<vmem>> -> memref<1x16xi32, #tpu.memory_space<vmem>>
        %dma_start3A_269 = tpu.memref_squeeze %dma_start3A_268 : memref<1x16xi32, #tpu.memory_space<vmem>> -> memref<16xi32, #tpu.memory_space<vmem>>
        %dma_start3A_270 = arith.constant 0 : i32
        %dma_start3A_271 = arith.constant 0 : i32
        %dma_start3A_272 = tpu.memref_slice %arg4[%dma_start3A_270, %dma_start3A_271] : memref<16384x128xf32, #tpu.memory_space<hbm>> -> memref<16384x128xf32, #tpu.memory_space<hbm>>
        tpu.enqueue_indirect_dma source(%arg16 : memref<16x128xf32, #tpu.memory_space<vmem>>) target(%dma_start3A_272 : memref<16384x128xf32, #tpu.memory_space<hbm>>) offsets(%dma_start3A_269 : memref<16xi32, #tpu.memory_space<vmem>>) semaphore(%arg20 : memref<!tpu.dma_semaphore, #tpu.memory_space<semaphore_mem>>)
        %dma_start3A_273 = arith.constant 0 : i32
        %dma_start3A_274 = arith.constant 0 : i32
        %dma_start3A_275 = tpu.memref_slice %arg18[%dma_start3A_273, %dma_start3A_274] : memref<1x16xi32, #tpu.memory_space<vmem>> -> memref<1x16xi32, #tpu.memory_space<vmem>>
        %dma_start3A_276 = tpu.memref_squeeze %dma_start3A_275 : memref<1x16xi32, #tpu.memory_space<vmem>> -> memref<16xi32, #tpu.memory_space<vmem>>
        %dma_start3A_277 = arith.constant 0 : i32
        %dma_start3A_278 = arith.constant 0 : i32
        %dma_start3A_279 = tpu.memref_slice %arg5[%dma_start3A_277, %dma_start3A_278] : memref<16384x128xf32, #tpu.memory_space<hbm>> -> memref<16384x128xf32, #tpu.memory_space<hbm>>
        tpu.enqueue_indirect_dma source(%arg17 : memref<16x128xf32, #tpu.memory_space<vmem>>) target(%dma_start3A_279 : memref<16384x128xf32, #tpu.memory_space<hbm>>) offsets(%dma_start3A_276 : memref<16xi32, #tpu.memory_space<vmem>>) semaphore(%arg20 : memref<!tpu.dma_semaphore, #tpu.memory_space<semaphore_mem>>)
      } else {
      }
      %mul3A_248 = arith.constant 2 : i32
      %mul3A_249 = arith.muli %while3A_240, %mul3A_248 : i32
      %add3A_250 = arith.constant 1 : i32
      %add3A_251 = arith.addi %mul3A_249, %add3A_250 : i32
      %lt3A_252 = arith.cmpi slt, %add3A_251, %select_n3A_193 : i32
      %convert_element_type3A_253 = arith.extui %lt3A_252 : i1 to i32
      %cond3A_254 = arith.constant 0 : i32
      %cond3A_255 = arith.cmpi ne, %convert_element_type3A_253, %cond3A_254 : i32
      scf.if %cond3A_255 {
        %ge3A = arith.constant 2 : i32
        %ge3A_256 = arith.cmpi sge, %add3A_251, %ge3A : i32
        %convert_element_type3A_257 = arith.extui %ge3A_256 : i1 to i32
        %cond3A_258 = arith.constant 0 : i32
        %cond3A_259 = arith.cmpi ne, %convert_element_type3A_257, %cond3A_258 : i32
        scf.if %cond3A_259 {
          %dma_wait3A = arith.constant 0 : i32
          %dma_wait3A_280 = arith.constant 0 : i32
          %dma_wait3A_281 = tpu.memref_slice %arg19[%dma_wait3A, %dma_wait3A_280] : memref<1x16xi32, #tpu.memory_space<vmem>> -> memref<1x16xi32, #tpu.memory_space<vmem>>
          %dma_wait3A_282 = tpu.memref_squeeze %dma_wait3A_281 : memref<1x16xi32, #tpu.memory_space<vmem>> -> memref<16xi32, #tpu.memory_space<vmem>>
          %dma_wait3A_283 = arith.constant 0 : i32
          %dma_wait3A_284 = arith.constant 0 : i32
          %dma_wait3A_285 = tpu.memref_slice %arg4[%dma_wait3A_283, %dma_wait3A_284] : memref<16384x128xf32, #tpu.memory_space<hbm>> -> memref<16384x128xf32, #tpu.memory_space<hbm>>
          tpu.wait_indirect_dma semaphore(%arg21 : memref<!tpu.dma_semaphore, #tpu.memory_space<semaphore_mem>>) src(%arg16 : memref<16x128xf32, #tpu.memory_space<vmem>>) dst(%dma_wait3A_285 : memref<16384x128xf32, #tpu.memory_space<hbm>>)
          %dma_wait3A_286 = arith.constant 0 : i32
          %dma_wait3A_287 = arith.constant 0 : i32
          %dma_wait3A_288 = tpu.memref_slice %arg19[%dma_wait3A_286, %dma_wait3A_287] : memref<1x16xi32, #tpu.memory_space<vmem>> -> memref<1x16xi32, #tpu.memory_space<vmem>>
          %dma_wait3A_289 = tpu.memref_squeeze %dma_wait3A_288 : memref<1x16xi32, #tpu.memory_space<vmem>> -> memref<16xi32, #tpu.memory_space<vmem>>
          %dma_wait3A_290 = arith.constant 0 : i32
          %dma_wait3A_291 = arith.constant 0 : i32
          %dma_wait3A_292 = tpu.memref_slice %arg5[%dma_wait3A_290, %dma_wait3A_291] : memref<16384x128xf32, #tpu.memory_space<hbm>> -> memref<16384x128xf32, #tpu.memory_space<hbm>>
          tpu.wait_indirect_dma semaphore(%arg21 : memref<!tpu.dma_semaphore, #tpu.memory_space<semaphore_mem>>) src(%arg17 : memref<16x128xf32, #tpu.memory_space<vmem>>) dst(%dma_wait3A_292 : memref<16384x128xf32, #tpu.memory_space<hbm>>)
        } else {
        }
        %mul3A_260 = arith.constant 16 : i32
        %mul3A_261 = arith.muli %add3A_251, %mul3A_260 : i32
        %get3A = arith.index_cast %mul3A_261 : i32 to index
        %get3A_262 = tpu.vector_load %arg11[%get3A] {strides = array<i32>} : memref<528xi32, #tpu.memory_space<vmem>>, vector<16xi32>,
        %swap3A_263 = arith.constant 0 : i32
        %swap3A_264 = arith.index_cast %swap3A_263 : i32 to index
        %swap3A_265 = arith.constant 0 : index
        %swap3A_266 = tpu.vector_load %arg19[%swap3A_264, %swap3A_265] {strides = array<i32>} : memref<1x16xi32, #tpu.memory_space<vmem>>, vector<16xi32>,
        tpu.vector_store %arg19[%swap3A_264, %swap3A_265], %get3A_262 {strides = array<i32>} : memref<1x16xi32, #tpu.memory_space<vmem>>, vector<16xi32>,
        %dma_start3A = arith.constant 0 : i32
        %dma_start3A_267 = arith.constant 0 : i32
        %dma_start3A_268 = tpu.memref_slice %arg19[%dma_start3A, %dma_start3A_267] : memref<1x16xi32, #tpu.memory_space<vmem>> -> memref<1x16xi32, #tpu.memory_space<vmem>>
        %dma_start3A_269 = tpu.memref_squeeze %dma_start3A_268 : memref<1x16xi32, #tpu.memory_space<vmem>> -> memref<16xi32, #tpu.memory_space<vmem>>
        %dma_start3A_270 = arith.constant 0 : i32
        %dma_start3A_271 = arith.constant 0 : i32
        %dma_start3A_272 = tpu.memref_slice %arg4[%dma_start3A_270, %dma_start3A_271] : memref<16384x128xf32, #tpu.memory_space<hbm>> -> memref<16384x128xf32, #tpu.memory_space<hbm>>
        tpu.enqueue_indirect_dma source(%arg16 : memref<16x128xf32, #tpu.memory_space<vmem>>) target(%dma_start3A_272 : memref<16384x128xf32, #tpu.memory_space<hbm>>) offsets(%dma_start3A_269 : memref<16xi32, #tpu.memory_space<vmem>>) semaphore(%arg21 : memref<!tpu.dma_semaphore, #tpu.memory_space<semaphore_mem>>)
        %dma_start3A_273 = arith.constant 0 : i32
        %dma_start3A_274 = arith.constant 0 : i32
        %dma_start3A_275 = tpu.memref_slice %arg19[%dma_start3A_273, %dma_start3A_274] : memref<1x16xi32, #tpu.memory_space<vmem>> -> memref<1x16xi32, #tpu.memory_space<vmem>>
        %dma_start3A_276 = tpu.memref_squeeze %dma_start3A_275 : memref<1x16xi32, #tpu.memory_space<vmem>> -> memref<16xi32, #tpu.memory_space<vmem>>
        %dma_start3A_277 = arith.constant 0 : i32
        %dma_start3A_278 = arith.constant 0 : i32
        %dma_start3A_279 = tpu.memref_slice %arg5[%dma_start3A_277, %dma_start3A_278] : memref<16384x128xf32, #tpu.memory_space<hbm>> -> memref<16384x128xf32, #tpu.memory_space<hbm>>
        tpu.enqueue_indirect_dma source(%arg17 : memref<16x128xf32, #tpu.memory_space<vmem>>) target(%dma_start3A_279 : memref<16384x128xf32, #tpu.memory_space<hbm>>) offsets(%dma_start3A_276 : memref<16xi32, #tpu.memory_space<vmem>>) semaphore(%arg21 : memref<!tpu.dma_semaphore, #tpu.memory_space<semaphore_mem>>)
      } else {
      }
    }
    %while3A_229 = arith.constant 1 : i32
    scf.for %while3A_240 = %while3A_227 to %while3A_223 step %while3A_229  : i32 {
      %mul3A_241 = arith.constant 2 : i32
      %mul3A_242 = arith.muli %while3A_240, %mul3A_241 : i32
      %add3A_243 = arith.constant 0 : i32
      %add3A_244 = arith.addi %mul3A_242, %add3A_243 : i32
      %lt3A = arith.cmpi slt, %add3A_244, %select_n3A_193 : i32
      %convert_element_type3A_245 = arith.extui %lt3A : i1 to i32
      %cond3A_246 = arith.constant 0 : i32
      %cond3A_247 = arith.cmpi ne, %convert_element_type3A_245, %cond3A_246 : i32
      scf.if %cond3A_247 {
        %ge3A = arith.constant 2 : i32
        %ge3A_256 = arith.cmpi sge, %add3A_244, %ge3A : i32
        %convert_element_type3A_257 = arith.extui %ge3A_256 : i1 to i32
        %cond3A_258 = arith.constant 0 : i32
        %cond3A_259 = arith.cmpi ne, %convert_element_type3A_257, %cond3A_258 : i32
        scf.if %cond3A_259 {
          %dma_wait3A = arith.constant 0 : i32
          %dma_wait3A_280 = arith.constant 0 : i32
          %dma_wait3A_281 = tpu.memref_slice %arg18[%dma_wait3A, %dma_wait3A_280] : memref<1x16xi32, #tpu.memory_space<vmem>> -> memref<1x16xi32, #tpu.memory_space<vmem>>
          %dma_wait3A_282 = tpu.memref_squeeze %dma_wait3A_281 : memref<1x16xi32, #tpu.memory_space<vmem>> -> memref<16xi32, #tpu.memory_space<vmem>>
          %dma_wait3A_283 = arith.constant 0 : i32
          %dma_wait3A_284 = arith.constant 0 : i32
          %dma_wait3A_285 = tpu.memref_slice %arg4[%dma_wait3A_283, %dma_wait3A_284] : memref<16384x128xf32, #tpu.memory_space<hbm>> -> memref<16384x128xf32, #tpu.memory_space<hbm>>
          tpu.wait_indirect_dma semaphore(%arg20 : memref<!tpu.dma_semaphore, #tpu.memory_space<semaphore_mem>>) src(%arg16 : memref<16x128xf32, #tpu.memory_space<vmem>>) dst(%dma_wait3A_285 : memref<16384x128xf32, #tpu.memory_space<hbm>>)
          %dma_wait3A_286 = arith.constant 0 : i32
          %dma_wait3A_287 = arith.constant 0 : i32
          %dma_wait3A_288 = tpu.memref_slice %arg18[%dma_wait3A_286, %dma_wait3A_287] : memref<1x16xi32, #tpu.memory_space<vmem>> -> memref<1x16xi32, #tpu.memory_space<vmem>>
          %dma_wait3A_289 = tpu.memref_squeeze %dma_wait3A_288 : memref<1x16xi32, #tpu.memory_space<vmem>> -> memref<16xi32, #tpu.memory_space<vmem>>
          %dma_wait3A_290 = arith.constant 0 : i32
          %dma_wait3A_291 = arith.constant 0 : i32
          %dma_wait3A_292 = tpu.memref_slice %arg5[%dma_wait3A_290, %dma_wait3A_291] : memref<16384x128xf32, #tpu.memory_space<hbm>> -> memref<16384x128xf32, #tpu.memory_space<hbm>>
          tpu.wait_indirect_dma semaphore(%arg20 : memref<!tpu.dma_semaphore, #tpu.memory_space<semaphore_mem>>) src(%arg17 : memref<16x128xf32, #tpu.memory_space<vmem>>) dst(%dma_wait3A_292 : memref<16384x128xf32, #tpu.memory_space<hbm>>)
        } else {
        }
        %mul3A_260 = arith.constant 16 : i32
        %mul3A_261 = arith.muli %add3A_244, %mul3A_260 : i32
        %get3A = arith.index_cast %mul3A_261 : i32 to index
        %get3A_262 = tpu.vector_load %arg11[%get3A] {strides = array<i32>} : memref<528xi32, #tpu.memory_space<vmem>>, vector<16xi32>,
        %swap3A_263 = arith.constant 0 : i32
        %swap3A_264 = arith.index_cast %swap3A_263 : i32 to index
        %swap3A_265 = arith.constant 0 : index
        %swap3A_266 = tpu.vector_load %arg18[%swap3A_264, %swap3A_265] {strides = array<i32>} : memref<1x16xi32, #tpu.memory_space<vmem>>, vector<16xi32>,
        tpu.vector_store %arg18[%swap3A_264, %swap3A_265], %get3A_262 {strides = array<i32>} : memref<1x16xi32, #tpu.memory_space<vmem>>, vector<16xi32>,
        %dma_start3A = arith.constant 0 : i32
        %dma_start3A_267 = arith.constant 0 : i32
        %dma_start3A_268 = tpu.memref_slice %arg18[%dma_start3A, %dma_start3A_267] : memref<1x16xi32, #tpu.memory_space<vmem>> -> memref<1x16xi32, #tpu.memory_space<vmem>>
        %dma_start3A_269 = tpu.memref_squeeze %dma_start3A_268 : memref<1x16xi32, #tpu.memory_space<vmem>> -> memref<16xi32, #tpu.memory_space<vmem>>
        %dma_start3A_270 = arith.constant 0 : i32
        %dma_start3A_271 = arith.constant 0 : i32
        %dma_start3A_272 = tpu.memref_slice %arg4[%dma_start3A_270, %dma_start3A_271] : memref<16384x128xf32, #tpu.memory_space<hbm>> -> memref<16384x128xf32, #tpu.memory_space<hbm>>
        tpu.enqueue_indirect_dma source(%arg16 : memref<16x128xf32, #tpu.memory_space<vmem>>) target(%dma_start3A_272 : memref<16384x128xf32, #tpu.memory_space<hbm>>) offsets(%dma_start3A_269 : memref<16xi32, #tpu.memory_space<vmem>>) semaphore(%arg20 : memref<!tpu.dma_semaphore, #tpu.memory_space<semaphore_mem>>)
        %dma_start3A_273 = arith.constant 0 : i32
        %dma_start3A_274 = arith.constant 0 : i32
        %dma_start3A_275 = tpu.memref_slice %arg18[%dma_start3A_273, %dma_start3A_274] : memref<1x16xi32, #tpu.memory_space<vmem>> -> memref<1x16xi32, #tpu.memory_space<vmem>>
        %dma_start3A_276 = tpu.memref_squeeze %dma_start3A_275 : memref<1x16xi32, #tpu.memory_space<vmem>> -> memref<16xi32, #tpu.memory_space<vmem>>
        %dma_start3A_277 = arith.constant 0 : i32
        %dma_start3A_278 = arith.constant 0 : i32
        %dma_start3A_279 = tpu.memref_slice %arg5[%dma_start3A_277, %dma_start3A_278] : memref<16384x128xf32, #tpu.memory_space<hbm>> -> memref<16384x128xf32, #tpu.memory_space<hbm>>
        tpu.enqueue_indirect_dma source(%arg17 : memref<16x128xf32, #tpu.memory_space<vmem>>) target(%dma_start3A_279 : memref<16384x128xf32, #tpu.memory_space<hbm>>) offsets(%dma_start3A_276 : memref<16xi32, #tpu.memory_space<vmem>>) semaphore(%arg20 : memref<!tpu.dma_semaphore, #tpu.memory_space<semaphore_mem>>)
      } else {
      }
      %mul3A_248 = arith.constant 2 : i32
      %mul3A_249 = arith.muli %while3A_240, %mul3A_248 : i32
      %add3A_250 = arith.constant 1 : i32
      %add3A_251 = arith.addi %mul3A_249, %add3A_250 : i32
      %lt3A_252 = arith.cmpi slt, %add3A_251, %select_n3A_193 : i32
      %convert_element_type3A_253 = arith.extui %lt3A_252 : i1 to i32
      %cond3A_254 = arith.constant 0 : i32
      %cond3A_255 = arith.cmpi ne, %convert_element_type3A_253, %cond3A_254 : i32
      scf.if %cond3A_255 {
        %ge3A = arith.constant 2 : i32
        %ge3A_256 = arith.cmpi sge, %add3A_251, %ge3A : i32
        %convert_element_type3A_257 = arith.extui %ge3A_256 : i1 to i32
        %cond3A_258 = arith.constant 0 : i32
        %cond3A_259 = arith.cmpi ne, %convert_element_type3A_257, %cond3A_258 : i32
        scf.if %cond3A_259 {
          %dma_wait3A = arith.constant 0 : i32
          %dma_wait3A_280 = arith.constant 0 : i32
          %dma_wait3A_281 = tpu.memref_slice %arg19[%dma_wait3A, %dma_wait3A_280] : memref<1x16xi32, #tpu.memory_space<vmem>> -> memref<1x16xi32, #tpu.memory_space<vmem>>
          %dma_wait3A_282 = tpu.memref_squeeze %dma_wait3A_281 : memref<1x16xi32, #tpu.memory_space<vmem>> -> memref<16xi32, #tpu.memory_space<vmem>>
          %dma_wait3A_283 = arith.constant 0 : i32
          %dma_wait3A_284 = arith.constant 0 : i32
          %dma_wait3A_285 = tpu.memref_slice %arg4[%dma_wait3A_283, %dma_wait3A_284] : memref<16384x128xf32, #tpu.memory_space<hbm>> -> memref<16384x128xf32, #tpu.memory_space<hbm>>
          tpu.wait_indirect_dma semaphore(%arg21 : memref<!tpu.dma_semaphore, #tpu.memory_space<semaphore_mem>>) src(%arg16 : memref<16x128xf32, #tpu.memory_space<vmem>>) dst(%dma_wait3A_285 : memref<16384x128xf32, #tpu.memory_space<hbm>>)
          %dma_wait3A_286 = arith.constant 0 : i32
          %dma_wait3A_287 = arith.constant 0 : i32
          %dma_wait3A_288 = tpu.memref_slice %arg19[%dma_wait3A_286, %dma_wait3A_287] : memref<1x16xi32, #tpu.memory_space<vmem>> -> memref<1x16xi32, #tpu.memory_space<vmem>>
          %dma_wait3A_289 = tpu.memref_squeeze %dma_wait3A_288 : memref<1x16xi32, #tpu.memory_space<vmem>> -> memref<16xi32, #tpu.memory_space<vmem>>
          %dma_wait3A_290 = arith.constant 0 : i32
          %dma_wait3A_291 = arith.constant 0 : i32
          %dma_wait3A_292 = tpu.memref_slice %arg5[%dma_wait3A_290, %dma_wait3A_291] : memref<16384x128xf32, #tpu.memory_space<hbm>> -> memref<16384x128xf32, #tpu.memory_space<hbm>>
          tpu.wait_indirect_dma semaphore(%arg21 : memref<!tpu.dma_semaphore, #tpu.memory_space<semaphore_mem>>) src(%arg17 : memref<16x128xf32, #tpu.memory_space<vmem>>) dst(%dma_wait3A_292 : memref<16384x128xf32, #tpu.memory_space<hbm>>)
        } else {
        }
        %mul3A_260 = arith.constant 16 : i32
        %mul3A_261 = arith.muli %add3A_251, %mul3A_260 : i32
        %get3A = arith.index_cast %mul3A_261 : i32 to index
        %get3A_262 = tpu.vector_load %arg11[%get3A] {strides = array<i32>} : memref<528xi32, #tpu.memory_space<vmem>>, vector<16xi32>,
        %swap3A_263 = arith.constant 0 : i32
        %swap3A_264 = arith.index_cast %swap3A_263 : i32 to index
        %swap3A_265 = arith.constant 0 : index
        %swap3A_266 = tpu.vector_load %arg19[%swap3A_264, %swap3A_265] {strides = array<i32>} : memref<1x16xi32, #tpu.memory_space<vmem>>, vector<16xi32>,
        tpu.vector_store %arg19[%swap3A_264, %swap3A_265], %get3A_262 {strides = array<i32>} : memref<1x16xi32, #tpu.memory_space<vmem>>, vector<16xi32>,
        %dma_start3A = arith.constant 0 : i32
        %dma_start3A_267 = arith.constant 0 : i32
        %dma_start3A_268 = tpu.memref_slice %arg19[%dma_start3A, %dma_start3A_267] : memref<1x16xi32, #tpu.memory_space<vmem>> -> memref<1x16xi32, #tpu.memory_space<vmem>>
        %dma_start3A_269 = tpu.memref_squeeze %dma_start3A_268 : memref<1x16xi32, #tpu.memory_space<vmem>> -> memref<16xi32, #tpu.memory_space<vmem>>
        %dma_start3A_270 = arith.constant 0 : i32
        %dma_start3A_271 = arith.constant 0 : i32
        %dma_start3A_272 = tpu.memref_slice %arg4[%dma_start3A_270, %dma_start3A_271] : memref<16384x128xf32, #tpu.memory_space<hbm>> -> memref<16384x128xf32, #tpu.memory_space<hbm>>
        tpu.enqueue_indirect_dma source(%arg16 : memref<16x128xf32, #tpu.memory_space<vmem>>) target(%dma_start3A_272 : memref<16384x128xf32, #tpu.memory_space<hbm>>) offsets(%dma_start3A_269 : memref<16xi32, #tpu.memory_space<vmem>>) semaphore(%arg21 : memref<!tpu.dma_semaphore, #tpu.memory_space<semaphore_mem>>)
        %dma_start3A_273 = arith.constant 0 : i32
        %dma_start3A_274 = arith.constant 0 : i32
        %dma_start3A_275 = tpu.memref_slice %arg19[%dma_start3A_273, %dma_start3A_274] : memref<1x16xi32, #tpu.memory_space<vmem>> -> memref<1x16xi32, #tpu.memory_space<vmem>>
        %dma_start3A_276 = tpu.memref_squeeze %dma_start3A_275 : memref<1x16xi32, #tpu.memory_space<vmem>> -> memref<16xi32, #tpu.memory_space<vmem>>
        %dma_start3A_277 = arith.constant 0 : i32
        %dma_start3A_278 = arith.constant 0 : i32
        %dma_start3A_279 = tpu.memref_slice %arg5[%dma_start3A_277, %dma_start3A_278] : memref<16384x128xf32, #tpu.memory_space<hbm>> -> memref<16384x128xf32, #tpu.memory_space<hbm>>
        tpu.enqueue_indirect_dma source(%arg17 : memref<16x128xf32, #tpu.memory_space<vmem>>) target(%dma_start3A_279 : memref<16384x128xf32, #tpu.memory_space<hbm>>) offsets(%dma_start3A_276 : memref<16xi32, #tpu.memory_space<vmem>>) semaphore(%arg21 : memref<!tpu.dma_semaphore, #tpu.memory_space<semaphore_mem>>)
      } else {
      }
    }
    %gt3A_230 = arith.constant 0 : i32
    %gt3A_231 = arith.cmpi sgt, %select_n3A_193, %gt3A_230 : i32
    %convert_element_type3A_232 = arith.extui %gt3A_231 : i1 to i32
    %cond3A_233 = arith.constant 0 : i32
    %cond3A_234 = arith.cmpi ne, %convert_element_type3A_232, %cond3A_233 : i32
    scf.if %cond3A_234 {
      %dma_wait3A = arith.constant 0 : i32
      %dma_wait3A_240 = arith.constant 0 : i32
      %dma_wait3A_241 = tpu.memref_slice %arg18[%dma_wait3A, %dma_wait3A_240] : memref<1x16xi32, #tpu.memory_space<vmem>> -> memref<1x16xi32, #tpu.memory_space<vmem>>
      %dma_wait3A_242 = tpu.memref_squeeze %dma_wait3A_241 : memref<1x16xi32, #tpu.memory_space<vmem>> -> memref<16xi32, #tpu.memory_space<vmem>>
      %dma_wait3A_243 = arith.constant 0 : i32
      %dma_wait3A_244 = arith.constant 0 : i32
      %dma_wait3A_245 = tpu.memref_slice %arg4[%dma_wait3A_243, %dma_wait3A_244] : memref<16384x128xf32, #tpu.memory_space<hbm>> -> memref<16384x128xf32, #tpu.memory_space<hbm>>
      tpu.wait_indirect_dma semaphore(%arg20 : memref<!tpu.dma_semaphore, #tpu.memory_space<semaphore_mem>>) src(%arg16 : memref<16x128xf32, #tpu.memory_space<vmem>>) dst(%dma_wait3A_245 : memref<16384x128xf32, #tpu.memory_space<hbm>>)
      %dma_wait3A_246 = arith.constant 0 : i32
      %dma_wait3A_247 = arith.constant 0 : i32
      %dma_wait3A_248 = tpu.memref_slice %arg18[%dma_wait3A_246, %dma_wait3A_247] : memref<1x16xi32, #tpu.memory_space<vmem>> -> memref<1x16xi32, #tpu.memory_space<vmem>>
      %dma_wait3A_249 = tpu.memref_squeeze %dma_wait3A_248 : memref<1x16xi32, #tpu.memory_space<vmem>> -> memref<16xi32, #tpu.memory_space<vmem>>
      %dma_wait3A_250 = arith.constant 0 : i32
      %dma_wait3A_251 = arith.constant 0 : i32
      %dma_wait3A_252 = tpu.memref_slice %arg5[%dma_wait3A_250, %dma_wait3A_251] : memref<16384x128xf32, #tpu.memory_space<hbm>> -> memref<16384x128xf32, #tpu.memory_space<hbm>>
      tpu.wait_indirect_dma semaphore(%arg20 : memref<!tpu.dma_semaphore, #tpu.memory_space<semaphore_mem>>) src(%arg17 : memref<16x128xf32, #tpu.memory_space<vmem>>) dst(%dma_wait3A_252 : memref<16384x128xf32, #tpu.memory_space<hbm>>)
    } else {
    }
    %gt3A_235 = arith.constant 1 : i32
    %gt3A_236 = arith.cmpi sgt, %select_n3A_193, %gt3A_235 : i32
    %convert_element_type3A_237 = arith.extui %gt3A_236 : i1 to i32
    %cond3A_238 = arith.constant 0 : i32
    %cond3A_239 = arith.cmpi ne, %convert_element_type3A_237, %cond3A_238 : i32
    scf.if %cond3A_239 {
      %dma_wait3A = arith.constant 0 : i32
      %dma_wait3A_240 = arith.constant 0 : i32
      %dma_wait3A_241 = tpu.memref_slice %arg19[%dma_wait3A, %dma_wait3A_240] : memref<1x16xi32, #tpu.memory_space<vmem>> -> memref<1x16xi32, #tpu.memory_space<vmem>>
      %dma_wait3A_242 = tpu.memref_squeeze %dma_wait3A_241 : memref<1x16xi32, #tpu.memory_space<vmem>> -> memref<16xi32, #tpu.memory_space<vmem>>
      %dma_wait3A_243 = arith.constant 0 : i32
      %dma_wait3A_244 = arith.constant 0 : i32
      %dma_wait3A_245 = tpu.memref_slice %arg4[%dma_wait3A_243, %dma_wait3A_244] : memref<16384x128xf32, #tpu.memory_space<hbm>> -> memref<16384x128xf32, #tpu.memory_space<hbm>>
      tpu.wait_indirect_dma semaphore(%arg21 : memref<!tpu.dma_semaphore, #tpu.memory_space<semaphore_mem>>) src(%arg16 : memref<16x128xf32, #tpu.memory_space<vmem>>) dst(%dma_wait3A_245 : memref<16384x128xf32, #tpu.memory_space<hbm>>)
      %dma_wait3A_246 = arith.constant 0 : i32
      %dma_wait3A_247 = arith.constant 0 : i32
      %dma_wait3A_248 = tpu.memref_slice %arg19[%dma_wait3A_246, %dma_wait3A_247] : memref<1x16xi32, #tpu.memory_space<vmem>> -> memref<1x16xi32, #tpu.memory_space<vmem>>
      %dma_wait3A_249 = tpu.memref_squeeze %dma_wait3A_248 : memref<1x16xi32, #tpu.memory_space<vmem>> -> memref<16xi32, #tpu.memory_space<vmem>>
      %dma_wait3A_250 = arith.constant 0 : i32
      %dma_wait3A_251 = arith.constant 0 : i32
      %dma_wait3A_252 = tpu.memref_slice %arg5[%dma_wait3A_250, %dma_wait3A_251] : memref<16384x128xf32, #tpu.memory_space<hbm>> -> memref<16384x128xf32, #tpu.memory_space<hbm>>
      tpu.wait_indirect_dma semaphore(%arg21 : memref<!tpu.dma_semaphore, #tpu.memory_space<semaphore_mem>>) src(%arg17 : memref<16x128xf32, #tpu.memory_space<vmem>>) dst(%dma_wait3A_252 : memref<16384x128xf32, #tpu.memory_space<hbm>>)
    } else {
    }
    return
  }
}

</mosaic_0001>

<sc_bundles>
// kernel: kernel.3.cloned.1.call-start
scs
__scs_entry_jumppad:
0x0: {  	(pc) =	sbr.rel $0x88, $3  }
0x1: {  	(tag) =	ssettag $0x0;
	lr =	simm.s32 $0x1  }
0x2: {  	[smem:$0x3F99] =	sst lr;
	_ =	strace $0xD0000000  }
0x3: {  	_ = 	snop  }
0x4: {  	_ = 	snop  }
0x5: {  	_ = 	snop  }
0x6: {  	_ = 	snop  }
0x7: {  	_ = 	snop  }
__scs_overlays_trampoline_lowered:
0x8: {  	[smem:$0x3FA8] =	sst s0  }
0x9: {  	[smem:$0x3FA9] =	sst s1  }
0xa: {  	[smem:$0x3FAA] =	sst s2  }
0xb: {  	[smem:$0x3FAB] =	sst s3  }
0xc: {  	[smem:$0x3FAC] =	sst s4  }
0xd: {  	[smem:$0x3FAD] =	sst s5  }
0xe: {  	[smem:$0x3FAE] =	sst s6  }
0xf: {  	[smem:$0x3FAF] =	sst s7  }
0x10: {  	[smem:$0x3FB0] =	sst s8  }
0x11: {  	[smem:$0x3FB1] =	sst s9;
	s0 =	simm.s32 @!p0 $0x0  }
0x12: {  	s1 =	sld [smem:$0x3F97];
	s0 =	simm.s32 @p0 $0x1  }
0x13: {  	[smem:$0x3FB2] =	sst s0;
	s0 =	simm.s32 @!p1 $0x0  }
0x14: {  	s2 =	sld [smem:$0x3F96];
	s0 =	simm.s32 @p1 $0x1  }
0x15: {  	[smem:$0x3FB3] =	sst s0;
	s0 =	simm.s32 @!p2 $0x0  }
0x16: {  	s3 =	sld [smem:$0x3FDB];
	s0 =	simm.s32 @p2 $0x1  }
0x17: {  	s4 =	simm.s32 $0x1BF5;
	[smem:$0x3FB5] =	sst s0  }
0x18: {  	s0 =	sld [smem:$0x3F98];
	_ =	swait.ge [sflag:s4], $0x0  }
0x19: {  	s7 =	sld [smem:$0x3F99]  }
0x1a: {  	s8 =	sadd.s32 $0xFFFFE003, lr  }
0x1b: {  	s9 =	sadd.s32 $0xFFFFFEF7, lr;
	s5 =	simm.s32 $0xFFFFFFFF;
	p2 =	slt.u32 s8, $0xFFFFF086  }
0x1c: {  	p1 =	slt.u32 s9, $0xF7A;
	s5 =	simm.s32 @!p2 $0x0  }
0x1d: {  	s5 =	simm.s32 @p1 $0x1;
	p0 =	seq.s32 s7, s2  }
0x1e: {  	s7 =	smul.u32 @!p0 $0xF7A, s2;
	p2 =	seq.s32 @!p0 s5, $0x0  }
0x1f: {  	s9 =	smul.u32 $0xF7A, s1;
	s8 =	simm.s32 @!p0 $0x1BF5;
	p2 =	por !p2, p0  }
0x20: {  	[sflag:s8] =	ssyncset.s32 @!p0 $0xFFFFF086;
	s6 =	sadd.s32 @!p0 s3, s7;
	s7 =	simm.s32 @!p0 $0x108  }
0x21: {  	s3 =	sadd.s32 s3, s9;
	s6 =	sadd.s32 @!p0 $0x88, s6;
	s7 =	simm.s32 @p2 $0x1082  }
0x22: {  	[simem:s7], [sflag:s8] =	dma.local @!p0 [hbm:s6], $0xF7A  }
0x23: {  	s9 =	sor.u32 $0xD0000000, s2;
	s6 =	simm.s32 $0x108;
	_ =	swait.ge @!p0 [sflag:s8], $0x0  }
0x24: {  	s3 =	sadd.s32 $0x88, s3;
	s6 =	simm.s32 @!p1 $0x1082;
	[sflag:s4] =	ssyncset.s32 $0xFFFFF086  }
0x25: {  	[simem:s6], [sflag:s4] =	dma.local [hbm:s3], $0xF7A  }
0x26: {  	[smem:$0x3F99] =	sst s1;
	(tag) =	ssettag s2;
	_ =	strace s9  }
0x27: {  	s1 =	sld [smem:$0x3FA9]  }
0x28: {  	s2 =	sld [smem:$0x3FAA]  }
0x29: {  	s4 =	sld [smem:$0x3FAC]  }
0x2a: {  	p0 =	seq.s32 s5, $0x0;
	s5 =	sld [smem:$0x3FAD]  }
0x2b: {  	s6 =	sld [smem:$0x3FAE]  }
0x2c: {  	s7 =	sld [smem:$0x3FAF]  }
0x2d: {  	s3 =	simm.s32 $0x108;
	s8 =	sld [smem:$0x3FB0]  }
0x2e: {  	s3 =	simm.s32 @!p0 $0x1082;
	s9 =	sld [smem:$0x3FB1]  }
0x2f: {  	lr =	sadd.s32 s0, s3;
	s0 =	sld [smem:$0x3FA8]  }
0x30: {  	s3 =	sld [smem:$0x3FAB]  }
0x31: {  	[smem:$0x3FB4] =	sst s10  }
0x32: {  	s10 =	sld [smem:$0x3FB2];
	_ =	sdelay $0x3  }
0x33: {  	p0 =	seq.s32 s10, $0x1;
	s10 =	sld [smem:$0x3FB4];
	_ =	sdelay $0x3  }
0x34: {  	[smem:$0x3FB4] =	sst s10  }
0x35: {  	s10 =	sld [smem:$0x3FB3];
	_ =	sdelay $0x3  }
0x36: {  	p1 =	seq.s32 s10, $0x1;
	s10 =	sld [smem:$0x3FB4];
	_ =	sdelay $0x3  }
0x37: {  	[smem:$0x3FB4] =	sst s10  }
0x38: {  	s10 =	sld [smem:$0x3FB5]  }
0x39: {  	_ = 	snop;
	(pc) =	sbr.ind lr, $3  }
0x3a: {  	_ = 	snop  }
0x3b: {  	_ = 	snop  }
0x3c: {  	p2 =	seq.s32 s10, $0x1;
	s10 =	sld [smem:$0x3FB4]  }
0x3d: {  	_ =	shalt  }
0x3e: {  	_ =	shalt  }
0x3f: {  	_ =	shalt  }
0x40: {  	_ =	shalt  }
0x41: {  	_ =	shalt  }
0x42: {  	_ =	shalt  }
0x43: {  	_ =	shalt  }
0x44: {  	_ =	shalt  }
0x45: {  	_ =	shalt  }
0x46: {  	_ =	shalt  }
0x47: {  	_ =	shalt  }
0x48: {  	_ =	shalt  }
0x49: {  	_ =	shalt  }
0x4a: {  	_ =	shalt  }
0x4b: {  	_ =	shalt  }
0x4c: {  	_ =	shalt  }
0x4d: {  	_ =	shalt  }
0x4e: {  	_ =	shalt  }
0x4f: {  	_ =	shalt  }
0x50: {  	_ =	shalt  }
0x51: {  	_ =	shalt  }
0x52: {  	_ =	shalt  }
0x53: {  	_ =	shalt  }
0x54: {  	_ =	shalt  }
0x55: {  	_ =	shalt  }
0x56: {  	_ =	shalt  }
0x57: {  	_ =	shalt  }
0x58: {  	_ =	shalt  }
0x59: {  	_ =	shalt  }
0x5a: {  	_ =	shalt  }
0x5b: {  	_ =	shalt  }
0x5c: {  	_ =	shalt  }
0x5d: {  	_ =	shalt  }
0x5e: {  	_ =	shalt  }
0x5f: {  	_ =	shalt  }
0x60: {  	_ =	shalt  }
0x61: {  	_ =	shalt  }
0x62: {  	_ =	shalt  }
0x63: {  	_ =	shalt  }
0x64: {  	_ =	shalt  }
0x65: {  	_ =	shalt  }
0x66: {  	_ =	shalt  }
0x67: {  	_ =	shalt  }
0x68: {  	_ =	shalt  }
0x69: {  	_ =	shalt  }
0x6a: {  	_ =	shalt  }
0x6b: {  	_ =	shalt  }
0x6c: {  	_ =	shalt  }
0x6d: {  	_ =	shalt  }
0x6e: {  	_ =	shalt  }
0x6f: {  	_ =	shalt  }
0x70: {  	_ =	shalt  }
0x71: {  	_ =	shalt  }
0x72: {  	_ =	shalt  }
0x73: {  	_ =	shalt  }
0x74: {  	_ =	shalt  }
0x75: {  	_ =	shalt  }
0x76: {  	_ =	shalt  }
0x77: {  	_ =	shalt  }
0x78: {  	_ =	shalt  }
0x79: {  	_ =	shalt  }
0x7a: {  	_ =	shalt  }
0x7b: {  	_ =	shalt  }
0x7c: {  	_ =	shalt  }
0x7d: {  	_ =	shalt  }
0x7e: {  	_ =	shalt  }
0x7f: {  	_ =	shalt  }
0x80: {  	_ =	shalt  }
0x81: {  	_ =	shalt  }
0x82: {  	_ =	shalt  }
0x83: {  	_ =	shalt  }
0x84: {  	_ =	shalt  }
0x85: {  	_ =	shalt  }
0x86: {  	_ =	shalt  }
0x87: {  	_ =	shalt  }
.Lfunc_end0:
.L_simem_size_0:
called_computation_lowered:
.L_overlay_start_0:
0x88: {  	s2 =	sld [smem:$0x3FD9]  }
0x89: {  	s3 =	sld [smem:$0x3FFE];
	_ =	sdelay $0x1  }
0x8a: {  	s1 =	srdreg.scid  }
0x8b: {  	s0 =	sand.u32 $0x1, s1  }
0x8c: {  	s14 =	sshll.u32 s0, $0xA;
	s2 =	sadd.s32 s3, s2  }
0x8d: {  	s2 =	sadd.s32 s2, s14  }
0x8e: {  	[smem:$0x3FC0] =	sst s2  }
0x8f: {  	_ = 	snop  }
0x90: {  	s2 =	sld [smem:$0x3FD0];
	_ =	sdelay $0x2  }
0x91: {  	s15 =	simm.s32 $0xA;
	s4 =	simm.s32 $0x10  }
0x92: {  	[smem:s4], [sflag:s15] =	dma.local [hbm:s2], $0x1  }
0x93: {  	_ =	swait.eq [sflag:s15], $0x1  }
0x94: {  	[sflag:s15] =	ssyncset.done $0x0  }
0x95: {  	s16 =	sld [smem:$0x10];
	[sflag:s15] =	ssyncadd.s32 $0xFFFFFFFF  }
0x96: {  	s17 =	sld [smem:$0x11];
	(tm) =	ssettm $0x1  }
0x97: {  	s18 =	sld [smem:$0x3FFB];
	_ =	sdelay $0x3  }
0x98: {  	_ =	strace s18  }
0x99: {  	s4 =	sld [smem:$0x3FFC];
	_ =	sdelay $0x3  }
0x9a: {  	_ =	strace s4  }
0x9b: {  	s4 =	sld [smem:$0x3FFD];
	_ =	sdelay $0x3  }
0x9c: {  	_ =	strace s4  }
0x9d: {  	_ =	strace $0x8FFFFFFF  }
0x9e: {  	s19 =	sld [smem:$0x3FDB];
	_ =	sdelay $0x1  }
0x9f: {  	s5 =	simm.s32 $_scs_section_size  }
0xa0: {  	s6 =	simm.s32 $_size__tile_overlayer_lowered;
	s7 =	simm.s32 $_tile_overlayer_lowered  }
0xa1: {  	s22 =	simm.s32 $0x1BFF;
	s21 =	sshll.u32 s7, $0x1;
	s4 =	sadd.s32 s5, s19  }
0xa2: {  	s8 =	simm.s32 $0x0;
	s20 =	sshll.u32 s6, $0x1;
	s6 =	sadd.s32 s21, s4  }
0xa3: {  	[timem:s8], [sflag:s22] =	dma.local [hbm:s6], s20  }
0xa4: {  	_ =	swait.ge [sflag:s22], s20  }
0xa5: {  	s5 =	ssub.s32 $0x0, s20;
	[sflag:s22] =	ssyncset.done $0x0  }
0xa6: {  	[sflag:s22] =	ssyncadd.s32 s5;
	_ =	sdelay $0x1  }
0xa7: {  	s23 =	simm.s32 $0x1B8B  }
0xa8: {  	_ =	swait.ge [sflag:s23], $0x1  }
0xa9: {  	[sflag:s23] =	ssyncset.done $0x0  }
0xaa: {  	s25 =	simm.s32 $0x1B8E;
	s24 =	sld [smem:$0x3FFE];
	[sflag:s23] =	ssyncadd.s32 $0xFFFFFFFF  }
0xab: {  	s26 =	simm.s32 $execute0_lowered;
	[smem:$0x3FD2] =	sst s25  }
0xac: {  	s6 =	sshll.u32 s26, $0x1;
	_ =	strace $0x80000046;
	[dreg:$0x1] =	wrdreg $0xFFFFFFFF  }
0xad: {  	s28 =	simm.s32 $_size_execute0_lowered;
	s4 =	sadd.s32 s4, s6;
	[dreg:$0x0] =	wrdreg $0x0  }
0xae: {  	s6 =	sshll.u32 s28, $0x1;
	[dreg:$0x2] =	wrdreg s4  }
0xaf: {  	[dreg:$0x3] =	wrdreg s6  }
0xb0: {  	[dreg:$0x4] =	wrdreg $0xC0  }
0xb1: {  	_ =	task [dreg:s8], $0x5FFFF  }
0xb2: {  	[dreg:$0x1] =	wrdreg $0xFFFFFFFF  }
0xb3: {  	[dreg:$0x0] =	wrdreg $0x60  }
0xb4: {  	[dreg:$0x2] =	wrdreg s24  }
0xb5: {  	[dreg:$0x3] =	wrdreg s16  }
0xb6: {  	[dreg:$0x4] =	wrdreg s17  }
0xb7: {  	[dreg:$0x5] =	wrdreg $0x9  }
0xb8: {  	_ =	task.clear_ibuf [dreg:s8], $0x6FFFF;
	_ =	strace $0x90000046  }
0xb9: {  	s29 =	simm.s32 $0x9;
	_ =	strace $0x80000048  }
0xba: {  	_ =	swait.ge [sflag:s29], $0x1  }
0xbb: {  	[sflag:s29] =	ssyncadd.s32 $0xFFFFFFFF  }
0xbc: {  	_ =	strace $0x90000048  }
0xbd: {  	_ =	sfence  }
0xbe: {  	s30 =	sld [smem:$0x0];
	_ =	sdelay $0x2  }
0xbf: {  	s31 =	sshll.u32 s1, $0xD;
	s1 =	sshrl.u32 s1, $0x2  }
0xc0: {  	s3 =	sand.u32 $0x4000, s31;
	s1 =	sadd.s32 s1, s30  }
0xc1: {  	s0 =	sor.u32 s3, s0;
	s1 =	sshll.u32 s1, $0x11  }
0xc2: {  	s0 =	sor.u32 s1, s0  }
0xc3: {  	s0 =	sadd.s32 $0x8F2B, s0  }
0xc4: {  	[sflag:s0] =	ssyncadd.remote.s32 $0x1  }
0xc5: {  	_ =	sfence.sel $0xFFFF  }
0xc6: {  	[dreg:$0x0] =	wrdreg $0xFFFFFFFF;
	(pc) =	sbr.abs _section_cstart, $3  }
0xc7: {  	[dreg:$0x1] =	wrdreg $0xFFFFFFFF  }
0xc8: {  	_ =	task.clear_ibuf [dreg:s8], $0x2FFFF;
	_ =	strace $0x9FFFFFFF  }
0xc9: {  	(tm) =	ssettm $0x7FFFFFFF  }
tec
execute0_lowered:
.L_overlay_start_1:
0x0: {  	(tag) =	ssettag $0x1  }
0x1: {  	s0 =	rddreg [dreg:$0x0]  }
0x2: {  	s1 =	rddreg [dreg:$0x1]  }
0x3: {  	s3 =	rddreg [dreg:$0x2];
	s4 =	simm.s32 $0x0;
	s2 =	srdreg.scid  }
0x4: {  	s11 =	stileid.u32;
	s13 =	simm.s32 $0x14200;
	s15 =	simm.s32 $0x14A10  }
0x5: {  	s16 =	simm.s32 $0x1CA30;
	s17 =	simm.s32 $0x1EC40;
	s18 =	simm.s32 $0x1F440  }
0x6: {  	s19 =	simm.s32 $0x1CC40;
	s20 =	simm.s32 $0x1D440;
	s21 =	simm.s32 $0x10  }
0x7: {  	s22 =	simm.s32 $0x1FC40;
	s23 =	simm.s32 $0x1DC40;
	s24 =	simm.s32 $0x1E440  }
0x8: {  	s25 =	simm.s32 $0x1FC50;
	s26 =	simm.s32 $0x0;
	[smem:$0x7FF] =	sst s4  }
0x9: {  	s2 =	sand.u32 $0x1, s2;
	s5 =	sshll.u32 s11, $0x1;
	s30 =	sshll.u32 s11, $0xC  }
0xa: {  	s11 =	simm.s32 $0x3;
	_ =	strace $0x80000047;
	s8 =	sor.u32 s2, s5  }
0xb: {  	s7 =	ssub.s32 $0x2, s2;
	s5 =	sadd.s32 $0x41600, s0;
	s6 =	smul.u32 $0x2040, s8  }
.Ltmp0:
0xc: {  	v2 =	vlaneseq.u32;
	s2 =	sshll.u32 s2, $0xB;
	s12 =	sshll.u32 s8, $0x5;
	(pc) =	sbr.rel .LBB2_1-.Ltmp0, $4  }
0xd: {  	v3 =	vimm.s32 $0x800;
	v4 =	vimm.s32 $0x801;
	v5 =	vimm.s32 $0x802;
	s9 =	sshrl.u32 s7, $0x1;
	s8 =	sshll.u32 s8, $0x9;
	s31 =	sor.u32 s2, s30  }
0xe: {  	v6 =	vimm.s32 $0x803;
	v7 =	vimm.s32 $0x804;
	v8 =	vimm.s32 $0x805;
	s10 =	smin.u32 s12, $0x3C8;
	s9 =	ssub.s32 s7, s9;
	s7 =	sadd.s32 $0x3FDD0, s0  }
0xf: {  	v9 =	vimm.s32 $0x806;
	v10 =	vimm.s32 $0x807;
	v0 =	vmov s12;
	s12 =	simm.s32 $0x4000;
	s6 =	sadd.s32 s6, s0;
	s14 =	sadd.s32 $0x20, s10  }
0x10: {  	v12 =	vimm.s32 $0xFFFFFF81;
	v11 =	vmul.u32 $0x80, v2;
	s9 =	smax.u32 s9, $0x1;
	s10 =	sshrl.u32 s31, $0x2;
	s6 =	sadd.s32 $0xE00, s6;
	v1 =	vmov s14  }
.LBB2_19:
0x11: {  	_ = 	snop  }
.LBB2_22:
0x12: {  	p1 =	por p2, !p1  }
0x13: {  	[hbm4b:s1+s30] =	stream.indirect.scatter @!p1 [tilespmem:s29], [sflag:$0x2], $0x80, s31, s30, $0xb8;
	[tilespmem:$0x1FC60] =	vst v63  }
0x14: {  	s15 =	simm.s32 @!p0 $0x1;
	s28 =	simm.s32 @!p1 $0x1F440  }
0x15: {  	[hbm4b:s3+s30] =	stream.indirect.scatter @!p1 [tilespmem:s28], [sflag:$0x2], $0x80, s31, s30, $0xb8;
	[tilespmem:$0x1FC60] =	vst v63  }
0x16: {  	_ =	swait.ge @!p0 [sflag:s15], $0x800  }
0x17: {  	[sflag:s15] =	ssyncset.done @!p0 $0x0  }
0x18: {  	[sflag:s15] =	ssyncadd.s32 @!p0 $0xFFFFF800  }
0x19: {  	_ =	swait.ge @!p0 [sflag:s15], $0x800  }
0x1a: {  	[sflag:s15] =	ssyncset.done @!p0 $0x0  }
0x1b: {  	[sflag:s15] =	ssyncadd.s32 @!p0 $0xFFFFF800  }
0x1c: {  	v13 =	vld @!p0 [tilespmem:s2+$0xFFFFFFF0];
	_ =	sdelay $0x3  }
0x1d: {  	s29 =	simm.s32 @!p0 $0x1EC40  }
0x1e: {  	s28 =	simm.s32 @!p0 $0x1FC40;
	p1 =	sge.s32 s14, s0;
	s15 =	simm.s32 @!p0 $0x10;
	[tilespmem:$0x1FC40] =	vst @!p0 v13  }
0x1f: {  	[hbm4b:s1+s15] =	stream.indirect.scatter @!p0 [tilespmem:s29], [sflag:$0x1], $0x80, s28, s15, $0xb8;
	[tilespmem:$0x1FC60] =	vst v63  }
0x20: {  	s14 =	simm.s32 @!p1 $0x2;
	s29 =	simm.s32 @!p0 $0x1F440  }
0x21: {  	[hbm4b:s3+s15] =	stream.indirect.scatter @!p0 [tilespmem:s29], [sflag:$0x1], $0x80, s28, s15, $0xb8;
	[tilespmem:$0x1FC60] =	vst v63  }
0x22: {  	_ =	swait.ge @!p1 [sflag:s14], $0x800  }
0x23: {  	[sflag:s14] =	ssyncset.done @!p1 $0x0  }
0x24: {  	[sflag:s14] =	ssyncadd.s32 @!p1 $0xFFFFF800  }
0x25: {  	_ =	swait.ge @!p1 [sflag:s14], $0x800  }
0x26: {  	[sflag:s14] =	ssyncset.done @!p1 $0x0  }
0x27: {  	[sflag:s14] =	ssyncadd.s32 @!p1 $0xFFFFF800  }
0x28: {  	v13 =	vld @!p1 [tilespmem:s2+$0x0];
	_ =	sdelay $0x4  }
0x29: {  	s15 =	simm.s32 @!p1 $0x1FC50;
	s14 =	simm.s32 @!p1 $0x10;
	s2 =	simm.s32 @!p1 $0x1EC40;
	[tilespmem:$0x1FC50] =	vst @!p1 v13  }
0x2a: {  	[hbm4b:s1+s14] =	stream.indirect.scatter @!p1 [tilespmem:s2], [sflag:$0x2], $0x80, s15, s14, $0xb8;
	[tilespmem:$0x1FC60] =	vst v63  }
0x2b: {  	s2 =	simm.s32 @!p1 $0x1F440  }
0x2c: {  	[hbm4b:s3+s14] =	stream.indirect.scatter @!p1 [tilespmem:s2], [sflag:$0x2], $0x80, s15, s14, $0xb8;
	[tilespmem:$0x1FC60] =	vst v63  }
0x2d: {  	s15 =	simm.s32 $0x14A10  }
.LBB2_23:
0x2e: {  	p0 =	slt.s32 s0, $0x1  }
0x2f: {  	s2 =	simm.s32 @!p0 $0x1  }
0x30: {  	_ =	swait.ge @!p0 [sflag:s2], $0x800  }
0x31: {  	[sflag:s2] =	ssyncset.done @!p0 $0x0  }
0x32: {  	[sflag:s2] =	ssyncadd.s32 @!p0 $0xFFFFF800  }
0x33: {  	p1 =	seq.s32 @!p0 s0, $0x1;
	_ =	swait.ge @!p0 [sflag:s2], $0x800  }
0x34: {  	p1 =	por p1, p0;
	[sflag:s2] =	ssyncset.done @!p0 $0x0  }
0x35: {  	s26 =	sadd.s32 $0x1, s26;
	s0 =	simm.s32 @!p1 $0x2;
	[sflag:s2] =	ssyncadd.s32 @!p0 $0xFFFFF800  }
0x36: {  	p0 =	sne.s32 s26, s9;
	_ =	swait.ge @!p1 [sflag:s0], $0x800  }
.Ltmp1:
0x37: {  	[sflag:s0] =	ssyncset.done @!p1 $0x0;
	(pc) =	sbr.rel @!p0 .LBB2_24-.Ltmp1, $4  }
0x38: {  	[sflag:s0] =	ssyncadd.s32 @!p1 $0xFFFFF800  }
0x39: {  	_ =	swait.ge @!p1 [sflag:s0], $0x800  }
0x3a: {  	[sflag:s0] =	ssyncset.done @!p1 $0x0  }
0x3b: {  	[sflag:s0] =	ssyncadd.s32 @!p1 $0xFFFFF800  }
.LBB2_1:
0x3c: {  	[tilespmem:s4], [sflag:$0x3] =	stream.linear.gather [hbm4b:s5+s4], $0x4000, $0x38;
	[tilespmem:$0x1FC60] =	vst v63  }
0x3d: {  	_ =	swait.ge [sflag:s11], $0x4000  }
0x3e: {  	[sflag:s11] =	ssyncset.done $0x0  }
0x3f: {  	[sflag:s11] =	ssyncadd.s32 $0xFFFFC000  }
0x40: {  	[tilespmem:s12], [sflag:$0x3] =	stream.linear.gather [hbm4b:s6+s4], $0x10200, $0x38;
	[tilespmem:$0x1FC60] =	vst v63  }
0x41: {  	_ =	swait.ge [sflag:s11], $0x10200  }
0x42: {  	[sflag:s11] =	ssyncset.done $0x0  }
0x43: {  	[sflag:s11] =	ssyncadd.s32 $0xFFFEFE00  }
0x44: {  	[tilespmem:s13], [sflag:$0x3] =	stream.linear.gather [hbm4b:s7+s4], $0x810, $0x38;
	[tilespmem:$0x1FC60] =	vst v63  }
0x45: {  	_ =	swait.ge [sflag:s11], $0x810  }
0x46: {  	[sflag:s11] =	ssyncset.done $0x0  }
0x47: {  	[sflag:s11] =	ssyncadd.s32 $0xFFFFF7F0  }
0x48: {  	v13 =	vld [tilespmem:s4+$0x0];
	_ =	sdelay $0x4  }
0x49: {  	vm0 =	vge.s32 v13, v0;
	vm1 =	vlt.s32 v13, v1  }
0x4a: {  	vm0 =	vmand vm0, vm1  }
0x4b: {  	v15 =	vmpcnt.ones.xlane vm0;
	_ =	sdelay $0x1  }
0x4c: {  	(v2sf) =	vpush v15, $0x0;
	_ =	sdelay $0x3  }
0x4d: {  	v14 =	vor.u32 s4, v2  }
0x4e: {  	v13 =	vsub.s32 v13, v0;
	[tilespmem:s4+$0x14A10] =	vst.msk vm0, v14  }
0x4f: {  	s0 =	simm.s32 $0x10;
	[tilespmem:s4+$0x18A20] =	vst.msk vm0, v13  }
0x50: {  	s14 =	simm.s32 $0x20;
	s2 =	simm.s32 $0x0;
	s28 =	simm.s32 $0x10;
	v13 =	vld [tilespmem:s0+$0x0]  }
.LBB2_2:
0x51: {  	p0 =	sne.s32 s14, $0x3FF0;
	_ =	sdelay $0x3  }
0x52: {  	vm0 =	vge.s32 v13, v0;
	vm1 =	vlt.s32 v13, v1;
	v13 =	vsub.s32 v13, v0  }
0x53: {  	vm0 =	vmand vm0, vm1  }
0x54: {  	v14 =	vmpcnt.ones.xlane vm0  }
0x55: {  	s29 =	spop (v2sf)  }
0x56: {  	v15 =	vor.u32 s0, v2;
	s0 =	smov.u32 s14;
	(v2sf) =	vpush v14, $0x0;
	s2 =	sadd.s32 s2, s29  }
0x57: {  	[tilespmem:s2+$0x14A10] =	vst.msk vm0, v15  }
0x58: {  	[tilespmem:s2+$0x18A20] =	vst.msk vm0, v13  }
.Ltmp2:
0x59: {  	(pc) =	sbr.rel @p0 .LBB2_2-.Ltmp2, $3  }
0x5a: {  	_ =	sdelay $0x1  }
0x5b: {  	s28 =	sadd.s32 $0x10, s28  }
0x5c: {  	s14 =	sadd.s32 $0x10, s14;
	v13 =	vld [tilespmem:s28+$0x0]  }
0x5d: {  	_ =	sdelay $0x3  }
0x5e: {  	vm0 =	vge.s32 v13, v0;
	vm1 =	vlt.s32 v13, v1  }
0x5f: {  	vm0 =	vmand vm0, vm1  }
0x60: {  	v14 =	vmpcnt.ones.xlane vm0;
	_ =	sdelay $0x1  }
0x61: {  	(v2sf) =	vpush v14, $0x0;
	_ =	sdelay $0x7  }
0x62: {  	s14 =	spop (v2sf)  }
0x63: {  	v14 =	vor.u32 s0, v2;
	s2 =	sadd.s32 s2, s14  }
0x64: {  	v13 =	vsub.s32 v13, v0;
	[tilespmem:s2+$0x14A10] =	vst.msk vm0, v14  }
0x65: {  	[tilespmem:s2+$0x18A20] =	vst.msk vm0, v13  }
0x66: {  	v13 =	vld.msk [tilespmem:s15+$0x0], $0xffff;
	_ =	sdelay $0x2  }
0x67: {  	s14 =	spop (v2sf)  }
0x68: {  	s0 =	sadd.s32 s2, s14  }
0x69: {  	s30 =	simm.s32 $0x18A20;
	[tilespmem:s0+$0x14A10] =	vst v13  }
0x6a: {  	v13 =	vld.msk [tilespmem:s30+$0x0], $0xffff;
	_ =	sdelay $0x4  }
0x6b: {  	[tilespmem:s0+$0x18A20] =	vst v13  }
0x6c: {  	v13 =	vld [tilespmem:s10+$0x0];
	_ =	sdelay $0x4  }
0x6d: {  	vm15 =	veq.s32 v13, $0x3E8  }
0x6e: {  	v13 =	vmpcnt.ones.xlane vm15;
	_ =	sdelay $0x1  }
0x6f: {  	(v2sf) =	vpush v13, $0x0;
	_ =	sdelay $0x3  }
0x70: {  	s2 =	simm.s32 $0x0  }
0x71: {  	s31 =	sor.u32 s8, s2  }
0x72: {  	v14 =	vor.u32 s31, v2  }
0x73: {  	s28 =	sadd.s32 $0x10, s10;
	[tilespmem:s2+$0x1CA30] =	vst.msk vm15, v14  }
0x74: {  	s29 =	simm.s32 $0x20;
	s14 =	simm.s32 $0x10;
	v13 =	vld [tilespmem:s28+$0x0]  }
.LBB2_4:
0x75: {  	p0 =	sne.s32 s29, $0x1F0;
	_ =	sdelay $0x3  }
0x76: {  	vm0 =	veq.s32 v13, $0x3E8  }
0x77: {  	v13 =	vmpcnt.ones.xlane vm0  }
0x78: {  	s30 =	sor.u32 s8, s14;
	s14 =	smov.u32 s29;
	s31 =	spop (v2sf)  }
0x79: {  	v14 =	vor.u32 s30, v2;
	(v2sf) =	vpush v13, $0x0;
	s2 =	sadd.s32 s2, s31  }
0x7a: {  	[tilespmem:s2+$0x1CA30] =	vst.msk vm0, v14;
	_ =	sdelay $0x2  }
.Ltmp3:
0x7b: {  	(pc) =	sbr.rel @p0 .LBB2_4-.Ltmp3, $3  }
0x7c: {  	_ =	sdelay $0x1  }
0x7d: {  	s28 =	sadd.s32 $0x10, s28  }
0x7e: {  	s29 =	sadd.s32 $0x10, s29;
	v13 =	vld [tilespmem:s28+$0x0]  }
0x7f: {  	_ =	sdelay $0x3  }
0x80: {  	vm0 =	veq.s32 v13, $0x3E8  }
0x81: {  	v13 =	vmpcnt.ones.xlane vm0;
	_ =	sdelay $0x1  }
0x82: {  	(v2sf) =	vpush v13, $0x0;
	_ =	sdelay $0x8  }
0x83: {  	s14 =	sor.u32 s8, s14;
	s28 =	spop (v2sf)  }
0x84: {  	v13 =	vor.u32 s14, v2;
	s2 =	sadd.s32 s2, s28  }
0x85: {  	[tilespmem:s2+$0x1CA30] =	vst.msk vm0, v13  }
0x86: {  	v13 =	vld.msk [tilespmem:s16+$0x0], $0xffff;
	_ =	sdelay $0x2  }
0x87: {  	s29 =	spop (v2sf)  }
0x88: {  	s28 =	sadd.s32 s2, s29  }
0x89: {  	[tilespmem:s28+$0x1CA30] =	vst v13  }
0x8a: {  	v13 =	vld.idx.msk [tilespmem:v3+s13+$0x0], $0xffff  }
0x8b: {  	v14 =	vld.idx.msk [tilespmem:v4+s13+$0x0], $0xffff  }
0x8c: {  	v15 =	vld.idx.msk [tilespmem:v5+s13+$0x0], $0xffff  }
0x8d: {  	v16 =	vld.idx.msk [tilespmem:v6+s13+$0x0], $0xffff  }
0x8e: {  	v17 =	vld.idx.msk [tilespmem:v7+s13+$0x0], $0xffff  }
0x8f: {  	v18 =	vld.idx.msk [tilespmem:v8+s13+$0x0], $0xffff  }
0x90: {  	v19 =	vld.idx.msk [tilespmem:v9+s13+$0x0], $0xffff;
	v20 =	vmax.f32 v13, v14  }
0x91: {  	v21 =	vld.idx.msk [tilespmem:v10+s13+$0x0], $0xffff;
	v20 =	vmax.f32 v20, v15  }
0x92: {  	v20 =	vmax.f32 v20, v16  }
0x93: {  	v20 =	vmax.f32 v20, v17  }
0x94: {  	v20 =	vmax.f32 v20, v18  }
0x95: {  	v20 =	vmax.f32 v20, v19  }
0x96: {  	v20 =	vmax.f32 v20, v21  }
0x97: {  	v13 =	vsub.f32 v13, v20  }
0x98: {  	v14 =	vsub.f32 v14, v20  }
0x99: {  	v13 =	vmul.f32 $1.442695020e+00, v13  }
0x9a: {  	v15 =	vsub.f32 v15, v20;
	v14 =	vmul.f32 $1.442695020e+00, v14  }
0x9b: {  	(erf) = vpow2.f32 v13  }
0x9c: {  	v13 =	vmul.f32 $1.442695020e+00, v15;
	(erf) = vpow2.f32 v14;
	v14 =	vsub.f32 v16, v20;
	_ =	sdelay $0x1  }
0x9d: {  	(erf) = vpow2.f32 v13;
	v13 =	vmul.f32 $1.442695020e+00, v14;
	v14 =	vsub.f32 v17, v20;
	_ =	sdelay $0x1  }
0x9e: {  	(erf) = vpow2.f32 v13;
	v13 =	vmul.f32 $1.442695020e+00, v14;
	v14 =	vsub.f32 v18, v20;
	_ =	sdelay $0x1  }
0x9f: {  	(erf) = vpow2.f32 v13;
	v13 =	vmul.f32 $1.442695020e+00, v14;
	v14 =	vsub.f32 v19, v20;
	_ =	sdelay $0x1  }
0xa0: {  	v15 =	vpop (erf);
	(erf) = vpow2.f32 v13;
	v13 =	vmul.f32 $1.442695020e+00, v14;
	v14 =	vsub.f32 v21, v20  }
0xa1: {  	v16 =	vpop (erf)  }
0xa2: {  	(erf) = vpow2.f32 v13;
	v13 =	vmul.f32 $1.442695020e+00, v14;
	v14 =	vadd.f32 v16, v15;
	_ =	sdelay $0x1  }
0xa3: {  	v17 =	vpop (erf)  }
0xa4: {  	(erf) = vpow2.f32 v13;
	v13 =	vadd.f32 v14, v17  }
0xa5: {  	v14 =	vpop (erf)  }
0xa6: {  	v13 =	vadd.f32 v13, v14  }
0xa7: {  	v18 =	vpop (erf)  }
0xa8: {  	v13 =	vadd.f32 v13, v18  }
0xa9: {  	v22 =	vpop (erf)  }
0xaa: {  	v13 =	vadd.f32 v13, v22  }
0xab: {  	v23 =	vpop (erf)  }
0xac: {  	s30 =	simm.s32 $0x0;
	v13 =	vadd.f32 v13, v23  }
0xad: {  	v25 =	vadd.s32 s30, v2;
	v24 =	vpop (erf)  }
0xae: {  	v26 =	vor.u32 $0x580, v25;
	v13 =	vadd.f32 v13, v24  }
0xaf: {  	v19 =	vor.u32 $0x480, v25;
	v21 =	vand.u32 $0x7F, v25  }
0xb0: {  	(erf) = vrcp.f32 v13;
	v13 =	vor.u32 $0x400, v21  }
0xb1: {  	v20 =	vor.u32 $0x500, v21;
	_ =	sdelay $0x1  }
0xb2: {  	v26 =	vld.idx.msk [tilespmem:v26+s13+$0x0], $0xffff  }
0xb3: {  	v29 =	vor.u32 $0x600, v21;
	v28 =	vld.idx.msk [tilespmem:v19+s13+$0x0], $0xffff  }
0xb4: {  	v13 =	vld.idx.msk [tilespmem:v13+s13+$0x0], $0xffff  }
0xb5: {  	v27 =	vor.u32 $0x780, v25;
	v31 =	vld.idx.msk [tilespmem:v20+s13+$0x0], $0xffff;
	_ =	sdelay $0x1  }
0xb6: {  	v32 =	vor.u32 $0x700, v21  }
0xb7: {  	v26 =	vmul.f32 $1.442695020e+00, v26;
	v29 =	vld.idx.msk [tilespmem:v29+s13+$0x0], $0xffff;
	v30 =	vpop (erf)  }
0xb8: {  	v20 =	vmul.f32 v30, v15;
	v15 =	vor.u32 $0x680, v25;
	v13 =	vmul.f32 $1.442695020e+00, v13  }
0xb9: {  	v27 =	vld.idx.msk [tilespmem:v27+s13+$0x0], $0xffff;
	v28 =	vmul.f32 $1.442695020e+00, v28;
	v31 =	vmul.f32 $1.442695020e+00, v31  }
0xba: {  	v33 =	vor.u32 $0x80, v25;
	v19 =	vmul.f32 v30, v16;
	(erf) = vpow2.f32 v13  }
0xbb: {  	v32 =	vld.idx.msk [tilespmem:v32+s13+$0x0], $0xffff;
	v16 =	vmul.f32 v30, v14;
	v14 =	vmul.f32 v30, v18;
	v18 =	vor.u32 $0x100, v21  }
0xbc: {  	v29 =	vmul.f32 $1.442695020e+00, v29;
	(erf) = vpow2.f32 v28;
	v28 =	vld.idx.msk [tilespmem:v21+s13+$0x0], $0xffff  }
0xbd: {  	v34 =	vor.u32 $0x180, v25;
	v13 =	vmul.f32 v30, v22;
	(erf) = vpow2.f32 v31;
	v22 =	vld.idx.msk [tilespmem:v15+s13+$0x0], $0xffff  }
0xbe: {  	v15 =	vmul.f32 v30, v23;
	v23 =	vmul.f32 $1.442695020e+00, v27  }
0xbf: {  	v17 =	vmul.f32 v30, v17;
	v27 =	vld.idx.msk [tilespmem:v33+s13+$0x0], $0xffff;
	(erf) = vpow2.f32 v26  }
0xc0: {  	v48 =	vor.u32 $0x200, v21;
	v26 =	vld.idx.msk [tilespmem:v18+s13+$0x0], $0xffff;
	v18 =	vmul.f32 $1.442695020e+00, v32;
	(erf) = vpow2.f32 v23  }
0xc1: {  	v23 =	vor.u32 $0x280, v25;
	(erf) = vpow2.f32 v29;
	v49 =	vmul.f32 v28, v28  }
0xc2: {  	v29 =	vld.idx.msk [tilespmem:v34+s13+$0x0], $0xffff;
	v28 =	vmul.f32 v28, v20;
	v22 =	vmul.f32 $1.442695020e+00, v22  }
0xc3: {  	(erf) = vpow2.f32 v18;
	v18 =	vmul.f32 v30, v24;
	v24 =	vor.u32 $0x300, v21;
	v50 =	vpop (erf)  }
0xc4: {  	v51 =	vmul.f32 v27, v27;
	(erf) = vpow2.f32 v22;
	v30 =	vadd.f32 v50, v49  }
0xc5: {  	v25 =	vor.u32 $0x380, v25;
	v27 =	vmul.f32 v27, v19;
	v28 =	vadd.f32 $0.0e+00, v28;
	v22 =	vld.idx.msk [tilespmem:v48+s13+$0x0], $0xffff;
	v53 =	vpop (erf)  }
0xc6: {  	v52 =	vmul.f32 v26, v26;
	v23 =	vld.idx.msk [tilespmem:v23+s13+$0x0], $0xffff;
	v31 =	vadd.f32 v53, v51;
	v30 =	vmul.f32 v30, v20  }
0xc7: {  	v26 =	vmul.f32 v26, v17;
	v27 =	vadd.f32 v27, v28;
	v54 =	vpop (erf);
	v55 =	vmul.f32 v29, v29  }
0xc8: {  	v32 =	vadd.f32 v54, v52;
	v24 =	vld.idx.msk [tilespmem:v24+s13+$0x0], $0xffff;
	v56 =	vpop (erf);
	v28 =	vmul.f32 v31, v19;
	v30 =	vadd.f32 $0.0e+00, v30  }
0xc9: {  	v29 =	vmul.f32 v29, v16;
	v26 =	vadd.f32 v26, v27;
	v31 =	vadd.f32 v56, v55  }
0xca: {  	v25 =	vld.idx.msk [tilespmem:v25+s13+$0x0], $0xffff;
	v58 =	vpop (erf);
	v27 =	vmul.f32 v32, v17;
	v57 =	vmul.f32 v22, v22;
	v28 =	vadd.f32 v28, v30  }
0xcb: {  	v26 =	vadd.f32 v29, v26;
	v59 =	vpop (erf);
	v22 =	vmul.f32 v22, v14;
	v60 =	vmul.f32 v23, v23  }
0xcc: {  	v61 =	vpop (erf);
	v30 =	vadd.f32 v59, v57;
	v27 =	vadd.f32 v27, v28;
	v28 =	vmul.f32 v31, v16  }
0xcd: {  	v23 =	vmul.f32 v23, v13;
	v62 =	vmul.f32 v24, v24;
	v22 =	vadd.f32 v22, v26;
	v29 =	vpop (erf)  }
0xce: {  	v26 =	vmul.f32 v30, v14;
	v29 =	vadd.f32 v29, v60;
	v27 =	vadd.f32 v28, v27  }
0xcf: {  	v63 =	vmul.f32 v25, v25;
	v24 =	vmul.f32 v24, v15;
	v22 =	vadd.f32 v23, v22  }
0xd0: {  	v28 =	vadd.f32 v61, v62;
	v26 =	vadd.f32 v26, v27;
	v23 =	vmul.f32 v29, v13  }
0xd1: {  	v25 =	vmul.f32 v25, v18;
	v22 =	vadd.f32 v24, v22  }
0xd2: {  	v27 =	vadd.f32 v58, v63;
	v24 =	vmul.f32 v28, v15;
	v23 =	vadd.f32 v23, v26;
	_ =	sdelay $0x1  }
0xd3: {  	v24 =	vadd.f32 v24, v23;
	v23 =	vadd.f32 v25, v22;
	v22 =	vmul.f32 v27, v18;
	_ =	sdelay $0x1  }
0xd4: {  	v22 =	vadd.f32 v22, v24;
	v24 =	vmul.f32 v23, v23;
	_ =	sdelay $0x1  }
0xd5: {  	v22 =	vsub.f32 v22, v24;
	_ =	sdelay $0x1  }
0xd6: {  	v22 =	vmax.f32 v22, $9.999999970e-07  }
0xd7: {  	v24 =	vand.u32 $0x7FFFFF, v22  }
0xd8: {  	v24 =	vor.u32 $0x3F800000, v24  }
0xd9: {  	v25 =	vmul.f32 $5.000000000e-01, v24  }
0xda: {  	vm15 =	vgt.f32 v24, $1.414213540e+00  }
0xdb: {  	v24 =	vsel vm15, v25, v24  }
0xdc: {  	v25 =	vadd.f32 $1.000000000e+00, v24;
	_ =	sdelay $0x1  }
0xdd: {  	(erf) = vrcp.f32 v25;
	_ =	sdelay $0x7  }
0xde: {  	v24 =	vadd.f32 $-1.000000000e+00, v24  }
0xdf: {  	v25 =	vpop (erf)  }
0xe0: {  	v25 =	vmul.f32 v25, v24;
	_ =	sdelay $0x1  }
0xe1: {  	v24 =	vmul.f32 v25, v25;
	_ =	sdelay $0x1  }
0xe2: {  	v26 =	vmul.f32 $1.428571490e-01, v24;
	_ =	sdelay $0x1  }
0xe3: {  	v26 =	vadd.f32 $2.000000030e-01, v26;
	_ =	sdelay $0x1  }
0xe4: {  	v26 =	vmul.f32 v26, v24;
	_ =	sdelay $0x1  }
0xe5: {  	v26 =	vadd.f32 $3.333333430e-01, v26;
	_ =	sdelay $0x1  }
0xe6: {  	s31 =	simm.s32 $0x1;
	v27 =	vshra.s32 v22, $0x17;
	v28 =	vsel vm15, $0xFFFFFF82, v12;
	v26 =	vmul.f32 v26, v24  }
0xe7: {  	v22 =	vadd.s32 s31, v2;
	v24 =	vor.u32 v11, v21;
	v21 =	vadd.s32 v27, v28  }
0xe8: {  	s2 =	simm.s32 $0x2;
	v25 =	vadd.f32 v25, v25;
	v27 =	vcvt.s32.f32 v21;
	v26 =	vadd.f32 $1.000000000e+00, v26  }
.LBB2_6:
0xe9: {  	p0 =	sne.s32 s2, $0x7F;
	v21 =	vand.u32 $0x7F, v22  }
0xea: {  	v28 =	vor.u32 $0x400, v21;
	v25 =	vmul.f32 v26, v25;
	v26 =	vmul.f32 $6.931471820e-01, v27;
	_ =	sdelay $0x1  }
0xeb: {  	v27 =	vor.u32 $0x480, v22;
	v25 =	vadd.f32 v25, v26  }
0xec: {  	v26 =	vor.u32 $0x500, v21;
	[tilespmem:v24+s17+$0x0] =	vst.idx.msk $0xffff, v23  }
0xed: {  	[tilespmem:v24+s18+$0x0] =	vst.idx.msk $0xffff, v25  }
0xee: {  	v24 =	vor.u32 $0x580, v22;
	v23 =	vld.idx.msk [tilespmem:v28+s13+$0x0], $0xffff  }
0xef: {  	v25 =	vor.u32 $0x780, v22  }
0xf0: {  	v28 =	vor.u32 $0x600, v21;
	v27 =	vld.idx.msk [tilespmem:v27+s13+$0x0], $0xffff  }
0xf1: {  	v29 =	vor.u32 $0x700, v21;
	v26 =	vld.idx.msk [tilespmem:v26+s13+$0x0], $0xffff  }
0xf2: {  	v30 =	vor.u32 $0x680, v22  }
0xf3: {  	v24 =	vld.idx.msk [tilespmem:v24+s13+$0x0], $0xffff  }
0xf4: {  	v23 =	vmul.f32 $1.442695020e+00, v23;
	v25 =	vld.idx.msk [tilespmem:v25+s13+$0x0], $0xffff  }
0xf5: {  	v31 =	vor.u32 $0x80, v22;
	v28 =	vld.idx.msk [tilespmem:v28+s13+$0x0], $0xffff  }
0xf6: {  	v32 =	vor.u32 $0x100, v21;
	v27 =	vmul.f32 $1.442695020e+00, v27;
	v29 =	vld.idx.msk [tilespmem:v29+s13+$0x0], $0xffff;
	(erf) = vpow2.f32 v23  }
0xf7: {  	v23 =	vmul.f32 $1.442695020e+00, v26;
	v26 =	vld.idx.msk [tilespmem:v30+s13+$0x0], $0xffff  }
0xf8: {  	v33 =	vor.u32 $0x180, v22;
	v30 =	vld.idx.msk [tilespmem:v21+s13+$0x0], $0xffff;
	(erf) = vpow2.f32 v27  }
0xf9: {  	v24 =	vmul.f32 $1.442695020e+00, v24;
	(erf) = vpow2.f32 v23  }
0xfa: {  	v27 =	vor.u32 $0x200, v21;
	v25 =	vmul.f32 $1.442695020e+00, v25;
	v23 =	vld.idx.msk [tilespmem:v31+s13+$0x0], $0xffff  }
0xfb: {  	v28 =	vmul.f32 $1.442695020e+00, v28;
	v31 =	vld.idx.msk [tilespmem:v32+s13+$0x0], $0xffff;
	(erf) = vpow2.f32 v24  }
0xfc: {  	v24 =	vor.u32 $0x280, v22;
	v34 =	vmul.f32 $1.442695020e+00, v29;
	(erf) = vpow2.f32 v25  }
0xfd: {  	v26 =	vmul.f32 $1.442695020e+00, v26;
	v25 =	vld.idx.msk [tilespmem:v33+s13+$0x0], $0xffff;
	(erf) = vpow2.f32 v28  }
0xfe: {  	v32 =	vor.u32 $0x300, v21;
	v28 =	vmul.f32 v30, v30;
	(erf) = vpow2.f32 v34  }
0xff: {  	v22 =	vor.u32 $0x380, v22;
	v27 =	vld.idx.msk [tilespmem:v27+s13+$0x0], $0xffff;
	v29 =	vpop (erf);
	(erf) = vpow2.f32 v26  }
0x100: {  	v26 =	vmul.f32 v30, v20;
	v28 =	vadd.f32 v29, v28;
	v29 =	vmul.f32 v23, v23  }
0x101: {  	v23 =	vmul.f32 v23, v19;
	v30 =	vmul.f32 v31, v31;
	v24 =	vld.idx.msk [tilespmem:v24+s13+$0x0], $0xffff;
	v33 =	vpop (erf)  }
0x102: {  	v26 =	vadd.f32 $0.0e+00, v26;
	v28 =	vmul.f32 v28, v20;
	v37 =	vadd.f32 v33, v29;
	v33 =	vpop (erf)  }
0x103: {  	v31 =	vmul.f32 v31, v17;
	v35 =	vadd.f32 v33, v30;
	v33 =	vmul.f32 v25, v25;
	v32 =	vld.idx.msk [tilespmem:v32+s13+$0x0], $0xffff  }
0x104: {  	v23 =	vadd.f32 v23, v26;
	v28 =	vadd.f32 $0.0e+00, v28;
	v26 =	vmul.f32 v37, v19;
	v29 =	vpop (erf)  }
0x105: {  	v25 =	vmul.f32 v25, v16;
	v36 =	vmul.f32 v27, v27;
	v29 =	vadd.f32 v29, v33;
	v22 =	vld.idx.msk [tilespmem:v22+s13+$0x0], $0xffff;
	v34 =	vpop (erf)  }
0x106: {  	v23 =	vadd.f32 v31, v23;
	v35 =	vmul.f32 v35, v17;
	v26 =	vadd.f32 v26, v28;
	v30 =	vpop (erf)  }
0x107: {  	v27 =	vmul.f32 v27, v14;
	v31 =	vmul.f32 v24, v24;
	v30 =	vadd.f32 v30, v36;
	v33 =	vpop (erf)  }
0x108: {  	v23 =	vadd.f32 v25, v23;
	v25 =	vmul.f32 v29, v16;
	v26 =	vadd.f32 v35, v26;
	v28 =	vpop (erf)  }
0x109: {  	v24 =	vmul.f32 v24, v13;
	v29 =	vmul.f32 v32, v32;
	v28 =	vadd.f32 v28, v31  }
0x10a: {  	v23 =	vadd.f32 v27, v23;
	v25 =	vadd.f32 v25, v26;
	v26 =	vmul.f32 v30, v14  }
0x10b: {  	v27 =	vmul.f32 v32, v15;
	v29 =	vadd.f32 v33, v29;
	v30 =	vmul.f32 v22, v22  }
0x10c: {  	v23 =	vadd.f32 v24, v23;
	v24 =	vmul.f32 v28, v13;
	v25 =	vadd.f32 v26, v25  }
0x10d: {  	v22 =	vmul.f32 v22, v18;
	v26 =	vadd.f32 v34, v30  }
0x10e: {  	v23 =	vadd.f32 v27, v23;
	v24 =	vadd.f32 v24, v25;
	v25 =	vmul.f32 v29, v15;
	_ =	sdelay $0x1  }
0x10f: {  	v23 =	vadd.f32 v22, v23;
	v22 =	vmul.f32 v26, v18;
	v24 =	vadd.f32 v25, v24;
	_ =	sdelay $0x1  }
0x110: {  	v22 =	vadd.f32 v22, v24;
	v24 =	vmul.f32 v23, v23;
	_ =	sdelay $0x1  }
0x111: {  	v22 =	vsub.f32 v22, v24;
	_ =	sdelay $0x1  }
0x112: {  	v22 =	vmax.f32 v22, $9.999999970e-07  }
0x113: {  	v24 =	vand.u32 $0x7FFFFF, v22  }
0x114: {  	v24 =	vor.u32 $0x3F800000, v24  }
0x115: {  	v25 =	vmul.f32 $5.000000000e-01, v24  }
0x116: {  	vm0 =	vgt.f32 v24, $1.414213540e+00  }
0x117: {  	v24 =	vsel vm0, v25, v24  }
0x118: {  	v25 =	vadd.f32 $1.000000000e+00, v24;
	_ =	sdelay $0x1  }
0x119: {  	(erf) = vrcp.f32 v25;
	_ =	sdelay $0x7  }
0x11a: {  	v24 =	vadd.f32 $-1.000000000e+00, v24  }
0x11b: {  	v25 =	vpop (erf)  }
0x11c: {  	v25 =	vmul.f32 v25, v24;
	_ =	sdelay $0x1  }
0x11d: {  	v24 =	vmul.f32 v25, v25;
	_ =	sdelay $0x1  }
0x11e: {  	v26 =	vmul.f32 $1.428571490e-01, v24;
	_ =	sdelay $0x1  }
0x11f: {  	v26 =	vadd.f32 $2.000000030e-01, v26;
	_ =	sdelay $0x1  }
0x120: {  	v26 =	vmul.f32 v26, v24;
	_ =	sdelay $0x1  }
.Ltmp4:
0x121: {  	v26 =	vadd.f32 $3.333333430e-01, v26;
	(pc) =	sbr.rel @p0 .LBB2_6-.Ltmp4, $4  }
0x122: {  	_ = 	snop  }
0x123: {  	v27 =	vshra.s32 v22, $0x17;
	v28 =	vsel vm0, $0xFFFFFF82, v12;
	v26 =	vmul.f32 v26, v24  }
0x124: {  	v22 =	vadd.s32 s2, v2;
	v24 =	vor.u32 v11, v21;
	v21 =	vadd.s32 v27, v28  }
0x125: {  	s2 =	sadd.s32 $0x1, s2;
	v25 =	vadd.f32 v25, v25;
	v27 =	vcvt.s32.f32 v21;
	v26 =	vadd.f32 $1.000000000e+00, v26  }
0x126: {  	v21 =	vand.u32 $0x7F, v22  }
0x127: {  	v28 =	vor.u32 $0x400, v21;
	v25 =	vmul.f32 v26, v25;
	v42 =	vmul.f32 $6.931471820e-01, v27;
	_ =	sdelay $0x1  }
0x128: {  	v43 =	vor.u32 $0x480, v22;
	v25 =	vadd.f32 v25, v42  }
0x129: {  	[tilespmem:v24+s17+$0x0] =	vst.idx.msk $0xffff, v23  }
0x12a: {  	v44 =	vor.u32 $0x500, v21;
	[tilespmem:v24+s18+$0x0] =	vst.idx.msk $0xffff, v25  }
0x12b: {  	v45 =	vor.u32 $0x580, v22;
	v23 =	vld.idx.msk [tilespmem:v28+s13+$0x0], $0xffff  }
0x12c: {  	v46 =	vor.u32 $0x780, v22  }
0x12d: {  	v47 =	vor.u32 $0x600, v21;
	v27 =	vld.idx.msk [tilespmem:v43+s13+$0x0], $0xffff  }
0x12e: {  	v29 =	vor.u32 $0x700, v21  }
0x12f: {  	v30 =	vor.u32 $0x680, v22;
	v26 =	vld.idx.msk [tilespmem:v44+s13+$0x0], $0xffff  }
0x130: {  	v24 =	vld.idx.msk [tilespmem:v45+s13+$0x0], $0xffff;
	v23 =	vmul.f32 $1.442695020e+00, v23  }
0x131: {  	v25 =	vld.idx.msk [tilespmem:v46+s13+$0x0], $0xffff  }
0x132: {  	v31 =	vor.u32 $0x80, v22;
	v28 =	vld.idx.msk [tilespmem:v47+s13+$0x0], $0xffff;
	v27 =	vmul.f32 $1.442695020e+00, v27;
	(erf) = vpow2.f32 v23  }
0x133: {  	v29 =	vld.idx.msk [tilespmem:v29+s13+$0x0], $0xffff  }
0x134: {  	v48 =	vor.u32 $0x100, v21;
	v30 =	vld.idx.msk [tilespmem:v30+s13+$0x0], $0xffff;
	v26 =	vmul.f32 $1.442695020e+00, v26;
	(erf) = vpow2.f32 v27  }
0x135: {  	v32 =	vor.u32 $0x180, v22;
	v49 =	vld.idx.msk [tilespmem:v21+s13+$0x0], $0xffff  }
0x136: {  	v24 =	vmul.f32 $1.442695020e+00, v24;
	(erf) = vpow2.f32 v26  }
0x137: {  	v51 =	vor.u32 $0x200, v21;
	v50 =	vld.idx.msk [tilespmem:v31+s13+$0x0], $0xffff;
	v25 =	vmul.f32 $1.442695020e+00, v25;
	v28 =	vmul.f32 $1.442695020e+00, v28  }
0x138: {  	v52 =	vmul.f32 $1.442695020e+00, v29;
	(erf) = vpow2.f32 v24  }
0x139: {  	v53 =	vor.u32 $0x280, v22;
	v54 =	vmul.f32 $1.442695020e+00, v30;
	v23 =	vld.idx.msk [tilespmem:v48+s13+$0x0], $0xffff;
	(erf) = vpow2.f32 v25  }
0x13a: {  	v55 =	vld.idx.msk [tilespmem:v32+s13+$0x0], $0xffff;
	v56 =	vmul.f32 v49, v49;
	(erf) = vpow2.f32 v28  }
0x13b: {  	v57 =	vor.u32 $0x300, v21;
	v27 =	vmul.f32 v49, v20;
	(erf) = vpow2.f32 v52;
	v58 =	vpop (erf)  }
0x13c: {  	v59 =	vld.idx.msk [tilespmem:v51+s13+$0x0], $0xffff;
	v60 =	vmul.f32 v50, v50;
	(erf) = vpow2.f32 v54;
	v30 =	vadd.f32 v58, v56  }
0x13d: {  	v61 =	vor.u32 $0x380, v22;
	v26 =	vmul.f32 v50, v19;
	v27 =	vadd.f32 $0.0e+00, v27;
	v33 =	vpop (erf)  }
0x13e: {  	v25 =	vld.idx.msk [tilespmem:v53+s13+$0x0], $0xffff;
	v62 =	vmul.f32 v23, v23;
	v36 =	vadd.f32 v33, v60;
	v63 =	vmul.f32 v30, v20  }
0x13f: {  	v38 =	vmul.f32 v55, v55;
	v23 =	vmul.f32 v23, v17;
	v26 =	vadd.f32 v26, v27;
	v37 =	vpop (erf)  }
0x140: {  	v24 =	vld.idx.msk [tilespmem:v57+s13+$0x0], $0xffff;
	v31 =	vadd.f32 v37, v62;
	v39 =	vmul.f32 v36, v19;
	v20 =	vadd.f32 $0.0e+00, v63  }
0x141: {  	v41 =	vmul.f32 v59, v59;
	v28 =	vmul.f32 v55, v16;
	v43 =	vadd.f32 v23, v26;
	v40 =	vpop (erf)  }
0x142: {  	v22 =	vld.idx.msk [tilespmem:v61+s13+$0x0], $0xffff;
	v27 =	vadd.f32 v40, v38;
	v42 =	vpop (erf);
	v44 =	vmul.f32 v31, v17;
	v19 =	vadd.f32 v39, v20  }
0x143: {  	v46 =	vmul.f32 v59, v14;
	v47 =	vmul.f32 v25, v25;
	v49 =	vadd.f32 v28, v43;
	v45 =	vpop (erf)  }
0x144: {  	v23 =	vadd.f32 v45, v41;
	v48 =	vpop (erf);
	v50 =	vmul.f32 v27, v16;
	v17 =	vadd.f32 v44, v19  }
0x145: {  	v52 =	vmul.f32 v24, v24;
	v25 =	vmul.f32 v25, v13;
	v53 =	vadd.f32 v46, v49;
	v51 =	vpop (erf)  }
0x146: {  	v14 =	vmul.f32 v23, v14;
	v20 =	vadd.f32 v51, v47;
	v16 =	vadd.f32 v50, v17  }
0x147: {  	v54 =	vmul.f32 v24, v15;
	v56 =	vmul.f32 v22, v22;
	v57 =	vadd.f32 v25, v53  }
0x148: {  	v55 =	vadd.f32 v48, v52;
	v13 =	vmul.f32 v20, v13;
	v14 =	vadd.f32 v14, v16  }
0x149: {  	v58 =	vmul.f32 v22, v18;
	v59 =	vadd.f32 v42, v56  }
0x14a: {  	v15 =	vmul.f32 v55, v15;
	v13 =	vadd.f32 v13, v14;
	v14 =	vadd.f32 v54, v57;
	_ =	sdelay $0x1  }
0x14b: {  	v13 =	vadd.f32 v15, v13;
	v14 =	vadd.f32 v58, v14;
	v15 =	vmul.f32 v59, v18;
	_ =	sdelay $0x1  }
0x14c: {  	v13 =	vadd.f32 v15, v13;
	v15 =	vmul.f32 v14, v14;
	_ =	sdelay $0x1  }
0x14d: {  	v13 =	vsub.f32 v13, v15;
	_ =	sdelay $0x1  }
0x14e: {  	v13 =	vmax.f32 v13, $9.999999970e-07  }
0x14f: {  	v15 =	vand.u32 $0x7FFFFF, v13  }
0x150: {  	v15 =	vor.u32 $0x3F800000, v15  }
0x151: {  	v60 =	vmul.f32 $5.000000000e-01, v15  }
0x152: {  	vm0 =	vgt.f32 v15, $1.414213540e+00  }
0x153: {  	v15 =	vsel vm0, v60, v15  }
0x154: {  	v16 =	vadd.f32 $1.000000000e+00, v15;
	_ =	sdelay $0x1  }
0x155: {  	(erf) = vrcp.f32 v16;
	_ =	sdelay $0x7  }
0x156: {  	v15 =	vadd.f32 $-1.000000000e+00, v15  }
0x157: {  	v16 =	vpop (erf)  }
0x158: {  	v15 =	vmul.f32 v16, v15  }
0x159: {  	s0 =	sadd.s32 $0xF, s0  }
0x15a: {  	s2 =	sand.u32 $0xF, s0;
	v16 =	vmul.f32 v15, v15  }
0x15b: {  	s14 =	sshra.s32 s0, $0x1F;
	p0 =	slt.s32 s0, $0x1;
	p1 =	sne.s32 s2, $0x0  }
0x15c: {  	s14 =	sshrl.u32 s14, $0x1C;
	p0 =	por !p0, !p1;
	v61 =	vmul.f32 $1.428571490e-01, v16  }
0x15d: {  	s2 =	simm.s32 $0x1;
	s0 =	sadd.s32 s14, s0;
	p0 =	por !p0, !p0  }
0x15e: {  	s0 =	sshra.s32 s0, $0x4;
	s2 =	simm.s32 @!p0 $0x0;
	v17 =	vadd.f32 $2.000000030e-01, v61  }
0x15f: {  	s29 =	ssub.s32 s0, s2  }
0x160: {  	s0 =	sadd.s32 $0x1, s29;
	v17 =	vmul.f32 v17, v16  }
0x161: {  	s14 =	sand.u32 $0x1, s0  }
0x162: {  	p5 =	slt.s32 s29, $0x0;
	p6 =	seq.s32 s14, $0x1;
	v17 =	vadd.f32 $3.333333430e-01, v17  }
0x163: {  	s14 =	sshrl.u32 s0, $0x1F;
	p0 =	por !p5, !p6  }
0x164: {  	s2 =	simm.s32 $0x1;
	s0 =	sadd.s32 s14, s0;
	p0 =	por !p0, !p0;
	v13 =	vshra.s32 v13, $0x17;
	v62 =	vsel vm0, $0xFFFFFF82, v12;
	v16 =	vmul.f32 v17, v16  }
0x165: {  	s0 =	sshra.s32 s0, $0x1;
	s2 =	simm.s32 @!p0 $0x0;
	v63 =	vor.u32 v11, v21;
	v13 =	vadd.s32 v13, v62  }
0x166: {  	s30 =	ssub.s32 s0, s2;
	v13 =	vcvt.s32.f32 v13;
	v15 =	vadd.f32 v15, v15;
	v16 =	vadd.f32 $1.000000000e+00, v16  }
0x167: {  	p0 =	slt.s32 s30, $0x1  }
.Ltmp5:
0x168: {  	v13 =	vmul.f32 $6.931471820e-01, v13;
	v15 =	vmul.f32 v16, v15;
	(pc) =	sbr.rel @!p0 .LBB2_8-.Ltmp5, $4  }
0x169: {  	_ = 	snop  }
0x16a: {  	v13 =	vadd.f32 v15, v13  }
0x16b: {  	[tilespmem:v63+s17+$0x0] =	vst.idx.msk $0xffff, v14  }
0x16c: {  	s31 =	simm.s32 $0x0;
	[tilespmem:v63+s18+$0x0] =	vst.idx.msk $0xffff, v13  }
.LBB2_17:
0x16d: {  	p0 =	slt.s32 s29, $0x1;
	s0 =	sadd.s32 $0xF, s28  }
0x16e: {  	s2 =	simm.s32 @!p0 $0x1;
	s14 =	sand.u32 $0xF, s0;
	s28 =	sshra.s32 s0, $0x1F  }
0x16f: {  	p1 =	slt.s32 s0, $0x1;
	_ =	swait.ge @!p0 [sflag:s2], $0x800;
	p2 =	sne.s32 s14, $0x0  }
0x170: {  	s28 =	sshrl.u32 s28, $0x1C;
	s14 =	simm.s32 $0x1;
	p1 =	por !p1, !p2  }
0x171: {  	[sflag:s2] =	ssyncset.done @!p0 $0x0;
	s0 =	sadd.s32 s28, s0;
	p1 =	por !p1, !p1  }
0x172: {  	[sflag:s2] =	ssyncadd.s32 @!p0 $0xFFFFF800;
	s0 =	sshra.s32 s0, $0x4;
	s14 =	simm.s32 @!p1 $0x0  }
0x173: {  	_ =	swait.ge @!p0 [sflag:s2], $0x800;
	s0 =	ssub.s32 s0, s14  }
0x174: {  	p1 =	seq.s32 @!p0 s29, $0x1;
	[sflag:s2] =	ssyncset.done @!p0 $0x0;
	s14 =	sadd.s32 $0x1, s0  }
0x175: {  	p2 =	por p1, p0;
	[sflag:s2] =	ssyncadd.s32 @!p0 $0xFFFFF800;
	s30 =	sand.u32 $0x1, s14  }
0x176: {  	s28 =	simm.s32 @!p2 $0x2;
	p5 =	slt.s32 s0, $0x0;
	p6 =	seq.s32 s30, $0x1  }
0x177: {  	_ =	swait.ge @!p2 [sflag:s28], $0x800;
	s31 =	sshrl.u32 s14, $0x1F;
	p0 =	por !p5, !p6  }
0x178: {  	s2 =	sadd.s32 s31, s14;
	s14 =	simm.s32 $0x1;
	p0 =	por !p0, !p0  }
0x179: {  	[sflag:s28] =	ssyncset.done @!p2 $0x0;
	s2 =	sshra.s32 s2, $0x1;
	s14 =	simm.s32 @!p0 $0x0  }
0x17a: {  	[sflag:s28] =	ssyncadd.s32 @!p2 $0xFFFFF800;
	s14 =	ssub.s32 s2, s14  }
0x17b: {  	_ =	swait.ge @!p2 [sflag:s28], $0x800;
	p1 =	slt.s32 s14, $0x1  }
0x17c: {  	[sflag:s28] =	ssyncset.done @!p2 $0x0;
	p3 =	slt.s32 @!p1 s0, $0x1  }
0x17d: {  	[sflag:s28] =	ssyncadd.s32 @!p2 $0xFFFFF800;
	p2 =	por p3, p1  }
0x17e: {  	v13 =	vld @!p2 [tilespmem:$0x1CA30];
	_ =	sdelay $0x4  }
0x17f: {  	s28 =	simm.s32 @!p2 $0x10;
	s29 =	simm.s32 @!p2 $0x1FC40;
	s30 =	simm.s32 @!p2 $0x1EC40;
	[tilespmem:$0x1FC40] =	vst @!p2 v13  }
0x180: {  	[hbm4b:s1+s28] =	stream.indirect.scatter @!p2 [tilespmem:s30], [sflag:$0x1], $0x80, s29, s28, $0xb8;
	[tilespmem:$0x1FC60] =	vst v63  }
0x181: {  	s30 =	simm.s32 @!p2 $0x1F440  }
0x182: {  	[hbm4b:s3+s28] =	stream.indirect.scatter @!p2 [tilespmem:s30], [sflag:$0x1], $0x80, s29, s28, $0xb8;
	[tilespmem:$0x1FC60] =	vst v63  }
0x183: {  	p2 =	seq.s32 @!p2 s0, $0x1  }
0x184: {  	p2 =	por @!p1 p2, p3  }
0x185: {  	p2 =	por p2, p1  }
0x186: {  	v13 =	vld @!p2 [tilespmem:$0x1CA40];
	_ =	sdelay $0x4  }
0x187: {  	s28 =	simm.s32 @!p2 $0x10;
	s29 =	simm.s32 @!p2 $0x1FC50;
	s30 =	simm.s32 @!p2 $0x1EC40;
	[tilespmem:$0x1FC50] =	vst @!p2 v13  }
0x188: {  	[hbm4b:s1+s28] =	stream.indirect.scatter @!p2 [tilespmem:s30], [sflag:$0x2], $0x80, s29, s28, $0xb8;
	[tilespmem:$0x1FC60] =	vst v63  }
0x189: {  	s30 =	simm.s32 @!p2 $0x1F440  }
0x18a: {  	[hbm4b:s3+s28] =	stream.indirect.scatter @!p2 [tilespmem:s30], [sflag:$0x2], $0x80, s29, s28, $0xb8;
	[tilespmem:$0x1FC60] =	vst v63  }
0x18b: {  	p2 =	seq.s32 @!p1 s14, $0x1  }
0x18c: {  	p1 =	por p1, p2  }
.Ltmp6:
0x18d: {  	_ = 	snop;
	(pc) =	sbr.rel @p1 .LBB2_23-.Ltmp6, $1  }
0x18e: {  	_ =	sdelay $0x3  }
0x18f: {  	s14 =	simm.s32 $0xFFFFFFFF  }
0x190: {  	s14 =	simm.s32 @!p0 $0x0  }
0x191: {  	s2 =	sadd.s32 s14, s2  }
0x192: {  	s2 =	sadd.s32 $0xFFFFFFFF, s2  }
0x193: {  	s28 =	sadd.s32 $0xFFFFFFFF, s2  }
0x194: {  	p2 =	sne.s32 s28, $0x0  }
.Ltmp7:
0x195: {  	_ = 	snop;
	(pc) =	sbr.rel @!p2 .LBB2_19-.Ltmp7, $3  }
0x196: {  	_ =	sdelay $0x1  }
0x197: {  	p1 =	por $0x0, $0x0  }
0x198: {  	p0 =	sle.s32 s0, $0x2;
	s14 =	simm.s32 $0x3;
	s2 =	simm.s32 $0x1CA60  }
0x199: {  	s14 =	simm.s32 @!p0 $0x1  }
0x19a: {  	_ =	swait.ge @!p0 [sflag:s14], $0x800  }
0x19b: {  	[sflag:s14] =	ssyncset.done @!p0 $0x0  }
0x19c: {  	[sflag:s14] =	ssyncadd.s32 @!p0 $0xFFFFF800  }
0x19d: {  	_ =	swait.ge @!p0 [sflag:s14], $0x800  }
0x19e: {  	[sflag:s14] =	ssyncset.done @!p0 $0x0  }
0x19f: {  	[sflag:s14] =	ssyncadd.s32 @!p0 $0xFFFFF800  }
0x1a0: {  	v13 =	vld @!p0 [tilespmem:s2+$0xFFFFFFF0];
	_ =	sdelay $0x4  }
0x1a1: {  	s29 =	simm.s32 @!p0 $0x1FC40;
	s30 =	simm.s32 @!p0 $0x1EC40;
	s14 =	simm.s32 @!p0 $0x10;
	[tilespmem:$0x1FC40] =	vst @!p0 v13  }
0x1a2: {  	[hbm4b:s1+s14] =	stream.indirect.scatter @!p0 [tilespmem:s30], [sflag:$0x1], $0x80, s29, s14, $0xb8;
	[tilespmem:$0x1FC60] =	vst v63  }
0x1a3: {  	p2 =	sle.s32 s0, $0x3;
	s30 =	simm.s32 @!p0 $0x1F440  }
0x1a4: {  	[hbm4b:s3+s14] =	stream.indirect.scatter @!p0 [tilespmem:s30], [sflag:$0x1], $0x80, s29, s14, $0xb8;
	[tilespmem:$0x1FC60] =	vst v63  }
0x1a5: {  	s14 =	simm.s32 @!p2 $0x2  }
0x1a6: {  	_ =	swait.ge @!p2 [sflag:s14], $0x800  }
0x1a7: {  	[sflag:s14] =	ssyncset.done @!p2 $0x0  }
0x1a8: {  	[sflag:s14] =	ssyncadd.s32 @!p2 $0xFFFFF800  }
0x1a9: {  	_ =	swait.ge @!p2 [sflag:s14], $0x800  }
0x1aa: {  	[sflag:s14] =	ssyncset.done @!p2 $0x0  }
0x1ab: {  	s28 =	sadd.s32 $0xFFFFFFFF, s28;
	[sflag:s14] =	ssyncadd.s32 @!p2 $0xFFFFF800  }
0x1ac: {  	p3 =	sne.s32 s28, $0x0;
	v13 =	vld @!p2 [tilespmem:s2+$0x0]  }
.Ltmp8:
0x1ad: {  	_ = 	snop;
	(pc) =	sbr.rel @!p3 .LBB2_22-.Ltmp8, $4  }
0x1ae: {  	_ = 	snop  }
0x1af: {  	p1 =	por $0x1, $0x1  }
0x1b0: {  	s31 =	simm.s32 @!p2 $0x1FC50;
	s29 =	simm.s32 @!p2 $0x1EC40;
	p0 =	sle.s32 s0, $0x4  }
0x1b1: {  	s30 =	simm.s32 @!p2 $0x10;
	s14 =	simm.s32 $0x5;
	s2 =	simm.s32 $0x1CA80;
	[tilespmem:$0x1FC50] =	vst @!p2 v13  }
.LBB2_21:
0x1b2: {  	[hbm4b:s1+s30] =	stream.indirect.scatter @!p2 [tilespmem:s29], [sflag:$0x2], $0x80, s31, s30, $0xb8;
	[tilespmem:$0x1FC60] =	vst v63  }
0x1b3: {  	s28 =	sadd.s32 $0xFFFFFFFF, s28;
	s29 =	simm.s32 @!p0 $0x1;
	s15 =	simm.s32 @!p2 $0x1F440  }
0x1b4: {  	[hbm4b:s3+s30] =	stream.indirect.scatter @!p2 [tilespmem:s15], [sflag:$0x2], $0x80, s31, s30, $0xb8;
	[tilespmem:$0x1FC60] =	vst v63  }
0x1b5: {  	p3 =	sne.s32 s28, $0x0;
	_ =	swait.ge @!p0 [sflag:s29], $0x800  }
0x1b6: {  	[sflag:s29] =	ssyncset.done @!p0 $0x0  }
0x1b7: {  	[sflag:s29] =	ssyncadd.s32 @!p0 $0xFFFFF800  }
0x1b8: {  	_ =	swait.ge @!p0 [sflag:s29], $0x800  }
0x1b9: {  	[sflag:s29] =	ssyncset.done @!p0 $0x0  }
0x1ba: {  	[sflag:s29] =	ssyncadd.s32 @!p0 $0xFFFFF800  }
0x1bb: {  	v13 =	vld @!p0 [tilespmem:s2+$0xFFFFFFF0];
	_ =	sdelay $0x4  }
0x1bc: {  	s15 =	simm.s32 @!p0 $0x10;
	s30 =	simm.s32 @!p0 $0x1EC40;
	s29 =	simm.s32 @!p0 $0x1FC40;
	[tilespmem:$0x1FC40] =	vst @!p0 v13  }
0x1bd: {  	[hbm4b:s1+s15] =	stream.indirect.scatter @!p0 [tilespmem:s30], [sflag:$0x1], $0x80, s29, s15, $0xb8;
	[tilespmem:$0x1FC60] =	vst v63  }
0x1be: {  	p2 =	sge.s32 s14, s0;
	s30 =	simm.s32 @!p0 $0x1F440  }
0x1bf: {  	[hbm4b:s3+s15] =	stream.indirect.scatter @!p0 [tilespmem:s30], [sflag:$0x1], $0x80, s29, s15, $0xb8;
	[tilespmem:$0x1FC60] =	vst v63  }
0x1c0: {  	s15 =	simm.s32 @!p2 $0x2  }
0x1c1: {  	_ =	swait.ge @!p2 [sflag:s15], $0x800  }
0x1c2: {  	[sflag:s15] =	ssyncset.done @!p2 $0x0  }
0x1c3: {  	[sflag:s15] =	ssyncadd.s32 @!p2 $0xFFFFF800  }
0x1c4: {  	_ =	swait.ge @!p2 [sflag:s15], $0x800  }
0x1c5: {  	[sflag:s15] =	ssyncset.done @!p2 $0x0  }
0x1c6: {  	[sflag:s15] =	ssyncadd.s32 @!p2 $0xFFFFF800  }
0x1c7: {  	v13 =	vld @!p2 [tilespmem:s2+$0x0]  }
.Ltmp9:
0x1c8: {  	(pc) =	sbr.rel @p3 .LBB2_21-.Ltmp9, $4  }
0x1c9: {  	_ = 	snop  }
0x1ca: {  	s14 =	sadd.s32 $0x2, s14  }
0x1cb: {  	s29 =	simm.s32 @!p2 $0x1EC40;
	s15 =	sadd.s32 $0xFFFFFFFF, s14;
	s2 =	sadd.s32 $0x20, s2  }
0x1cc: {  	s31 =	simm.s32 @!p2 $0x1FC50;
	s30 =	simm.s32 @!p2 $0x10;
	p0 =	sge.s32 s15, s0;
	[tilespmem:$0x1FC50] =	vst @!p2 v13  }
.Ltmp10:
0x1cd: {  	_ = 	snop;
	(pc) =	sbr.rel .LBB2_22-.Ltmp10, $1  }
0x1ce: {  	_ =	sdelay $0x3  }
.LBB2_16:
0x1cf: {  	s31 =	sadd.s32 $0x1, s31  }
0x1d0: {  	p0 =	sne.s32 s31, s30  }
.Ltmp11:
0x1d1: {  	_ = 	snop;
	(pc) =	sbr.rel @!p0 .LBB2_17-.Ltmp11, $1  }
0x1d2: {  	_ =	sdelay $0x3  }
.LBB2_8:
0x1d3: {  	s0 =	sshll.u32 s31, $0x1  }
0x1d4: {  	p1 =	sge.s32 s0, s29  }
.Ltmp12:
0x1d5: {  	_ = 	snop;
	(pc) =	sbr.rel @p1 .LBB2_12-.Ltmp12, $2  }
0x1d6: {  	_ =	sdelay $0x2  }
0x1d7: {  	p0 =	seq.s32 s31, $0x0  }
0x1d8: {  	s2 =	simm.s32 @!p0 $0x1  }
0x1d9: {  	_ =	swait.ge @!p0 [sflag:s2], $0x800  }
0x1da: {  	[sflag:s2] =	ssyncset.done @!p0 $0x0  }
0x1db: {  	[sflag:s2] =	ssyncadd.s32 @!p0 $0xFFFFF800  }
0x1dc: {  	_ =	swait.ge @!p0 [sflag:s2], $0x800  }
0x1dd: {  	[sflag:s2] =	ssyncset.done @!p0 $0x0  }
0x1de: {  	[sflag:s2] =	ssyncadd.s32 @!p0 $0xFFFFF800;
	s2 =	sshll.u32 s31, $0x5  }
0x1df: {  	v13 =	vld [tilespmem:s2+$0x18A20];
	_ =	sdelay $0x4  }
0x1e0: {  	v18 =	vmul.u32 $0x810, v13;
	_ =	sdelay $0x1  }
0x1e1: {  	v13 =	vadd.s32 $0x800, v18  }
0x1e2: {  	v14 =	vadd.s32 $0x801, v18  }
0x1e3: {  	v15 =	vadd.s32 $0x802, v18  }
0x1e4: {  	v16 =	vadd.s32 $0x803, v18  }
0x1e5: {  	v17 =	vadd.s32 $0x804, v18  }
0x1e6: {  	v19 =	vadd.s32 $0x805, v18;
	v13 =	vld.idx.msk [tilespmem:v13+s12+$0x0], $0xffff  }
0x1e7: {  	v20 =	vadd.s32 $0x806, v18;
	v14 =	vld.idx.msk [tilespmem:v14+s12+$0x0], $0xffff  }
0x1e8: {  	v21 =	vadd.s32 $0x807, v18;
	v15 =	vld.idx.msk [tilespmem:v15+s12+$0x0], $0xffff  }
0x1e9: {  	v16 =	vld.idx.msk [tilespmem:v16+s12+$0x0], $0xffff  }
0x1ea: {  	v17 =	vld.idx.msk [tilespmem:v17+s12+$0x0], $0xffff  }
0x1eb: {  	v19 =	vld.idx.msk [tilespmem:v19+s12+$0x0], $0xffff  }
0x1ec: {  	v20 =	vld.idx.msk [tilespmem:v20+s12+$0x0], $0xffff;
	v22 =	vmax.f32 v13, v14  }
0x1ed: {  	v21 =	vld.idx.msk [tilespmem:v21+s12+$0x0], $0xffff;
	v22 =	vmax.f32 v22, v15  }
0x1ee: {  	v22 =	vmax.f32 v22, v16  }
0x1ef: {  	v22 =	vmax.f32 v22, v17  }
0x1f0: {  	v22 =	vmax.f32 v22, v19  }
0x1f1: {  	v22 =	vmax.f32 v22, v20  }
0x1f2: {  	v22 =	vmax.f32 v22, v21  }
0x1f3: {  	v13 =	vsub.f32 v13, v22  }
0x1f4: {  	v14 =	vsub.f32 v14, v22  }
0x1f5: {  	v13 =	vmul.f32 $1.442695020e+00, v13  }
0x1f6: {  	v15 =	vsub.f32 v15, v22;
	v14 =	vmul.f32 $1.442695020e+00, v14  }
0x1f7: {  	(erf) = vpow2.f32 v13  }
0x1f8: {  	v13 =	vmul.f32 $1.442695020e+00, v15;
	(erf) = vpow2.f32 v14;
	v14 =	vsub.f32 v16, v22;
	_ =	sdelay $0x1  }
0x1f9: {  	(erf) = vpow2.f32 v13;
	v13 =	vmul.f32 $1.442695020e+00, v14;
	v14 =	vsub.f32 v17, v22;
	_ =	sdelay $0x1  }
0x1fa: {  	(erf) = vpow2.f32 v13;
	v13 =	vmul.f32 $1.442695020e+00, v14;
	v14 =	vsub.f32 v19, v22;
	_ =	sdelay $0x1  }
0x1fb: {  	(erf) = vpow2.f32 v13;
	v13 =	vmul.f32 $1.442695020e+00, v14;
	v14 =	vsub.f32 v20, v22;
	_ =	sdelay $0x1  }
0x1fc: {  	v15 =	vpop (erf);
	(erf) = vpow2.f32 v13;
	v13 =	vmul.f32 $1.442695020e+00, v14;
	v14 =	vsub.f32 v21, v22  }
0x1fd: {  	v16 =	vpop (erf)  }
0x1fe: {  	(erf) = vpow2.f32 v13;
	v13 =	vmul.f32 $1.442695020e+00, v14;
	v14 =	vadd.f32 v16, v15;
	_ =	sdelay $0x1  }
0x1ff: {  	v17 =	vpop (erf)  }
0x200: {  	(erf) = vpow2.f32 v13;
	v13 =	vadd.f32 v14, v17  }
0x201: {  	v14 =	vpop (erf)  }
0x202: {  	v13 =	vadd.f32 v13, v14  }
0x203: {  	v22 =	vpop (erf)  }
0x204: {  	v13 =	vadd.f32 v13, v22  }
0x205: {  	v23 =	vpop (erf)  }
0x206: {  	v13 =	vadd.f32 v13, v23  }
0x207: {  	v24 =	vpop (erf)  }
0x208: {  	v13 =	vadd.f32 v13, v24  }
0x209: {  	v26 =	vpop (erf)  }
0x20a: {  	v13 =	vadd.f32 v13, v26;
	_ =	sdelay $0x1  }
0x20b: {  	(erf) = vrcp.f32 v13;
	_ =	sdelay $0x4  }
0x20c: {  	s14 =	simm.s32 $0x0  }
0x20d: {  	v25 =	vadd.s32 $0x400, v18;
	v13 =	vadd.s32 s14, v2  }
0x20e: {  	v27 =	vadd.s32 $0x480, v18;
	v29 =	vadd.s32 $0x500, v18;
	v37 =	vand.u32 $0x78, v13  }
0x20f: {  	v33 =	vadd.s32 $0x580, v18;
	v38 =	vand.u32 $0x7, v13;
	v13 =	vadd.s32 v37, v25  }
0x210: {  	v31 =	vadd.s32 v18, v37;
	v30 =	vor.u32 v38, v13;
	v13 =	vadd.s32 v37, v27;
	v28 =	vpop (erf)  }
0x211: {  	v44 =	vor.u32 v38, v31;
	v21 =	vmul.f32 v28, v15;
	v20 =	vmul.f32 v28, v16  }
0x212: {  	v19 =	vmul.f32 v28, v17;
	v16 =	vmul.f32 v28, v22;
	v22 =	vor.u32 v38, v13  }
0x213: {  	v17 =	vmul.f32 v28, v14;
	v15 =	vmul.f32 v28, v23;
	v14 =	vadd.s32 v37, v29  }
0x214: {  	v13 =	vmul.f32 v28, v24;
	v24 =	vadd.s32 v37, v33;
	v23 =	vor.u32 v38, v14  }
0x215: {  	v32 =	vadd.s32 $0x780, v18;
	v14 =	vmul.f32 v28, v26;
	v26 =	vld.idx.msk [tilespmem:v30+s12+$0x0], $0xffff;
	v24 =	vor.u32 v38, v24  }
0x216: {  	v34 =	vadd.s32 $0x600, v18;
	v35 =	vadd.s32 $0x700, v18;
	v44 =	vld.idx.msk [tilespmem:v44+s12+$0x0], $0xffff;
	v28 =	vadd.s32 v37, v32  }
0x217: {  	v36 =	vadd.s32 $0x680, v18;
	v30 =	vadd.s32 v37, v34;
	v39 =	vor.u32 v38, v28;
	v22 =	vld.idx.msk [tilespmem:v22+s12+$0x0], $0xffff  }
0x218: {  	v31 =	vadd.s32 $0x180, v18;
	v40 =	vor.u32 v38, v30;
	v30 =	vadd.s32 v37, v35  }
0x219: {  	v60 =	vadd.s32 v37, v31;
	v42 =	vor.u32 v38, v30;
	v41 =	vld.idx.msk [tilespmem:v23+s12+$0x0], $0xffff;
	v23 =	vadd.s32 v37, v36  }
0x21a: {  	v28 =	vadd.s32 $0x80, v18;
	v45 =	vld.idx.msk [tilespmem:v24+s12+$0x0], $0xffff;
	v24 =	vmul.f32 $1.442695020e+00, v26;
	v43 =	vor.u32 v38, v23  }
0x21b: {  	v30 =	vadd.s32 $0x100, v18;
	v56 =	vmul.f32 v44, v44;
	v26 =	vadd.s32 v37, v28  }
0x21c: {  	v39 =	vld.idx.msk [tilespmem:v39+s12+$0x0], $0xffff;
	v46 =	vor.u32 v38, v26;
	(erf) = vpow2.f32 v24;
	v47 =	vmul.f32 $1.442695020e+00, v22  }
0x21d: {  	v44 =	vmul.f32 v44, v21;
	v23 =	vadd.s32 $0x200, v18;
	v26 =	vadd.s32 v37, v30;
	v40 =	vld.idx.msk [tilespmem:v40+s12+$0x0], $0xffff  }
0x21e: {  	v48 =	vor.u32 v38, v26;
	v42 =	vld.idx.msk [tilespmem:v42+s12+$0x0], $0xffff;
	v26 =	vmul.f32 $1.442695020e+00, v41;
	(erf) = vpow2.f32 v47  }
0x21f: {  	v24 =	vadd.s32 $0x280, v18;
	v41 =	vor.u32 v38, v60;
	v45 =	vmul.f32 $1.442695020e+00, v45;
	v43 =	vld.idx.msk [tilespmem:v43+s12+$0x0], $0xffff  }
0x220: {  	v61 =	vadd.s32 v37, v23;
	v63 =	vadd.s32 v37, v24;
	(erf) = vpow2.f32 v26  }
0x221: {  	v22 =	vadd.s32 $0x300, v18;
	v39 =	vmul.f32 $1.442695020e+00, v39;
	v46 =	vld.idx.msk [tilespmem:v46+s12+$0x0], $0xffff;
	(erf) = vpow2.f32 v45  }
0x222: {  	v52 =	vor.u32 v38, v63;
	v47 =	vor.u32 v38, v61;
	v40 =	vmul.f32 $1.442695020e+00, v40  }
0x223: {  	v55 =	vadd.s32 v37, v22;
	v62 =	vld.idx.msk [tilespmem:v48+s12+$0x0], $0xffff;
	v42 =	vmul.f32 $1.442695020e+00, v42;
	(erf) = vpow2.f32 v39  }
0x224: {  	v26 =	vadd.s32 $0x380, v18;
	(erf) = vpow2.f32 v40;
	v53 =	vld.idx.msk [tilespmem:v41+s12+$0x0], $0xffff;
	v43 =	vmul.f32 $1.442695020e+00, v43  }
0x225: {  	v57 =	vadd.s32 v37, v26;
	v41 =	vor.u32 v38, v55;
	(erf) = vpow2.f32 v42;
	v49 =	vpop (erf)  }
0x226: {  	v59 =	vmul.f32 v46, v46;
	v58 =	vadd.f32 v49, v56;
	(erf) = vpow2.f32 v43  }
0x227: {  	v44 =	vadd.f32 $0.0e+00, v44;
	v42 =	vor.u32 v38, v57;
	v46 =	vmul.f32 v46, v20;
	v43 =	vld.idx.msk [tilespmem:v47+s12+$0x0], $0xffff;
	v50 =	vpop (erf)  }
0x228: {  	v39 =	vld.idx.msk [tilespmem:v52+s12+$0x0], $0xffff;
	v60 =	vmul.f32 v62, v62;
	v47 =	vmul.f32 v58, v21;
	v48 =	vadd.f32 v50, v59  }
0x229: {  	v45 =	vmul.f32 v62, v19;
	v44 =	vadd.f32 v46, v44;
	v62 =	vmul.f32 v53, v53;
	v61 =	vpop (erf)  }
0x22a: {  	v41 =	vld.idx.msk [tilespmem:v41+s12+$0x0], $0xffff;
	v47 =	vadd.f32 $0.0e+00, v47;
	v49 =	vadd.f32 v61, v60;
	v54 =	vpop (erf);
	v63 =	vmul.f32 v48, v20  }
0x22b: {  	v40 =	vmul.f32 v53, v17;
	v44 =	vadd.f32 v45, v44;
	v48 =	vadd.f32 v54, v62  }
0x22c: {  	v42 =	vld.idx.msk [tilespmem:v42+s12+$0x0], $0xffff;
	v55 =	vmul.f32 v43, v43;
	v51 =	vpop (erf);
	v56 =	vmul.f32 v49, v19;
	v46 =	vadd.f32 v63, v47  }
0x22d: {  	v58 =	vmul.f32 v39, v39;
	v40 =	vadd.f32 v40, v44;
	v43 =	vmul.f32 v43, v16;
	v57 =	vpop (erf)  }
0x22e: {  	v47 =	vadd.f32 v57, v55;
	v59 =	vpop (erf);
	v60 =	vmul.f32 v48, v17;
	v45 =	vadd.f32 v56, v46  }
0x22f: {  	v39 =	vmul.f32 v39, v15;
	v62 =	vmul.f32 v41, v41;
	v40 =	vadd.f32 v43, v40;
	v61 =	vpop (erf)  }
0x230: {  	v63 =	vmul.f32 v47, v16;
	v46 =	vadd.f32 v61, v58;
	v44 =	vadd.f32 v60, v45  }
0x231: {  	v41 =	vmul.f32 v41, v13;
	v50 =	vmul.f32 v42, v42;
	v49 =	vadd.f32 v59, v62  }
0x232: {  	v39 =	vadd.f32 v39, v40;
	v52 =	vmul.f32 v46, v15;
	v43 =	vadd.f32 v63, v44  }
0x233: {  	v42 =	vmul.f32 v42, v14;
	v53 =	vadd.f32 v51, v50  }
0x234: {  	v39 =	vadd.f32 v41, v39;
	v54 =	vmul.f32 v49, v13;
	v40 =	vadd.f32 v52, v43;
	_ =	sdelay $0x1  }
0x235: {  	v55 =	vmul.f32 v53, v14;
	v39 =	vadd.f32 v42, v39;
	v40 =	vadd.f32 v54, v40;
	_ =	sdelay $0x1  }
0x236: {  	v56 =	vmul.f32 v39, v39;
	v40 =	vadd.f32 v55, v40;
	_ =	sdelay $0x1  }
0x237: {  	v40 =	vsub.f32 v40, v56;
	_ =	sdelay $0x1  }
0x238: {  	v41 =	vmax.f32 v40, $9.999999970e-07  }
0x239: {  	v40 =	vand.u32 $0x7FFFFF, v41  }
0x23a: {  	v40 =	vor.u32 $0x3F800000, v40  }
0x23b: {  	v57 =	vmul.f32 $5.000000000e-01, v40  }
0x23c: {  	vm0 =	vgt.f32 v40, $1.414213540e+00  }
0x23d: {  	v40 =	vsel vm0, v57, v40  }
0x23e: {  	v42 =	vadd.f32 $1.000000000e+00, v40;
	_ =	sdelay $0x1  }
0x23f: {  	(erf) = vrcp.f32 v42;
	_ =	sdelay $0x7  }
0x240: {  	v40 =	vadd.f32 $-1.000000000e+00, v40  }
0x241: {  	v42 =	vpop (erf)  }
0x242: {  	v40 =	vmul.f32 v42, v40;
	_ =	sdelay $0x1  }
0x243: {  	v58 =	vmul.f32 v40, v40;
	_ =	sdelay $0x1  }
0x244: {  	v59 =	vmul.f32 $1.428571490e-01, v58;
	_ =	sdelay $0x1  }
0x245: {  	v42 =	vadd.f32 $2.000000030e-01, v59;
	_ =	sdelay $0x1  }
0x246: {  	v42 =	vmul.f32 v42, v58;
	_ =	sdelay $0x1  }
0x247: {  	v60 =	vadd.f32 $3.333333430e-01, v42  }
0x248: {  	s14 =	simm.s32 $0x1;
	v61 =	vor.u32 v38, v37;
	v62 =	vshra.s32 v41, $0x17  }
0x249: {  	v63 =	vsel vm0, $0xFFFFFF82, v12;
	v42 =	vadd.s32 s14, v2;
	v38 =	vmul.f32 v60, v58  }
0x24a: {  	v41 =	vor.u32 v11, v61;
	v43 =	vadd.s32 v62, v63;
	s14 =	simm.s32 $0x2;
	v37 =	vand.u32 $0x78, v42  }
.LBB2_10:
0x24b: {  	p1 =	sne.s32 s14, $0x7F;
	v40 =	vadd.f32 v40, v40;
	v44 =	vadd.f32 $1.000000000e+00, v38;
	v43 =	vcvt.s32.f32 v43  }
0x24c: {  	v38 =	vand.u32 $0x7, v42;
	v42 =	vadd.s32 v37, v25  }
0x24d: {  	v42 =	vor.u32 v38, v42;
	v40 =	vmul.f32 v44, v40;
	v43 =	vmul.f32 $6.931471820e-01, v43  }
0x24e: {  	v44 =	vadd.s32 v37, v27  }
0x24f: {  	v45 =	vadd.s32 v37, v29;
	v44 =	vor.u32 v38, v44;
	v40 =	vadd.f32 v40, v43  }
0x250: {  	v43 =	vor.u32 v38, v45;
	[tilespmem:v41+s19+$0x0] =	vst.idx.msk $0xffff, v39  }
0x251: {  	v39 =	vadd.s32 v37, v33;
	[tilespmem:v41+s20+$0x0] =	vst.idx.msk $0xffff, v40  }
0x252: {  	v39 =	vor.u32 v38, v39;
	v41 =	vadd.s32 v37, v32;
	v40 =	vld.idx.msk [tilespmem:v42+s12+$0x0], $0xffff  }
0x253: {  	v42 =	vadd.s32 v37, v34;
	v41 =	vor.u32 v38, v41  }
0x254: {  	v45 =	vadd.s32 v37, v35;
	v42 =	vor.u32 v38, v42;
	v44 =	vld.idx.msk [tilespmem:v44+s12+$0x0], $0xffff  }
0x255: {  	v46 =	vadd.s32 v37, v36;
	v45 =	vor.u32 v38, v45;
	v43 =	vld.idx.msk [tilespmem:v43+s12+$0x0], $0xffff  }
0x256: {  	v47 =	vadd.s32 v18, v37;
	v46 =	vor.u32 v38, v46  }
0x257: {  	v47 =	vor.u32 v38, v47;
	v39 =	vld.idx.msk [tilespmem:v39+s12+$0x0], $0xffff  }
0x258: {  	v48 =	vadd.s32 v37, v28;
	v40 =	vmul.f32 $1.442695020e+00, v40;
	v41 =	vld.idx.msk [tilespmem:v41+s12+$0x0], $0xffff  }
0x259: {  	v49 =	vadd.s32 v37, v30;
	v48 =	vor.u32 v38, v48;
	v42 =	vld.idx.msk [tilespmem:v42+s12+$0x0], $0xffff  }
0x25a: {  	v49 =	vor.u32 v38, v49;
	v44 =	vmul.f32 $1.442695020e+00, v44;
	v45 =	vld.idx.msk [tilespmem:v45+s12+$0x0], $0xffff;
	(erf) = vpow2.f32 v40  }
0x25b: {  	v40 =	vmul.f32 $1.442695020e+00, v43;
	v43 =	vadd.s32 v37, v31;
	v46 =	vld.idx.msk [tilespmem:v46+s12+$0x0], $0xffff  }
0x25c: {  	v43 =	vor.u32 v38, v43;
	v47 =	vld.idx.msk [tilespmem:v47+s12+$0x0], $0xffff;
	(erf) = vpow2.f32 v44  }
0x25d: {  	v39 =	vmul.f32 $1.442695020e+00, v39;
	v44 =	vadd.s32 v37, v23;
	(erf) = vpow2.f32 v40  }
0x25e: {  	v44 =	vor.u32 v38, v44;
	v41 =	vmul.f32 $1.442695020e+00, v41;
	v40 =	vld.idx.msk [tilespmem:v48+s12+$0x0], $0xffff;
	v48 =	vadd.s32 v37, v26  }
0x25f: {  	v50 =	vadd.s32 v37, v24;
	v42 =	vmul.f32 $1.442695020e+00, v42;
	v49 =	vld.idx.msk [tilespmem:v49+s12+$0x0], $0xffff;
	(erf) = vpow2.f32 v39  }
0x260: {  	v39 =	vor.u32 v38, v50;
	v45 =	vmul.f32 $1.442695020e+00, v45;
	(erf) = vpow2.f32 v41  }
0x261: {  	v41 =	vld.idx.msk [tilespmem:v43+s12+$0x0], $0xffff;
	v43 =	vmul.f32 $1.442695020e+00, v46;
	v46 =	vadd.s32 v37, v22;
	(erf) = vpow2.f32 v42  }
0x262: {  	v42 =	vmul.f32 v47, v47;
	v46 =	vor.u32 v38, v46;
	(erf) = vpow2.f32 v45  }
0x263: {  	v45 =	vor.u32 v38, v48;
	v44 =	vld.idx.msk [tilespmem:v44+s12+$0x0], $0xffff;
	v48 =	vpop (erf);
	(erf) = vpow2.f32 v43  }
0x264: {  	v43 =	vmul.f32 v47, v21;
	v47 =	vmul.f32 v40, v40;
	v42 =	vadd.f32 v48, v42  }
0x265: {  	v40 =	vmul.f32 v40, v20;
	v48 =	vmul.f32 v49, v49;
	v39 =	vld.idx.msk [tilespmem:v39+s12+$0x0], $0xffff;
	v50 =	vpop (erf)  }
0x266: {  	v43 =	vadd.f32 $0.0e+00, v43;
	v42 =	vmul.f32 v42, v21;
	v54 =	vadd.f32 v50, v47;
	v50 =	vpop (erf)  }
0x267: {  	v49 =	vmul.f32 v49, v19;
	v52 =	vadd.f32 v50, v48;
	v50 =	vmul.f32 v41, v41;
	v46 =	vld.idx.msk [tilespmem:v46+s12+$0x0], $0xffff  }
0x268: {  	v40 =	vadd.f32 v40, v43;
	v42 =	vadd.f32 $0.0e+00, v42;
	v43 =	vmul.f32 v54, v20;
	v47 =	vpop (erf)  }
0x269: {  	v41 =	vmul.f32 v41, v17;
	v53 =	vmul.f32 v44, v44;
	v47 =	vadd.f32 v47, v50;
	v45 =	vld.idx.msk [tilespmem:v45+s12+$0x0], $0xffff;
	v51 =	vpop (erf)  }
0x26a: {  	v40 =	vadd.f32 v49, v40;
	v52 =	vmul.f32 v52, v19;
	v42 =	vadd.f32 v43, v42;
	v48 =	vpop (erf)  }
0x26b: {  	v44 =	vmul.f32 v44, v16;
	v49 =	vmul.f32 v39, v39;
	v48 =	vadd.f32 v48, v53;
	v50 =	vpop (erf)  }
0x26c: {  	v40 =	vadd.f32 v41, v40;
	v41 =	vmul.f32 v47, v17;
	v42 =	vadd.f32 v52, v42;
	v43 =	vpop (erf)  }
0x26d: {  	v39 =	vmul.f32 v39, v15;
	v47 =	vmul.f32 v46, v46;
	v43 =	vadd.f32 v43, v49  }
0x26e: {  	v40 =	vadd.f32 v44, v40;
	v41 =	vadd.f32 v41, v42;
	v42 =	vmul.f32 v48, v16  }
0x26f: {  	v44 =	vmul.f32 v46, v13;
	v46 =	vadd.f32 v50, v47;
	v47 =	vmul.f32 v45, v45  }
0x270: {  	v39 =	vadd.f32 v39, v40;
	v40 =	vmul.f32 v43, v15;
	v41 =	vadd.f32 v42, v41  }
0x271: {  	v42 =	vmul.f32 v45, v14;
	v43 =	vadd.f32 v51, v47  }
0x272: {  	v39 =	vadd.f32 v44, v39;
	v40 =	vadd.f32 v40, v41;
	v41 =	vmul.f32 v46, v13;
	_ =	sdelay $0x1  }
0x273: {  	v39 =	vadd.f32 v42, v39;
	v40 =	vadd.f32 v41, v40;
	v41 =	vmul.f32 v43, v14;
	_ =	sdelay $0x1  }
0x274: {  	v40 =	vadd.f32 v41, v40;
	v41 =	vmul.f32 v39, v39;
	_ =	sdelay $0x1  }
0x275: {  	v40 =	vsub.f32 v40, v41;
	_ =	sdelay $0x1  }
0x276: {  	v41 =	vmax.f32 v40, $9.999999970e-07  }
0x277: {  	v40 =	vand.u32 $0x7FFFFF, v41  }
0x278: {  	v40 =	vor.u32 $0x3F800000, v40  }
0x279: {  	v42 =	vmul.f32 $5.000000000e-01, v40  }
0x27a: {  	vm0 =	vgt.f32 v40, $1.414213540e+00  }
0x27b: {  	v40 =	vsel vm0, v42, v40  }
0x27c: {  	v42 =	vadd.f32 $1.000000000e+00, v40;
	_ =	sdelay $0x1  }
0x27d: {  	(erf) = vrcp.f32 v42;
	_ =	sdelay $0x7  }
0x27e: {  	v40 =	vadd.f32 $-1.000000000e+00, v40  }
0x27f: {  	v42 =	vpop (erf)  }
0x280: {  	v40 =	vmul.f32 v42, v40;
	_ =	sdelay $0x1  }
0x281: {  	v43 =	vmul.f32 v40, v40;
	_ =	sdelay $0x1  }
0x282: {  	v42 =	vmul.f32 $1.428571490e-01, v43;
	_ =	sdelay $0x1  }
0x283: {  	v42 =	vadd.f32 $2.000000030e-01, v42;
	_ =	sdelay $0x1  }
0x284: {  	v42 =	vmul.f32 v42, v43  }
.Ltmp13:
0x285: {  	(pc) =	sbr.rel @p1 .LBB2_10-.Ltmp13, $4  }
0x286: {  	v44 =	vadd.f32 $3.333333430e-01, v42  }
0x287: {  	v45 =	vor.u32 v38, v37;
	v42 =	vadd.s32 s14, v2  }
0x288: {  	v46 =	vshra.s32 v41, $0x17;
	v47 =	vsel vm0, $0xFFFFFF82, v12;
	v38 =	vmul.f32 v44, v43  }
0x289: {  	v41 =	vor.u32 v11, v45;
	s14 =	sadd.s32 $0x1, s14;
	v37 =	vand.u32 $0x78, v42;
	v43 =	vadd.s32 v46, v47  }
0x28a: {  	v40 =	vadd.f32 v40, v40;
	v44 =	vadd.f32 $1.000000000e+00, v38;
	v43 =	vcvt.s32.f32 v43  }
0x28b: {  	v38 =	vand.u32 $0x7, v42;
	v25 =	vadd.s32 v37, v25  }
0x28c: {  	v25 =	vor.u32 v38, v25;
	v40 =	vmul.f32 v44, v40;
	v49 =	vmul.f32 $6.931471820e-01, v43  }
0x28d: {  	v27 =	vadd.s32 v37, v27  }
0x28e: {  	v27 =	vor.u32 v38, v27;
	v40 =	vadd.f32 v40, v49  }
0x28f: {  	v29 =	vadd.s32 v37, v29;
	[tilespmem:v41+s19+$0x0] =	vst.idx.msk $0xffff, v39  }
0x290: {  	v33 =	vadd.s32 v37, v33;
	v29 =	vor.u32 v38, v29;
	[tilespmem:v41+s20+$0x0] =	vst.idx.msk $0xffff, v40  }
0x291: {  	v32 =	vadd.s32 v37, v32;
	v33 =	vor.u32 v38, v33;
	v25 =	vld.idx.msk [tilespmem:v25+s12+$0x0], $0xffff  }
0x292: {  	v34 =	vadd.s32 v37, v34;
	v32 =	vor.u32 v38, v32  }
0x293: {  	v35 =	vadd.s32 v37, v35;
	v34 =	vor.u32 v38, v34;
	v27 =	vld.idx.msk [tilespmem:v27+s12+$0x0], $0xffff  }
0x294: {  	v36 =	vadd.s32 v37, v36;
	v35 =	vor.u32 v38, v35  }
0x295: {  	v18 =	vadd.s32 v18, v37;
	v36 =	vor.u32 v38, v36;
	v29 =	vld.idx.msk [tilespmem:v29+s12+$0x0], $0xffff  }
0x296: {  	v18 =	vor.u32 v38, v18;
	v33 =	vld.idx.msk [tilespmem:v33+s12+$0x0], $0xffff;
	v25 =	vmul.f32 $1.442695020e+00, v25  }
0x297: {  	v28 =	vadd.s32 v37, v28;
	v32 =	vld.idx.msk [tilespmem:v32+s12+$0x0], $0xffff  }
0x298: {  	v28 =	vor.u32 v38, v28;
	v34 =	vld.idx.msk [tilespmem:v34+s12+$0x0], $0xffff;
	v27 =	vmul.f32 $1.442695020e+00, v27;
	(erf) = vpow2.f32 v25  }
0x299: {  	v30 =	vadd.s32 v37, v30;
	v31 =	vadd.s32 v37, v31;
	v51 =	vld.idx.msk [tilespmem:v35+s12+$0x0], $0xffff  }
0x29a: {  	v50 =	vor.u32 v38, v30;
	v52 =	vld.idx.msk [tilespmem:v36+s12+$0x0], $0xffff;
	v29 =	vmul.f32 $1.442695020e+00, v29;
	(erf) = vpow2.f32 v27  }
0x29b: {  	v23 =	vadd.s32 v37, v23;
	v53 =	vor.u32 v38, v31;
	v18 =	vld.idx.msk [tilespmem:v18+s12+$0x0], $0xffff  }
0x29c: {  	v24 =	vadd.s32 v37, v24;
	v54 =	vmul.f32 $1.442695020e+00, v33;
	(erf) = vpow2.f32 v29  }
0x29d: {  	v23 =	vor.u32 v38, v23;
	v28 =	vld.idx.msk [tilespmem:v28+s12+$0x0], $0xffff;
	v55 =	vmul.f32 $1.442695020e+00, v32;
	v56 =	vmul.f32 $1.442695020e+00, v34  }
0x29e: {  	v22 =	vadd.s32 v37, v22;
	v30 =	vmul.f32 $1.442695020e+00, v51;
	(erf) = vpow2.f32 v54  }
0x29f: {  	v24 =	vor.u32 v38, v24;
	v57 =	vmul.f32 $1.442695020e+00, v52;
	v25 =	vld.idx.msk [tilespmem:v50+s12+$0x0], $0xffff;
	(erf) = vpow2.f32 v55  }
0x2a0: {  	v26 =	vadd.s32 v37, v26;
	v58 =	vmul.f32 v18, v18;
	v27 =	vld.idx.msk [tilespmem:v53+s12+$0x0], $0xffff;
	(erf) = vpow2.f32 v56  }
0x2a1: {  	v22 =	vor.u32 v38, v22;
	v18 =	vmul.f32 v18, v21;
	(erf) = vpow2.f32 v30;
	v59 =	vpop (erf)  }
0x2a2: {  	v23 =	vld.idx.msk [tilespmem:v23+s12+$0x0], $0xffff;
	v61 =	vmul.f32 v28, v28;
	(erf) = vpow2.f32 v57;
	v60 =	vadd.f32 v59, v58  }
0x2a3: {  	v26 =	vor.u32 v38, v26;
	v28 =	vmul.f32 v28, v20;
	v18 =	vadd.f32 $0.0e+00, v18;
	v63 =	vpop (erf)  }
0x2a4: {  	v24 =	vld.idx.msk [tilespmem:v24+s12+$0x0], $0xffff;
	v62 =	vmul.f32 v25, v25;
	v35 =	vadd.f32 v63, v61;
	v34 =	vmul.f32 v60, v21  }
0x2a5: {  	v18 =	vadd.f32 v28, v18;
	v25 =	vmul.f32 v25, v19;
	v39 =	vmul.f32 v27, v27;
	v36 =	vpop (erf)  }
0x2a6: {  	v22 =	vld.idx.msk [tilespmem:v22+s12+$0x0], $0xffff;
	v30 =	vadd.f32 v36, v62;
	v40 =	vmul.f32 v35, v20;
	v21 =	vadd.f32 $0.0e+00, v34  }
0x2a7: {  	v42 =	vmul.f32 v23, v23;
	v27 =	vmul.f32 v27, v17;
	v18 =	vadd.f32 v25, v18;
	v41 =	vpop (erf)  }
0x2a8: {  	v26 =	vld.idx.msk [tilespmem:v26+s12+$0x0], $0xffff;
	v28 =	vadd.f32 v41, v39;
	v43 =	vpop (erf);
	v44 =	vmul.f32 v30, v19;
	v20 =	vadd.f32 v40, v21  }
0x2a9: {  	v23 =	vmul.f32 v23, v16;
	v46 =	vmul.f32 v24, v24;
	v18 =	vadd.f32 v27, v18;
	v45 =	vpop (erf)  }
0x2aa: {  	v47 =	vpop (erf);
	v48 =	vmul.f32 v28, v17;
	v21 =	vadd.f32 v45, v42;
	v19 =	vadd.f32 v44, v20  }
0x2ab: {  	v24 =	vmul.f32 v24, v15;
	v50 =	vmul.f32 v22, v22;
	v18 =	vadd.f32 v23, v18;
	v49 =	vpop (erf)  }
0x2ac: {  	v51 =	vmul.f32 v21, v16;
	v20 =	vadd.f32 v49, v46;
	v17 =	vadd.f32 v48, v19  }
0x2ad: {  	v52 =	vmul.f32 v22, v13;
	v54 =	vmul.f32 v26, v26;
	v55 =	vadd.f32 v24, v18  }
0x2ae: {  	v53 =	vadd.f32 v47, v50;
	v15 =	vmul.f32 v20, v15;
	v16 =	vadd.f32 v51, v17  }
0x2af: {  	v56 =	vmul.f32 v26, v14;
	v57 =	vadd.f32 v43, v54  }
0x2b0: {  	v58 =	vadd.f32 v52, v55;
	v13 =	vmul.f32 v53, v13;
	v15 =	vadd.f32 v15, v16;
	_ =	sdelay $0x1  }
0x2b1: {  	v14 =	vmul.f32 v57, v14;
	v13 =	vadd.f32 v13, v15;
	v15 =	vadd.f32 v56, v58;
	_ =	sdelay $0x1  }
0x2b2: {  	v13 =	vadd.f32 v14, v13;
	v14 =	vmul.f32 v15, v15;
	_ =	sdelay $0x1  }
0x2b3: {  	v13 =	vsub.f32 v13, v14;
	_ =	sdelay $0x1  }
0x2b4: {  	v13 =	vmax.f32 v13, $9.999999970e-07  }
0x2b5: {  	v14 =	vand.u32 $0x7FFFFF, v13  }
0x2b6: {  	v14 =	vor.u32 $0x3F800000, v14  }
0x2b7: {  	v59 =	vmul.f32 $5.000000000e-01, v14  }
0x2b8: {  	vm0 =	vgt.f32 v14, $1.414213540e+00  }
0x2b9: {  	v14 =	vsel vm0, v59, v14  }
0x2ba: {  	v16 =	vadd.f32 $1.000000000e+00, v14;
	_ =	sdelay $0x1  }
0x2bb: {  	(erf) = vrcp.f32 v16;
	_ =	sdelay $0x7  }
0x2bc: {  	v14 =	vadd.f32 $-1.000000000e+00, v14  }
0x2bd: {  	v16 =	vpop (erf)  }
0x2be: {  	v14 =	vmul.f32 v16, v14;
	_ =	sdelay $0x1  }
0x2bf: {  	v16 =	vmul.f32 v14, v14;
	_ =	sdelay $0x1  }
0x2c0: {  	v60 =	vmul.f32 $1.428571490e-01, v16;
	_ =	sdelay $0x1  }
0x2c1: {  	v17 =	vadd.f32 $2.000000030e-01, v60;
	_ =	sdelay $0x1  }
0x2c2: {  	v17 =	vmul.f32 v17, v16;
	_ =	sdelay $0x1  }
0x2c3: {  	v17 =	vadd.f32 $3.333333430e-01, v17  }
0x2c4: {  	v61 =	vor.u32 v38, v37  }
0x2c5: {  	v13 =	vshra.s32 v13, $0x17;
	v62 =	vsel vm0, $0xFFFFFF82, v12;
	v16 =	vmul.f32 v17, v16  }
0x2c6: {  	v63 =	vor.u32 v11, v61;
	v13 =	vadd.s32 v13, v62  }
0x2c7: {  	v13 =	vcvt.s32.f32 v13;
	v14 =	vadd.f32 v14, v14;
	v16 =	vadd.f32 $1.000000000e+00, v16;
	_ =	sdelay $0x1  }
0x2c8: {  	v13 =	vmul.f32 $6.931471820e-01, v13;
	v14 =	vmul.f32 v16, v14;
	_ =	sdelay $0x1  }
0x2c9: {  	v13 =	vadd.f32 v14, v13  }
0x2ca: {  	[tilespmem:v63+s19+$0x0] =	vst.idx.msk $0xffff, v15  }
0x2cb: {  	[tilespmem:v63+s20+$0x0] =	vst.idx.msk $0xffff, v13  }
0x2cc: {  	v13 =	vld [tilespmem:s2+$0x14A10];
	_ =	sdelay $0x4  }
0x2cd: {  	[tilespmem:$0x1FC40] =	vst v13  }
0x2ce: {  	[hbm4b:s1+s21] =	stream.indirect.scatter [tilespmem:s19], [sflag:$0x1], $0x80, s22, s21, $0xb8;
	[tilespmem:$0x1FC60] =	vst v63  }
0x2cf: {  	_ = 	snop  }
0x2d0: {  	[hbm4b:s3+s21] =	stream.indirect.scatter [tilespmem:s20], [sflag:$0x1], $0x80, s22, s21, $0xb8;
	[tilespmem:$0x1FC60] =	vst v63  }
.LBB2_12:
0x2d1: {  	s0 =	sor.u32 $0x1, s0  }
0x2d2: {  	p1 =	sge.s32 s0, s29  }
.Ltmp14:
0x2d3: {  	_ = 	snop;
	(pc) =	sbr.rel @p1 .LBB2_16-.Ltmp14, $1  }
0x2d4: {  	_ =	sdelay $0x3  }
0x2d5: {  	s2 =	simm.s32 @!p0 $0x2  }
0x2d6: {  	_ =	swait.ge @!p0 [sflag:s2], $0x800  }
0x2d7: {  	[sflag:s2] =	ssyncset.done @!p0 $0x0  }
0x2d8: {  	[sflag:s2] =	ssyncadd.s32 @!p0 $0xFFFFF800  }
0x2d9: {  	_ =	swait.ge @!p0 [sflag:s2], $0x800  }
0x2da: {  	[sflag:s2] =	ssyncset.done @!p0 $0x0  }
0x2db: {  	s0 =	sshll.u32 s0, $0x4;
	[sflag:s2] =	ssyncadd.s32 @!p0 $0xFFFFF800  }
0x2dc: {  	v13 =	vld [tilespmem:s0+$0x18A20];
	_ =	sdelay $0x4  }
0x2dd: {  	v18 =	vmul.u32 $0x810, v13;
	_ =	sdelay $0x1  }
0x2de: {  	v13 =	vadd.s32 $0x800, v18  }
0x2df: {  	v14 =	vadd.s32 $0x801, v18  }
0x2e0: {  	v15 =	vadd.s32 $0x802, v18  }
0x2e1: {  	v16 =	vadd.s32 $0x803, v18  }
0x2e2: {  	v17 =	vadd.s32 $0x804, v18  }
0x2e3: {  	v19 =	vadd.s32 $0x805, v18;
	v13 =	vld.idx.msk [tilespmem:v13+s12+$0x0], $0xffff  }
0x2e4: {  	v20 =	vadd.s32 $0x806, v18;
	v14 =	vld.idx.msk [tilespmem:v14+s12+$0x0], $0xffff  }
0x2e5: {  	v21 =	vadd.s32 $0x807, v18;
	v15 =	vld.idx.msk [tilespmem:v15+s12+$0x0], $0xffff  }
0x2e6: {  	v16 =	vld.idx.msk [tilespmem:v16+s12+$0x0], $0xffff  }
0x2e7: {  	v17 =	vld.idx.msk [tilespmem:v17+s12+$0x0], $0xffff  }
0x2e8: {  	v19 =	vld.idx.msk [tilespmem:v19+s12+$0x0], $0xffff  }
0x2e9: {  	v20 =	vld.idx.msk [tilespmem:v20+s12+$0x0], $0xffff;
	v22 =	vmax.f32 v13, v14  }
0x2ea: {  	v21 =	vld.idx.msk [tilespmem:v21+s12+$0x0], $0xffff;
	v22 =	vmax.f32 v22, v15  }
0x2eb: {  	v22 =	vmax.f32 v22, v16  }
0x2ec: {  	v22 =	vmax.f32 v22, v17  }
0x2ed: {  	v22 =	vmax.f32 v22, v19  }
0x2ee: {  	v22 =	vmax.f32 v22, v20  }
0x2ef: {  	v22 =	vmax.f32 v22, v21  }
0x2f0: {  	v13 =	vsub.f32 v13, v22  }
0x2f1: {  	v14 =	vsub.f32 v14, v22  }
0x2f2: {  	v13 =	vmul.f32 $1.442695020e+00, v13  }
0x2f3: {  	v15 =	vsub.f32 v15, v22;
	v14 =	vmul.f32 $1.442695020e+00, v14  }
0x2f4: {  	(erf) = vpow2.f32 v13  }
0x2f5: {  	v13 =	vmul.f32 $1.442695020e+00, v15;
	(erf) = vpow2.f32 v14;
	v14 =	vsub.f32 v16, v22;
	_ =	sdelay $0x1  }
0x2f6: {  	(erf) = vpow2.f32 v13;
	v13 =	vmul.f32 $1.442695020e+00, v14;
	v14 =	vsub.f32 v17, v22;
	_ =	sdelay $0x1  }
0x2f7: {  	(erf) = vpow2.f32 v13;
	v13 =	vmul.f32 $1.442695020e+00, v14;
	v14 =	vsub.f32 v19, v22;
	_ =	sdelay $0x1  }
0x2f8: {  	(erf) = vpow2.f32 v13;
	v13 =	vmul.f32 $1.442695020e+00, v14;
	v14 =	vsub.f32 v20, v22;
	_ =	sdelay $0x1  }
0x2f9: {  	v15 =	vpop (erf);
	(erf) = vpow2.f32 v13;
	v13 =	vmul.f32 $1.442695020e+00, v14;
	v14 =	vsub.f32 v21, v22  }
0x2fa: {  	v16 =	vpop (erf)  }
0x2fb: {  	(erf) = vpow2.f32 v13;
	v13 =	vmul.f32 $1.442695020e+00, v14;
	v14 =	vadd.f32 v16, v15;
	_ =	sdelay $0x1  }
0x2fc: {  	v17 =	vpop (erf)  }
0x2fd: {  	(erf) = vpow2.f32 v13;
	v13 =	vadd.f32 v14, v17  }
0x2fe: {  	v14 =	vpop (erf)  }
0x2ff: {  	v13 =	vadd.f32 v13, v14  }
0x300: {  	v22 =	vpop (erf)  }
0x301: {  	v13 =	vadd.f32 v13, v22  }
0x302: {  	v23 =	vpop (erf)  }
0x303: {  	v13 =	vadd.f32 v13, v23  }
0x304: {  	v24 =	vpop (erf)  }
0x305: {  	v13 =	vadd.f32 v13, v24  }
0x306: {  	v26 =	vpop (erf)  }
0x307: {  	v13 =	vadd.f32 v13, v26;
	_ =	sdelay $0x1  }
0x308: {  	(erf) = vrcp.f32 v13;
	_ =	sdelay $0x4  }
0x309: {  	s14 =	simm.s32 $0x0  }
0x30a: {  	v25 =	vadd.s32 $0x400, v18;
	v13 =	vadd.s32 s14, v2  }
0x30b: {  	v27 =	vadd.s32 $0x480, v18;
	v29 =	vadd.s32 $0x500, v18;
	v37 =	vand.u32 $0x78, v13  }
0x30c: {  	v33 =	vadd.s32 $0x580, v18;
	v38 =	vand.u32 $0x7, v13;
	v13 =	vadd.s32 v37, v25  }
0x30d: {  	v31 =	vadd.s32 v18, v37;
	v30 =	vor.u32 v38, v13;
	v13 =	vadd.s32 v37, v27;
	v28 =	vpop (erf)  }
0x30e: {  	v44 =	vor.u32 v38, v31;
	v21 =	vmul.f32 v28, v15;
	v20 =	vmul.f32 v28, v16  }
0x30f: {  	v19 =	vmul.f32 v28, v17;
	v16 =	vmul.f32 v28, v22;
	v22 =	vor.u32 v38, v13  }
0x310: {  	v17 =	vmul.f32 v28, v14;
	v15 =	vmul.f32 v28, v23;
	v14 =	vadd.s32 v37, v29  }
0x311: {  	v13 =	vmul.f32 v28, v24;
	v24 =	vadd.s32 v37, v33;
	v23 =	vor.u32 v38, v14  }
0x312: {  	v32 =	vadd.s32 $0x780, v18;
	v14 =	vmul.f32 v28, v26;
	v26 =	vld.idx.msk [tilespmem:v30+s12+$0x0], $0xffff;
	v24 =	vor.u32 v38, v24  }
0x313: {  	v34 =	vadd.s32 $0x600, v18;
	v35 =	vadd.s32 $0x700, v18;
	v44 =	vld.idx.msk [tilespmem:v44+s12+$0x0], $0xffff;
	v28 =	vadd.s32 v37, v32  }
0x314: {  	v36 =	vadd.s32 $0x680, v18;
	v30 =	vadd.s32 v37, v34;
	v39 =	vor.u32 v38, v28;
	v22 =	vld.idx.msk [tilespmem:v22+s12+$0x0], $0xffff  }
0x315: {  	v31 =	vadd.s32 $0x180, v18;
	v40 =	vor.u32 v38, v30;
	v30 =	vadd.s32 v37, v35  }
0x316: {  	v60 =	vadd.s32 v37, v31;
	v42 =	vor.u32 v38, v30;
	v41 =	vld.idx.msk [tilespmem:v23+s12+$0x0], $0xffff;
	v23 =	vadd.s32 v37, v36  }
0x317: {  	v28 =	vadd.s32 $0x80, v18;
	v45 =	vld.idx.msk [tilespmem:v24+s12+$0x0], $0xffff;
	v24 =	vmul.f32 $1.442695020e+00, v26;
	v43 =	vor.u32 v38, v23  }
0x318: {  	v30 =	vadd.s32 $0x100, v18;
	v56 =	vmul.f32 v44, v44;
	v26 =	vadd.s32 v37, v28  }
0x319: {  	v39 =	vld.idx.msk [tilespmem:v39+s12+$0x0], $0xffff;
	v46 =	vor.u32 v38, v26;
	(erf) = vpow2.f32 v24;
	v47 =	vmul.f32 $1.442695020e+00, v22  }
0x31a: {  	v44 =	vmul.f32 v44, v21;
	v23 =	vadd.s32 $0x200, v18;
	v26 =	vadd.s32 v37, v30;
	v40 =	vld.idx.msk [tilespmem:v40+s12+$0x0], $0xffff  }
0x31b: {  	v48 =	vor.u32 v38, v26;
	v42 =	vld.idx.msk [tilespmem:v42+s12+$0x0], $0xffff;
	v26 =	vmul.f32 $1.442695020e+00, v41;
	(erf) = vpow2.f32 v47  }
0x31c: {  	v24 =	vadd.s32 $0x280, v18;
	v41 =	vor.u32 v38, v60;
	v45 =	vmul.f32 $1.442695020e+00, v45;
	v43 =	vld.idx.msk [tilespmem:v43+s12+$0x0], $0xffff  }
0x31d: {  	v61 =	vadd.s32 v37, v23;
	v63 =	vadd.s32 v37, v24;
	(erf) = vpow2.f32 v26  }
0x31e: {  	v22 =	vadd.s32 $0x300, v18;
	v39 =	vmul.f32 $1.442695020e+00, v39;
	v46 =	vld.idx.msk [tilespmem:v46+s12+$0x0], $0xffff;
	(erf) = vpow2.f32 v45  }
0x31f: {  	v52 =	vor.u32 v38, v63;
	v47 =	vor.u32 v38, v61;
	v40 =	vmul.f32 $1.442695020e+00, v40  }
0x320: {  	v55 =	vadd.s32 v37, v22;
	v62 =	vld.idx.msk [tilespmem:v48+s12+$0x0], $0xffff;
	v42 =	vmul.f32 $1.442695020e+00, v42;
	(erf) = vpow2.f32 v39  }
0x321: {  	v26 =	vadd.s32 $0x380, v18;
	(erf) = vpow2.f32 v40;
	v53 =	vld.idx.msk [tilespmem:v41+s12+$0x0], $0xffff;
	v43 =	vmul.f32 $1.442695020e+00, v43  }
0x322: {  	v57 =	vadd.s32 v37, v26;
	v41 =	vor.u32 v38, v55;
	(erf) = vpow2.f32 v42;
	v49 =	vpop (erf)  }
0x323: {  	v59 =	vmul.f32 v46, v46;
	v58 =	vadd.f32 v49, v56;
	(erf) = vpow2.f32 v43  }
0x324: {  	v44 =	vadd.f32 $0.0e+00, v44;
	v42 =	vor.u32 v38, v57;
	v46 =	vmul.f32 v46, v20;
	v43 =	vld.idx.msk [tilespmem:v47+s12+$0x0], $0xffff;
	v50 =	vpop (erf)  }
0x325: {  	v39 =	vld.idx.msk [tilespmem:v52+s12+$0x0], $0xffff;
	v60 =	vmul.f32 v62, v62;
	v47 =	vmul.f32 v58, v21;
	v48 =	vadd.f32 v50, v59  }
0x326: {  	v45 =	vmul.f32 v62, v19;
	v44 =	vadd.f32 v46, v44;
	v62 =	vmul.f32 v53, v53;
	v61 =	vpop (erf)  }
0x327: {  	v41 =	vld.idx.msk [tilespmem:v41+s12+$0x0], $0xffff;
	v47 =	vadd.f32 $0.0e+00, v47;
	v49 =	vadd.f32 v61, v60;
	v54 =	vpop (erf);
	v63 =	vmul.f32 v48, v20  }
0x328: {  	v40 =	vmul.f32 v53, v17;
	v44 =	vadd.f32 v45, v44;
	v48 =	vadd.f32 v54, v62  }
0x329: {  	v42 =	vld.idx.msk [tilespmem:v42+s12+$0x0], $0xffff;
	v55 =	vmul.f32 v43, v43;
	v51 =	vpop (erf);
	v56 =	vmul.f32 v49, v19;
	v46 =	vadd.f32 v63, v47  }
0x32a: {  	v58 =	vmul.f32 v39, v39;
	v40 =	vadd.f32 v40, v44;
	v43 =	vmul.f32 v43, v16;
	v57 =	vpop (erf)  }
0x32b: {  	v47 =	vadd.f32 v57, v55;
	v59 =	vpop (erf);
	v60 =	vmul.f32 v48, v17;
	v45 =	vadd.f32 v56, v46  }
0x32c: {  	v39 =	vmul.f32 v39, v15;
	v62 =	vmul.f32 v41, v41;
	v40 =	vadd.f32 v43, v40;
	v61 =	vpop (erf)  }
0x32d: {  	v63 =	vmul.f32 v47, v16;
	v46 =	vadd.f32 v61, v58;
	v44 =	vadd.f32 v60, v45  }
0x32e: {  	v41 =	vmul.f32 v41, v13;
	v50 =	vmul.f32 v42, v42;
	v49 =	vadd.f32 v59, v62  }
0x32f: {  	v39 =	vadd.f32 v39, v40;
	v52 =	vmul.f32 v46, v15;
	v43 =	vadd.f32 v63, v44  }
0x330: {  	v42 =	vmul.f32 v42, v14;
	v53 =	vadd.f32 v51, v50  }
0x331: {  	v39 =	vadd.f32 v41, v39;
	v54 =	vmul.f32 v49, v13;
	v40 =	vadd.f32 v52, v43;
	_ =	sdelay $0x1  }
0x332: {  	v55 =	vmul.f32 v53, v14;
	v39 =	vadd.f32 v42, v39;
	v40 =	vadd.f32 v54, v40;
	_ =	sdelay $0x1  }
0x333: {  	v56 =	vmul.f32 v39, v39;
	v40 =	vadd.f32 v55, v40;
	_ =	sdelay $0x1  }
0x334: {  	v40 =	vsub.f32 v40, v56;
	_ =	sdelay $0x1  }
0x335: {  	v41 =	vmax.f32 v40, $9.999999970e-07  }
0x336: {  	v40 =	vand.u32 $0x7FFFFF, v41  }
0x337: {  	v40 =	vor.u32 $0x3F800000, v40  }
0x338: {  	v57 =	vmul.f32 $5.000000000e-01, v40  }
0x339: {  	vm0 =	vgt.f32 v40, $1.414213540e+00  }
0x33a: {  	v40 =	vsel vm0, v57, v40  }
0x33b: {  	v42 =	vadd.f32 $1.000000000e+00, v40;
	_ =	sdelay $0x1  }
0x33c: {  	(erf) = vrcp.f32 v42;
	_ =	sdelay $0x7  }
0x33d: {  	v40 =	vadd.f32 $-1.000000000e+00, v40  }
0x33e: {  	v42 =	vpop (erf)  }
0x33f: {  	v40 =	vmul.f32 v42, v40;
	_ =	sdelay $0x1  }
0x340: {  	v58 =	vmul.f32 v40, v40;
	_ =	sdelay $0x1  }
0x341: {  	v59 =	vmul.f32 $1.428571490e-01, v58;
	_ =	sdelay $0x1  }
0x342: {  	v42 =	vadd.f32 $2.000000030e-01, v59;
	_ =	sdelay $0x1  }
0x343: {  	v42 =	vmul.f32 v42, v58;
	_ =	sdelay $0x1  }
0x344: {  	v60 =	vadd.f32 $3.333333430e-01, v42  }
0x345: {  	s14 =	simm.s32 $0x1;
	v61 =	vor.u32 v38, v37;
	v62 =	vshra.s32 v41, $0x17  }
0x346: {  	v63 =	vsel vm0, $0xFFFFFF82, v12;
	v42 =	vadd.s32 s14, v2;
	v38 =	vmul.f32 v60, v58  }
0x347: {  	s2 =	simm.s32 $0x2;
	v41 =	vor.u32 v11, v61;
	v43 =	vadd.s32 v62, v63;
	v37 =	vand.u32 $0x78, v42  }
.LBB2_14:
0x348: {  	p0 =	sne.s32 s2, $0x7F;
	v40 =	vadd.f32 v40, v40;
	v44 =	vadd.f32 $1.000000000e+00, v38;
	v43 =	vcvt.s32.f32 v43  }
0x349: {  	v38 =	vand.u32 $0x7, v42;
	v42 =	vadd.s32 v37, v25  }
0x34a: {  	v42 =	vor.u32 v38, v42;
	v40 =	vmul.f32 v44, v40;
	v43 =	vmul.f32 $6.931471820e-01, v43  }
0x34b: {  	v44 =	vadd.s32 v37, v27  }
0x34c: {  	v45 =	vadd.s32 v37, v29;
	v44 =	vor.u32 v38, v44;
	v40 =	vadd.f32 v40, v43  }
0x34d: {  	v43 =	vor.u32 v38, v45;
	[tilespmem:v41+s23+$0x0] =	vst.idx.msk $0xffff, v39  }
0x34e: {  	v39 =	vadd.s32 v37, v33;
	[tilespmem:v41+s24+$0x0] =	vst.idx.msk $0xffff, v40  }
0x34f: {  	v39 =	vor.u32 v38, v39;
	v41 =	vadd.s32 v37, v32;
	v40 =	vld.idx.msk [tilespmem:v42+s12+$0x0], $0xffff  }
0x350: {  	v42 =	vadd.s32 v37, v34;
	v41 =	vor.u32 v38, v41  }
0x351: {  	v45 =	vadd.s32 v37, v35;
	v42 =	vor.u32 v38, v42;
	v44 =	vld.idx.msk [tilespmem:v44+s12+$0x0], $0xffff  }
0x352: {  	v46 =	vadd.s32 v37, v36;
	v45 =	vor.u32 v38, v45;
	v43 =	vld.idx.msk [tilespmem:v43+s12+$0x0], $0xffff  }
0x353: {  	v47 =	vadd.s32 v18, v37;
	v46 =	vor.u32 v38, v46  }
0x354: {  	v47 =	vor.u32 v38, v47;
	v39 =	vld.idx.msk [tilespmem:v39+s12+$0x0], $0xffff  }
0x355: {  	v48 =	vadd.s32 v37, v28;
	v40 =	vmul.f32 $1.442695020e+00, v40;
	v41 =	vld.idx.msk [tilespmem:v41+s12+$0x0], $0xffff  }
0x356: {  	v49 =	vadd.s32 v37, v30;
	v48 =	vor.u32 v38, v48;
	v42 =	vld.idx.msk [tilespmem:v42+s12+$0x0], $0xffff  }
0x357: {  	v49 =	vor.u32 v38, v49;
	v44 =	vmul.f32 $1.442695020e+00, v44;
	v45 =	vld.idx.msk [tilespmem:v45+s12+$0x0], $0xffff;
	(erf) = vpow2.f32 v40  }
0x358: {  	v40 =	vmul.f32 $1.442695020e+00, v43;
	v43 =	vadd.s32 v37, v31;
	v46 =	vld.idx.msk [tilespmem:v46+s12+$0x0], $0xffff  }
0x359: {  	v43 =	vor.u32 v38, v43;
	v47 =	vld.idx.msk [tilespmem:v47+s12+$0x0], $0xffff;
	(erf) = vpow2.f32 v44  }
0x35a: {  	v39 =	vmul.f32 $1.442695020e+00, v39;
	v44 =	vadd.s32 v37, v23;
	(erf) = vpow2.f32 v40  }
0x35b: {  	v44 =	vor.u32 v38, v44;
	v41 =	vmul.f32 $1.442695020e+00, v41;
	v40 =	vld.idx.msk [tilespmem:v48+s12+$0x0], $0xffff;
	v48 =	vadd.s32 v37, v26  }
0x35c: {  	v50 =	vadd.s32 v37, v24;
	v42 =	vmul.f32 $1.442695020e+00, v42;
	v49 =	vld.idx.msk [tilespmem:v49+s12+$0x0], $0xffff;
	(erf) = vpow2.f32 v39  }
0x35d: {  	v39 =	vor.u32 v38, v50;
	v45 =	vmul.f32 $1.442695020e+00, v45;
	(erf) = vpow2.f32 v41  }
0x35e: {  	v41 =	vld.idx.msk [tilespmem:v43+s12+$0x0], $0xffff;
	v43 =	vmul.f32 $1.442695020e+00, v46;
	v46 =	vadd.s32 v37, v22;
	(erf) = vpow2.f32 v42  }
0x35f: {  	v42 =	vmul.f32 v47, v47;
	v46 =	vor.u32 v38, v46;
	(erf) = vpow2.f32 v45  }
0x360: {  	v45 =	vor.u32 v38, v48;
	v44 =	vld.idx.msk [tilespmem:v44+s12+$0x0], $0xffff;
	v48 =	vpop (erf);
	(erf) = vpow2.f32 v43  }
0x361: {  	v43 =	vmul.f32 v47, v21;
	v47 =	vmul.f32 v40, v40;
	v42 =	vadd.f32 v48, v42  }
0x362: {  	v40 =	vmul.f32 v40, v20;
	v48 =	vmul.f32 v49, v49;
	v39 =	vld.idx.msk [tilespmem:v39+s12+$0x0], $0xffff;
	v50 =	vpop (erf)  }
0x363: {  	v43 =	vadd.f32 $0.0e+00, v43;
	v42 =	vmul.f32 v42, v21;
	v54 =	vadd.f32 v50, v47;
	v50 =	vpop (erf)  }
0x364: {  	v49 =	vmul.f32 v49, v19;
	v52 =	vadd.f32 v50, v48;
	v50 =	vmul.f32 v41, v41;
	v46 =	vld.idx.msk [tilespmem:v46+s12+$0x0], $0xffff  }
0x365: {  	v40 =	vadd.f32 v40, v43;
	v42 =	vadd.f32 $0.0e+00, v42;
	v43 =	vmul.f32 v54, v20;
	v47 =	vpop (erf)  }
0x366: {  	v41 =	vmul.f32 v41, v17;
	v53 =	vmul.f32 v44, v44;
	v47 =	vadd.f32 v47, v50;
	v45 =	vld.idx.msk [tilespmem:v45+s12+$0x0], $0xffff;
	v51 =	vpop (erf)  }
0x367: {  	v40 =	vadd.f32 v49, v40;
	v52 =	vmul.f32 v52, v19;
	v42 =	vadd.f32 v43, v42;
	v48 =	vpop (erf)  }
0x368: {  	v44 =	vmul.f32 v44, v16;
	v49 =	vmul.f32 v39, v39;
	v48 =	vadd.f32 v48, v53;
	v50 =	vpop (erf)  }
0x369: {  	v40 =	vadd.f32 v41, v40;
	v41 =	vmul.f32 v47, v17;
	v42 =	vadd.f32 v52, v42;
	v43 =	vpop (erf)  }
0x36a: {  	v39 =	vmul.f32 v39, v15;
	v47 =	vmul.f32 v46, v46;
	v43 =	vadd.f32 v43, v49  }
0x36b: {  	v40 =	vadd.f32 v44, v40;
	v41 =	vadd.f32 v41, v42;
	v42 =	vmul.f32 v48, v16  }
0x36c: {  	v44 =	vmul.f32 v46, v13;
	v46 =	vadd.f32 v50, v47;
	v47 =	vmul.f32 v45, v45  }
0x36d: {  	v39 =	vadd.f32 v39, v40;
	v40 =	vmul.f32 v43, v15;
	v41 =	vadd.f32 v42, v41  }
0x36e: {  	v42 =	vmul.f32 v45, v14;
	v43 =	vadd.f32 v51, v47  }
0x36f: {  	v39 =	vadd.f32 v44, v39;
	v40 =	vadd.f32 v40, v41;
	v41 =	vmul.f32 v46, v13;
	_ =	sdelay $0x1  }
0x370: {  	v39 =	vadd.f32 v42, v39;
	v40 =	vadd.f32 v41, v40;
	v41 =	vmul.f32 v43, v14;
	_ =	sdelay $0x1  }
0x371: {  	v40 =	vadd.f32 v41, v40;
	v41 =	vmul.f32 v39, v39;
	_ =	sdelay $0x1  }
0x372: {  	v40 =	vsub.f32 v40, v41;
	_ =	sdelay $0x1  }
0x373: {  	v41 =	vmax.f32 v40, $9.999999970e-07  }
0x374: {  	v40 =	vand.u32 $0x7FFFFF, v41  }
0x375: {  	v40 =	vor.u32 $0x3F800000, v40  }
0x376: {  	v42 =	vmul.f32 $5.000000000e-01, v40  }
0x377: {  	vm0 =	vgt.f32 v40, $1.414213540e+00  }
0x378: {  	v40 =	vsel vm0, v42, v40  }
0x379: {  	v42 =	vadd.f32 $1.000000000e+00, v40;
	_ =	sdelay $0x1  }
0x37a: {  	(erf) = vrcp.f32 v42;
	_ =	sdelay $0x7  }
0x37b: {  	v40 =	vadd.f32 $-1.000000000e+00, v40  }
0x37c: {  	v42 =	vpop (erf)  }
0x37d: {  	v40 =	vmul.f32 v42, v40;
	_ =	sdelay $0x1  }
0x37e: {  	v43 =	vmul.f32 v40, v40;
	_ =	sdelay $0x1  }
0x37f: {  	v42 =	vmul.f32 $1.428571490e-01, v43;
	_ =	sdelay $0x1  }
0x380: {  	v42 =	vadd.f32 $2.000000030e-01, v42;
	_ =	sdelay $0x1  }
0x381: {  	v42 =	vmul.f32 v42, v43  }
.Ltmp15:
0x382: {  	(pc) =	sbr.rel @p0 .LBB2_14-.Ltmp15, $4  }
0x383: {  	v44 =	vadd.f32 $3.333333430e-01, v42  }
0x384: {  	v45 =	vor.u32 v38, v37;
	v42 =	vadd.s32 s2, v2  }
0x385: {  	v46 =	vshra.s32 v41, $0x17;
	v47 =	vsel vm0, $0xFFFFFF82, v12;
	v38 =	vmul.f32 v44, v43  }
0x386: {  	v41 =	vor.u32 v11, v45;
	s2 =	sadd.s32 $0x1, s2;
	v37 =	vand.u32 $0x78, v42;
	v43 =	vadd.s32 v46, v47  }
0x387: {  	v40 =	vadd.f32 v40, v40;
	v44 =	vadd.f32 $1.000000000e+00, v38;
	v43 =	vcvt.s32.f32 v43  }
0x388: {  	v38 =	vand.u32 $0x7, v42;
	v25 =	vadd.s32 v37, v25  }
0x389: {  	v25 =	vor.u32 v38, v25;
	v40 =	vmul.f32 v44, v40;
	v49 =	vmul.f32 $6.931471820e-01, v43  }
0x38a: {  	v27 =	vadd.s32 v37, v27  }
0x38b: {  	v27 =	vor.u32 v38, v27;
	v40 =	vadd.f32 v40, v49  }
0x38c: {  	v29 =	vadd.s32 v37, v29;
	[tilespmem:v41+s23+$0x0] =	vst.idx.msk $0xffff, v39  }
0x38d: {  	v33 =	vadd.s32 v37, v33;
	v29 =	vor.u32 v38, v29;
	[tilespmem:v41+s24+$0x0] =	vst.idx.msk $0xffff, v40  }
0x38e: {  	v32 =	vadd.s32 v37, v32;
	v33 =	vor.u32 v38, v33;
	v25 =	vld.idx.msk [tilespmem:v25+s12+$0x0], $0xffff  }
0x38f: {  	v34 =	vadd.s32 v37, v34;
	v32 =	vor.u32 v38, v32  }
0x390: {  	v35 =	vadd.s32 v37, v35;
	v34 =	vor.u32 v38, v34;
	v27 =	vld.idx.msk [tilespmem:v27+s12+$0x0], $0xffff  }
0x391: {  	v36 =	vadd.s32 v37, v36;
	v35 =	vor.u32 v38, v35  }
0x392: {  	v18 =	vadd.s32 v18, v37;
	v36 =	vor.u32 v38, v36;
	v29 =	vld.idx.msk [tilespmem:v29+s12+$0x0], $0xffff  }
0x393: {  	v18 =	vor.u32 v38, v18;
	v33 =	vld.idx.msk [tilespmem:v33+s12+$0x0], $0xffff;
	v25 =	vmul.f32 $1.442695020e+00, v25  }
0x394: {  	v28 =	vadd.s32 v37, v28;
	v32 =	vld.idx.msk [tilespmem:v32+s12+$0x0], $0xffff  }
0x395: {  	v28 =	vor.u32 v38, v28;
	v34 =	vld.idx.msk [tilespmem:v34+s12+$0x0], $0xffff;
	v27 =	vmul.f32 $1.442695020e+00, v27;
	(erf) = vpow2.f32 v25  }
0x396: {  	v30 =	vadd.s32 v37, v30;
	v31 =	vadd.s32 v37, v31;
	v51 =	vld.idx.msk [tilespmem:v35+s12+$0x0], $0xffff  }
0x397: {  	v50 =	vor.u32 v38, v30;
	v52 =	vld.idx.msk [tilespmem:v36+s12+$0x0], $0xffff;
	v29 =	vmul.f32 $1.442695020e+00, v29;
	(erf) = vpow2.f32 v27  }
0x398: {  	v23 =	vadd.s32 v37, v23;
	v53 =	vor.u32 v38, v31;
	v18 =	vld.idx.msk [tilespmem:v18+s12+$0x0], $0xffff  }
0x399: {  	v24 =	vadd.s32 v37, v24;
	v54 =	vmul.f32 $1.442695020e+00, v33;
	(erf) = vpow2.f32 v29  }
0x39a: {  	v23 =	vor.u32 v38, v23;
	v28 =	vld.idx.msk [tilespmem:v28+s12+$0x0], $0xffff;
	v55 =	vmul.f32 $1.442695020e+00, v32;
	v56 =	vmul.f32 $1.442695020e+00, v34  }
0x39b: {  	v22 =	vadd.s32 v37, v22;
	v30 =	vmul.f32 $1.442695020e+00, v51;
	(erf) = vpow2.f32 v54  }
0x39c: {  	v24 =	vor.u32 v38, v24;
	v57 =	vmul.f32 $1.442695020e+00, v52;
	v25 =	vld.idx.msk [tilespmem:v50+s12+$0x0], $0xffff;
	(erf) = vpow2.f32 v55  }
0x39d: {  	v26 =	vadd.s32 v37, v26;
	v58 =	vmul.f32 v18, v18;
	v27 =	vld.idx.msk [tilespmem:v53+s12+$0x0], $0xffff;
	(erf) = vpow2.f32 v56  }
0x39e: {  	v22 =	vor.u32 v38, v22;
	v18 =	vmul.f32 v18, v21;
	(erf) = vpow2.f32 v30;
	v59 =	vpop (erf)  }
0x39f: {  	v23 =	vld.idx.msk [tilespmem:v23+s12+$0x0], $0xffff;
	v61 =	vmul.f32 v28, v28;
	(erf) = vpow2.f32 v57;
	v60 =	vadd.f32 v59, v58  }
0x3a0: {  	v26 =	vor.u32 v38, v26;
	v28 =	vmul.f32 v28, v20;
	v18 =	vadd.f32 $0.0e+00, v18;
	v63 =	vpop (erf)  }
0x3a1: {  	v24 =	vld.idx.msk [tilespmem:v24+s12+$0x0], $0xffff;
	v62 =	vmul.f32 v25, v25;
	v35 =	vadd.f32 v63, v61;
	v34 =	vmul.f32 v60, v21  }
0x3a2: {  	v18 =	vadd.f32 v28, v18;
	v25 =	vmul.f32 v25, v19;
	v39 =	vmul.f32 v27, v27;
	v36 =	vpop (erf)  }
0x3a3: {  	v22 =	vld.idx.msk [tilespmem:v22+s12+$0x0], $0xffff;
	v30 =	vadd.f32 v36, v62;
	v40 =	vmul.f32 v35, v20;
	v21 =	vadd.f32 $0.0e+00, v34  }
0x3a4: {  	v42 =	vmul.f32 v23, v23;
	v27 =	vmul.f32 v27, v17;
	v18 =	vadd.f32 v25, v18;
	v41 =	vpop (erf)  }
0x3a5: {  	v26 =	vld.idx.msk [tilespmem:v26+s12+$0x0], $0xffff;
	v28 =	vadd.f32 v41, v39;
	v43 =	vpop (erf);
	v44 =	vmul.f32 v30, v19;
	v20 =	vadd.f32 v40, v21  }
0x3a6: {  	v23 =	vmul.f32 v23, v16;
	v46 =	vmul.f32 v24, v24;
	v18 =	vadd.f32 v27, v18;
	v45 =	vpop (erf)  }
0x3a7: {  	v47 =	vpop (erf);
	v48 =	vmul.f32 v28, v17;
	v21 =	vadd.f32 v45, v42;
	v19 =	vadd.f32 v44, v20  }
0x3a8: {  	v24 =	vmul.f32 v24, v15;
	v50 =	vmul.f32 v22, v22;
	v18 =	vadd.f32 v23, v18;
	v49 =	vpop (erf)  }
0x3a9: {  	v51 =	vmul.f32 v21, v16;
	v20 =	vadd.f32 v49, v46;
	v17 =	vadd.f32 v48, v19  }
0x3aa: {  	v52 =	vmul.f32 v22, v13;
	v54 =	vmul.f32 v26, v26;
	v55 =	vadd.f32 v24, v18  }
0x3ab: {  	v53 =	vadd.f32 v47, v50;
	v15 =	vmul.f32 v20, v15;
	v16 =	vadd.f32 v51, v17  }
0x3ac: {  	v56 =	vmul.f32 v26, v14;
	v57 =	vadd.f32 v43, v54  }
0x3ad: {  	v58 =	vadd.f32 v52, v55;
	v13 =	vmul.f32 v53, v13;
	v15 =	vadd.f32 v15, v16;
	_ =	sdelay $0x1  }
0x3ae: {  	v14 =	vmul.f32 v57, v14;
	v13 =	vadd.f32 v13, v15;
	v15 =	vadd.f32 v56, v58;
	_ =	sdelay $0x1  }
0x3af: {  	v13 =	vadd.f32 v14, v13;
	v14 =	vmul.f32 v15, v15;
	_ =	sdelay $0x1  }
0x3b0: {  	v13 =	vsub.f32 v13, v14;
	_ =	sdelay $0x1  }
0x3b1: {  	v13 =	vmax.f32 v13, $9.999999970e-07  }
0x3b2: {  	v14 =	vand.u32 $0x7FFFFF, v13  }
0x3b3: {  	v14 =	vor.u32 $0x3F800000, v14  }
0x3b4: {  	v59 =	vmul.f32 $5.000000000e-01, v14  }
0x3b5: {  	vm0 =	vgt.f32 v14, $1.414213540e+00  }
0x3b6: {  	v14 =	vsel vm0, v59, v14  }
0x3b7: {  	v16 =	vadd.f32 $1.000000000e+00, v14;
	_ =	sdelay $0x1  }
0x3b8: {  	(erf) = vrcp.f32 v16;
	_ =	sdelay $0x7  }
0x3b9: {  	v14 =	vadd.f32 $-1.000000000e+00, v14  }
0x3ba: {  	v16 =	vpop (erf)  }
0x3bb: {  	v14 =	vmul.f32 v16, v14;
	_ =	sdelay $0x1  }
0x3bc: {  	v16 =	vmul.f32 v14, v14;
	_ =	sdelay $0x1  }
0x3bd: {  	v60 =	vmul.f32 $1.428571490e-01, v16;
	_ =	sdelay $0x1  }
0x3be: {  	v17 =	vadd.f32 $2.000000030e-01, v60;
	_ =	sdelay $0x1  }
0x3bf: {  	v17 =	vmul.f32 v17, v16;
	_ =	sdelay $0x1  }
0x3c0: {  	v17 =	vadd.f32 $3.333333430e-01, v17  }
0x3c1: {  	v61 =	vor.u32 v38, v37  }
0x3c2: {  	v13 =	vshra.s32 v13, $0x17;
	v62 =	vsel vm0, $0xFFFFFF82, v12;
	v16 =	vmul.f32 v17, v16  }
0x3c3: {  	v63 =	vor.u32 v11, v61;
	v13 =	vadd.s32 v13, v62  }
0x3c4: {  	v13 =	vcvt.s32.f32 v13;
	v14 =	vadd.f32 v14, v14;
	v16 =	vadd.f32 $1.000000000e+00, v16;
	_ =	sdelay $0x1  }
0x3c5: {  	v13 =	vmul.f32 $6.931471820e-01, v13;
	v14 =	vmul.f32 v16, v14;
	_ =	sdelay $0x1  }
0x3c6: {  	v13 =	vadd.f32 v14, v13  }
0x3c7: {  	[tilespmem:v63+s23+$0x0] =	vst.idx.msk $0xffff, v15  }
0x3c8: {  	[tilespmem:v63+s24+$0x0] =	vst.idx.msk $0xffff, v13  }
0x3c9: {  	v13 =	vld [tilespmem:s0+$0x14A10];
	_ =	sdelay $0x3  }
.Ltmp16:
0x3ca: {  	_ = 	snop;
	(pc) =	sbr.rel .LBB2_16-.Ltmp16, $4  }
0x3cb: {  	[tilespmem:$0x1FC50] =	vst v13  }
0x3cc: {  	[hbm4b:s1+s21] =	stream.indirect.scatter [tilespmem:s23], [sflag:$0x2], $0x80, s25, s21, $0xb8;
	[tilespmem:$0x1FC60] =	vst v63  }
0x3cd: {  	_ = 	snop  }
0x3ce: {  	[hbm4b:s3+s21] =	stream.indirect.scatter [tilespmem:s24], [sflag:$0x2], $0x80, s25, s21, $0xb8;
	[tilespmem:$0x1FC60] =	vst v63  }
.LBB2_24:
0x3cf: {  	_ =	sfence.sel $0x180000  }
0x3d0: {  	[bflag:$0x0] =	sbarrier.arrive $0xFFFF  }
0x3d1: {  	_ =	strace $0x90000047  }
0x3d2: {  	s0 =	stileid.u32;
	[bflag:$0x2] =	sbarrier.arrive $0xFFFF  }
0x3d3: {  	p0 =	sne.s32 s0, $0x0;
	s0 =	rddreg [dreg:$0x3]  }
0x3d4: {  	s0 =	sadd.s32 @!p0 $0x100000, s0  }
0x3d5: {  	[sflag:s0] =	ssyncadd.tile.s32 @!p0 $0x1;
	_ =	shalt  }
.Lfunc_end2:
_tile_overlayer_lowered:
.L_overlay_start_2:
0x3d6: {  	(tag) =	ssettag $0x2  }
0x3d7: {  	s0 =	rddreg [dreg:$0x0];
	s2 =	stileid.u32  }
0x3d8: {  	s1 =	rddreg [dreg:$0x1];
	p0 =	sne.s32 s2, $0x0  }
0x3d9: {  	s3 =	rddreg [dreg:$0x2];
	[bflag:$0x3] =	sbarrier.arrive $0xFFFF;
	s2 =	simm.s32 @!p0 $0x1C03  }
0x3da: {  	[timem:s3], [sflag:s2] =	dma.local @!p0 [hbm:s0], s1  }
0x3db: {  	s0 =	simm.s32 @!p0 $0x3  }
0x3dc: {  	_ =	swait.ge @!p0 [sflag:s0], s1  }
0x3dd: {  	s1 =	ssub.s32 @!p0 $0x0, s1;
	[sflag:s0] =	ssyncset.done @!p0 $0x0  }
0x3de: {  	[sflag:s0] =	ssyncadd.s32 @!p0 s1  }
0x3df: {  	[bflag:$0x3] =	sbarrier.arrive $0xFFFF  }
0x3e0: {  	_ =	shalt  }

</sc_bundles>
